<compile_context>
chip_gen: v7x
topology: tpu7x:2x2x1
jax: 0.10.2.dev20260603
libtpu: 0.0.44.dev20260713+nightly
codegen_flags: <defaults>
</compile_context>

<pallas_src>
import functools
import jax
import jax.numpy as jnp
from jax import lax
from jax.experimental import pallas as pl
from jax.experimental.pallas import tpu as pltpu
from jax.experimental.pallas import tpu_sc as plsc

D = 128
HID = 256
N = 10000
E = 320000
EPS = 1e-5
NC = 2
NS = 16
NW = NC * NS
EPW = E // NW
CH = 128
NFULL = EPW // CH
TAIL = EPW - NFULL * CH
N_PAD = 10240
RPT = N_PAD // NS
RW = 128
SQRT_HALF = 0.7071067811865476


def _sc_mesh():
    return plsc.VectorSubcoreMesh(
        core_axis_name="c", subcore_axis_name="s", num_cores=NC, num_subcores=NS
    )



def _p1_body(edges_hbm, dst_hbm, msg_hbm, ssq_hbm,
             ebuf, ibuf, etail, itail, zbuf, obuf, msg_acc):
    c = lax.axis_index("c")
    s = lax.axis_index("s")
    wid = s * NC + c
    zeros = jnp.zeros((16,), jnp.float32)

    def zrow(r, carry):
        for g in range(8):
            zbuf[r, pl.ds(16 * g, 16)] = zeros
        return carry
    lax.fori_loop(0, RW, zrow, 0)
    for k in range(RPT // RW):
        pltpu.sync_copy(zbuf, msg_acc.at[pl.ds(s * RPT + k * RW, RW)])
    plsc.subcore_barrier()

    base0 = wid * EPW

    def chunk(i, acc):
        b = base0 + i * CH
        pltpu.sync_copy(dst_hbm.at[pl.ds(b, CH)], ibuf)
        pltpu.sync_copy(edges_hbm.at[pl.ds(b, CH)], ebuf)
        pltpu.sync_copy(ebuf, msg_acc.at[ibuf], add=True)

        def row(r, a):
            vs = [ebuf[r, pl.ds(16 * g, 16)] for g in range(8)]
            return tuple(a[g] + vs[g] * vs[g] for g in range(8))
        return lax.fori_loop(0, CH, row, acc)

    acc = lax.fori_loop(0, NFULL, chunk, tuple(zeros for _ in range(8)))

    bt = base0 + NFULL * CH
    pltpu.sync_copy(dst_hbm.at[pl.ds(bt, TAIL)], itail)
    pltpu.sync_copy(edges_hbm.at[pl.ds(bt, TAIL)], etail)
    pltpu.sync_copy(etail, msg_acc.at[itail], add=True)

    def trow(r, a):
        vs = [etail[r, pl.ds(16 * g, 16)] for g in range(8)]
        return tuple(a[g] + vs[g] * vs[g] for g in range(8))
    acc = lax.fori_loop(0, TAIL, trow, acc)

    for g in range(8):
        obuf[pl.ds(16 * g, 16)] = acc[g]
    pltpu.sync_copy(obuf, ssq_hbm.at[pl.ds((c * NS + s) * D, D)])

    plsc.subcore_barrier()
    for k in range(RPT // RW):
        r0 = s * RPT + k * RW
        pltpu.sync_copy(msg_acc.at[pl.ds(r0, RW)], zbuf)
        pltpu.sync_copy(zbuf, msg_hbm.at[c, pl.ds(r0, RW)])


def _pass1(edges, dst):
    return pl.kernel(
        _p1_body,
        out_type=[
            jax.ShapeDtypeStruct((NC, N_PAD, D), jnp.float32),
            jax.ShapeDtypeStruct((NC * NS * D,), jnp.float32),
        ],
        mesh=_sc_mesh(),
        scratch_types=[
            pltpu.VMEM((CH, D), jnp.float32),
            pltpu.VMEM((CH,), jnp.int32),
            pltpu.VMEM((TAIL, D), jnp.float32),
            pltpu.VMEM((TAIL,), jnp.int32),
            pltpu.VMEM((RW, D), jnp.float32),
            pltpu.VMEM((D,), jnp.float32),
            pltpu.VMEM_SHARED((N_PAD, D), jnp.float32),
        ],
    )(edges, dst)



def _p2_body(nn_hbm, src_hbm, dst_hbm, g1_hbm, g2_hbm, st_hbm,
             g1v, g2v, g1t, g2t, isrc, idst, ist, idt, sbuf, nn_sp):
    c = lax.axis_index("c")
    s = lax.axis_index("s")
    wid = s * NC + c
    zeros = jnp.zeros((16,), jnp.float32)

    for k in range(RPT // RW):
        r0 = s * RPT + k * RW
        pltpu.sync_copy(nn_hbm.at[pl.ds(r0, RW)], g1v)
        pltpu.sync_copy(g1v, nn_sp.at[pl.ds(r0, RW)])
    plsc.subcore_barrier()

    for t in range(4):
        for g in range(8):
            sbuf[pl.ds(t * D + 16 * g, 16)] = zeros

    base0 = wid * EPW

    def accumulate(gv, rows, t):
        def row(r, a):
            vs = [gv[r, pl.ds(16 * g, 16)] for g in range(8)]
            return (tuple(a[g] + vs[g] for g in range(8))
                    + tuple(a[8 + g] + vs[g] * vs[g] for g in range(8)))
        a = lax.fori_loop(0, rows, row, tuple(zeros for _ in range(16)))
        for g in range(8):
            plsc.addupdate(sbuf.at[pl.ds(2 * t * D + 16 * g, 16)], a[g])
            plsc.addupdate(sbuf.at[pl.ds((2 * t + 1) * D + 16 * g, 16)], a[8 + g])

    def chunk(i, carry):
        b = base0 + i * CH
        pltpu.sync_copy(src_hbm.at[pl.ds(b, CH)], isrc)
        pltpu.sync_copy(dst_hbm.at[pl.ds(b, CH)], idst)
        pltpu.sync_copy(nn_sp.at[isrc], g1v)
        pltpu.sync_copy(nn_sp.at[idst], g2v)
        pltpu.sync_copy(g1v, g1_hbm.at[pl.ds(b, CH)])
        pltpu.sync_copy(g2v, g2_hbm.at[pl.ds(b, CH)])
        accumulate(g1v, CH, 0)
        accumulate(g2v, CH, 1)
        return carry
    lax.fori_loop(0, NFULL, chunk, 0)

    bt = base0 + NFULL * CH
    pltpu.sync_copy(src_hbm.at[pl.ds(bt, TAIL)], ist)
    pltpu.sync_copy(dst_hbm.at[pl.ds(bt, TAIL)], idt)
    pltpu.sync_copy(nn_sp.at[ist], g1t)
    pltpu.sync_copy(nn_sp.at[idt], g2t)
    pltpu.sync_copy(g1t, g1_hbm.at[pl.ds(bt, TAIL)])
    pltpu.sync_copy(g2t, g2_hbm.at[pl.ds(bt, TAIL)])
    accumulate(g1t, TAIL, 0)
    accumulate(g2t, TAIL, 1)

    pltpu.sync_copy(sbuf, st_hbm.at[pl.ds((c * NS + s) * 4 * D, 4 * D)])


def _pass2(nn, src, dst):
    return pl.kernel(
        _p2_body,
        out_type=[
            jax.ShapeDtypeStruct((E, D), jnp.float32),
            jax.ShapeDtypeStruct((E, D), jnp.float32),
            jax.ShapeDtypeStruct((NC * NS * 4 * D,), jnp.float32),
        ],
        mesh=_sc_mesh(),
        scratch_types=[
            pltpu.VMEM((CH, D), jnp.float32),
            pltpu.VMEM((CH, D), jnp.float32),
            pltpu.VMEM((TAIL, D), jnp.float32),
            pltpu.VMEM((TAIL, D), jnp.float32),
            pltpu.VMEM((CH,), jnp.int32),
            pltpu.VMEM((CH,), jnp.int32),
            pltpu.VMEM((TAIL,), jnp.int32),
            pltpu.VMEM((TAIL,), jnp.int32),
            pltpu.VMEM((4 * D,), jnp.float32),
            pltpu.VMEM_SHARED((N_PAD, D), jnp.float32),
        ],
    )(nn, src, dst)



def _gelu(x):
    return 0.5 * x * (1.0 + lax.erf(x * SQRT_HALF))


def _node_body(nodes_ref, m0_ref, m1_ref, w1a_ref, w1b_ref, b1_ref,
               w2_ref, b2_ref, ga_ref, gb_ref, ba_ref, bb_ref,
               nn_ref, cs_ref):
    nodes = nodes_ref[...]
    msg = m0_ref[...] + m1_ref[...]
    cs_ref[...] = jnp.sum(msg, axis=0, keepdims=True)

    mu1 = jnp.mean(nodes, axis=0, keepdims=True)
    v1 = jnp.mean(nodes * nodes, axis=0, keepdims=True) - mu1 * mu1
    mu2 = jnp.mean(msg, axis=0, keepdims=True)
    v2 = jnp.mean(msg * msg, axis=0, keepdims=True) - mu2 * mu2

    x1 = (nodes - mu1) / jnp.sqrt(v1 + EPS) * ga_ref[...] + ba_ref[...]
    x2 = (msg - mu2) / jnp.sqrt(v2 + EPS) * gb_ref[...] + bb_ref[...]

    h = (jnp.dot(x1, w1a_ref[...], preferred_element_type=jnp.float32)
         + jnp.dot(x2, w1b_ref[...], preferred_element_type=jnp.float32)
         + b1_ref[...])
    h = _gelu(h)
    nn_ref[...] = (jnp.dot(h, w2_ref[...], preferred_element_type=jnp.float32)
                   + b2_ref[...] + nodes)


def _node_update(nodes, msg0, msg1, W1, b1, W2, b2, gamma, beta):
    return pl.pallas_call(
        _node_body,
        out_shape=[
            jax.ShapeDtypeStruct((N, D), jnp.float32),
            jax.ShapeDtypeStruct((1, D), jnp.float32),
        ],
    )(nodes, msg0, msg1,
      W1[:D], W1[D:], b1.reshape(1, HID), W2, b2.reshape(1, D),
      gamma[:D].reshape(1, D), gamma[D:].reshape(1, D),
      beta[:D].reshape(1, D), beta[D:].reshape(1, D))



BLK = 1280
NBLK = E // BLK


def _edge_body(g1_ref, g2_ref, e_ref, st_ref, ssq_ref, cs_ref,
               ga_ref, be_ref, w1a_ref, w1b_ref, w1c_ref, b1_ref,
               w2_ref, b2_ref, out_ref):
    st = st_ref[...].reshape(NC * NS, 4 * D)
    stsum = jnp.sum(st, axis=0, keepdims=True)
    s1 = stsum[:, 0 * D:1 * D]
    q1 = stsum[:, 1 * D:2 * D]
    s2 = stsum[:, 2 * D:3 * D]
    q2 = stsum[:, 3 * D:4 * D]
    s3 = cs_ref[...]
    q3 = jnp.sum(ssq_ref[...].reshape(NC * NS, D), axis=0, keepdims=True)

    inv_e = 1.0 / E
    m1 = s1 * inv_e
    m2 = s2 * inv_e
    m3 = s3 * inv_e
    r1 = 1.0 / jnp.sqrt(q1 * inv_e - m1 * m1 + EPS)
    r2 = 1.0 / jnp.sqrt(q2 * inv_e - m2 * m2 + EPS)
    r3 = 1.0 / jnp.sqrt(q3 * inv_e - m3 * m3 + EPS)

    ga = ga_ref[...]
    be = be_ref[...]
    eb = e_ref[...]
    x1 = ((g1_ref[...] - m1) * r1 * ga[:, :D] + be[:, :D]).astype(jnp.bfloat16)
    x2 = ((g2_ref[...] - m2) * r2 * ga[:, D:2 * D] + be[:, D:2 * D]).astype(jnp.bfloat16)
    x3 = ((eb - m3) * r3 * ga[:, 2 * D:] + be[:, 2 * D:]).astype(jnp.bfloat16)

    h = (jnp.dot(x1, w1a_ref[...], preferred_element_type=jnp.float32)
         + jnp.dot(x2, w1b_ref[...], preferred_element_type=jnp.float32)
         + jnp.dot(x3, w1c_ref[...], preferred_element_type=jnp.float32)
         + b1_ref[...])
    h = _gelu(h).astype(jnp.bfloat16)
    out_ref[...] = (jnp.dot(h, w2_ref[...], preferred_element_type=jnp.float32)
                    + b2_ref[...] + eb)


def _edge_update(g1, g2, edges, st, ssq, cs, gamma, beta, W1, b1, W2, b2):
    blk = lambda: pl.BlockSpec((BLK, D), lambda i: (i, 0))
    full = lambda shape: pl.BlockSpec(shape, lambda i: tuple(0 for _ in shape))
    return pl.pallas_call(
        _edge_body,
        grid=(NBLK,),
        in_specs=[
            blk(), blk(), blk(),
            full((NC, NS, 4, D)), full((NC, NS, D)), full((1, D)),
            full((1, 3 * D)), full((1, 3 * D)),
            full((D, HID)), full((D, HID)), full((D, HID)), full((1, HID)),
            full((HID, D)), full((1, D)),
        ],
        out_specs=blk(),
        out_shape=jax.ShapeDtypeStruct((E, D), jnp.float32),
        compiler_params=pltpu.CompilerParams(
            dimension_semantics=("arbitrary",),
        ),
    )(g1, g2, edges, st, ssq, cs,
      gamma.reshape(1, 3 * D), beta.reshape(1, 3 * D),
      W1[:D].astype(jnp.bfloat16), W1[D:2 * D].astype(jnp.bfloat16),
      W1[2 * D:].astype(jnp.bfloat16), b1.reshape(1, HID),
      W2.astype(jnp.bfloat16), b2.reshape(1, D))



def kernel(nodes, edges, graph,
           node_W1, node_b1, node_W2, node_b2, node_gamma, node_beta,
           edge_W1, edge_b1, edge_W2, edge_b2, edge_gamma, edge_beta):
    src = graph[0]
    dst = graph[1]
    msg, ssq = _pass1(edges, dst)
    nn, cs = _node_update(nodes, msg[0, :N], msg[1, :N],
                          node_W1, node_b1, node_W2, node_b2,
                          node_gamma, node_beta)
    nn_pad = jnp.concatenate([nn, jnp.zeros((N_PAD - N, D), jnp.float32)])
    g1, g2, st = _pass2(nn_pad, src, dst)
    new_edges = _edge_update(g1, g2, edges,
                             st.reshape(NC, NS, 4, D), ssq.reshape(NC, NS, D),
                             cs, edge_gamma, edge_beta,
                             edge_W1, edge_b1, edge_W2, edge_b2)
    return (nn, new_edges)

# --- scband reference (transcript-rebuilt; emitter-appended) ---
"""Pipeline reference for scband-interaction-gnncell-23974507446588 (READ-ONLY COPY).

The authoritative reference and input builder live on the scoring server;
editing this copy changes nothing except your own understanding.
"""

import jax, jax.numpy as jnp
import numpy as np

D_MODEL = 128
D_HIDDEN = 256
N_NODES = 10000
N_EDGES = 320000
EPS = 1e-5


def _batchnorm(x, gamma, beta):
    # BatchNorm1d with track_running_stats=False: always uses batch stats (biased var)
    mean = jnp.mean(x, axis=0)
    var = jnp.var(x, axis=0)
    return (x - mean) / jnp.sqrt(var + EPS) * gamma + beta


def _mlp(x, W1, b1, W2, b2):
    # make_mlp(in, [d_hidden, d_model], hidden_activation='GELU', output_activation=None)
    h = x @ W1 + b1
    h = jax.nn.gelu(h, approximate=False)
    return h @ W2 + b2


def setup_inputs(seed: int = 0) -> dict:
    key = jax.random.key(seed)
    ks = jax.random.split(key, 16)
    nodes = jax.random.normal(ks[0], (N_NODES, D_MODEL), dtype=jnp.float32)
    edges = jax.random.normal(ks[1], (N_EDGES, D_MODEL), dtype=jnp.float32)
    graph = jax.random.randint(ks[2], (2, N_EDGES), 0, N_NODES, dtype=jnp.int64 if jax.config.jax_enable_x64 else jnp.int32).astype(jnp.int32)
    # node network: input 2*d_model -> d_hidden -> d_model
    node_W1 = jax.random.normal(ks[3], (2 * D_MODEL, D_HIDDEN), dtype=jnp.float32) / np.sqrt(2 * D_MODEL)
    node_b1 = jnp.zeros((D_HIDDEN,), dtype=jnp.float32)
    node_W2 = jax.random.normal(ks[4], (D_HIDDEN, D_MODEL), dtype=jnp.float32) / np.sqrt(D_HIDDEN)
    node_b2 = jnp.zeros((D_MODEL,), dtype=jnp.float32)
    node_gamma = jnp.ones((2 * D_MODEL,), dtype=jnp.float32)
    node_beta = jnp.zeros((2 * D_MODEL,), dtype=jnp.float32)
    # edge network: input 3*d_model -> d_hidden -> d_model
    edge_W1 = jax.random.normal(ks[5], (3 * D_MODEL, D_HIDDEN), dtype=jnp.float32) / np.sqrt(3 * D_MODEL)
    edge_b1 = jnp.zeros((D_HIDDEN,), dtype=jnp.float32)
    edge_W2 = jax.random.normal(ks[6], (D_HIDDEN, D_MODEL), dtype=jnp.float32) / np.sqrt(D_HIDDEN)
    edge_b2 = jnp.zeros((D_MODEL,), dtype=jnp.float32)
    edge_gamma = jnp.ones((3 * D_MODEL,), dtype=jnp.float32)
    edge_beta = jnp.zeros((3 * D_MODEL,), dtype=jnp.float32)
    return {
        "nodes": nodes, "edges": edges, "graph": graph,
        "node_W1": node_W1, "node_b1": node_b1, "node_W2": node_W2, "node_b2": node_b2,
        "node_gamma": node_gamma, "node_beta": node_beta,
        "edge_W1": edge_W1, "edge_b1": edge_b1, "edge_W2": edge_W2, "edge_b2": edge_b2,
        "edge_gamma": edge_gamma, "edge_beta": edge_beta,
    }


def reference(nodes, edges, graph,
              node_W1, node_b1, node_W2, node_b2, node_gamma, node_beta,
              edge_W1, edge_b1, edge_W2, edge_b2, edge_gamma, edge_beta):
    src = graph[0]
    dst = graph[1]
    # node update
    edge_messages = jax.ops.segment_sum(edges, dst, num_segments=nodes.shape[0])
    node_input = jnp.concatenate([nodes, edge_messages], axis=-1)
    node_input = _batchnorm(node_input, node_gamma, node_beta)
    nodes = _mlp(node_input, node_W1, node_b1, node_W2, node_b2) + nodes
    # edge update
    edge_input = jnp.concatenate([nodes[src], nodes[dst], edges], axis=-1)
    edge_input = _batchnorm(edge_input, edge_gamma, edge_beta)
    edges = _mlp(edge_input, edge_W1, edge_b1, edge_W2, edge_b2) + edges
    return (nodes, edges)

if __name__ == "__main__":
    import jax
    _d = setup_inputs()
    print(jax.jit(kernel)(*tuple(_d.values())))

</pallas_src>

<mosaic_0001>
#map = affine_map<(d0, d1) -> (0, 0)>
#map1 = affine_map<(d0, d1) -> (0)>
module attributes {stable_mosaic.version = 14 : i64} {
  func.func @_p2_body(%arg0: i32, %arg1: i32, %arg2: memref<10240x128xf32, #tpu.memory_space<hbm>>, %arg3: memref<320000xi32, #tpu.memory_space<hbm>>, %arg4: memref<320000xi32, #tpu.memory_space<hbm>>, %arg5: memref<320000x128xf32, #tpu.memory_space<hbm>>, %arg6: memref<320000x128xf32, #tpu.memory_space<hbm>>, %arg7: memref<16384xf32, #tpu.memory_space<hbm>>, %arg8: memref<128x128xf32, #tpu.memory_space<vmem>>, %arg9: memref<128x128xf32, #tpu.memory_space<vmem>>, %arg10: memref<16x128xf32, #tpu.memory_space<vmem>>, %arg11: memref<16x128xf32, #tpu.memory_space<vmem>>, %arg12: memref<128xi32, #tpu.memory_space<vmem>>, %arg13: memref<128xi32, #tpu.memory_space<vmem>>, %arg14: memref<16xi32, #tpu.memory_space<vmem>>, %arg15: memref<16xi32, #tpu.memory_space<vmem>>, %arg16: memref<512xf32, #tpu.memory_space<vmem>>, %arg17: memref<10240x128xf32, #tpu.memory_space<vmem_shared>>) attributes {dimension_semantics = [#tpu.dimension_semantics<core_parallel>, #tpu.dimension_semantics<subcore_parallel>], iteration_bounds = array<i64: 2, 16>, scalar_prefetch = 0 : i64, scratch_operands = 10 : i64, tpu.core_type = #tpu.core_type<sc_vector_subcore>, window_params = [{transform_indices = #map}, {transform_indices = #map1}, {transform_indices = #map1}, {transform_indices = #map}, {transform_indices = #map}, {transform_indices = #map1}]} {
    %mul3A = arith.constant 2 : i32
    %mul3A_0 = arith.muli %arg1, %mul3A : i32
    %add3A = arith.addi %mul3A_0, %arg0 : i32
    %broadcast_in_dim3A = arith.constant 0.000000e+00 : f32
    %broadcast_in_dim3A_1 = vector.broadcast %broadcast_in_dim3A : f32 to vector<16xf32>
    %mul3A_2 = arith.constant 640 : i32
    %mul3A_3 = arith.muli %arg1, %mul3A_2 : i32
    %add3A_4 = arith.constant 0 : i32
    %add3A_5 = arith.addi %mul3A_3, %add3A_4 : i32
    "tpu.region"() ({
      %run_scoped3A = tpu.sem_alloc : memref<!tpu.dma_semaphore, #tpu.memory_space<semaphore_mem>>
      %dma_start3A = arith.constant 0 : i32
      %dma_start3A_305 = tpu.memref_slice %arg2[%add3A_5, %dma_start3A] : memref<10240x128xf32, #tpu.memory_space<hbm>> -> memref<128x128xf32, #tpu.memory_space<hbm>>
      %dma_start3A_306 = arith.constant 0 : i32
      %dma_start3A_307 = tpu.memref_slice %arg2[%add3A_5, %dma_start3A_306] : memref<10240x128xf32, #tpu.memory_space<hbm>> -> memref<128x128xf32, #tpu.memory_space<hbm>>
      tpu.enqueue_dma source(%dma_start3A_307 : memref<128x128xf32, #tpu.memory_space<hbm>>) target(%arg8 : memref<128x128xf32, #tpu.memory_space<vmem>>) target_semaphore(%run_scoped3A : memref<!tpu.dma_semaphore, #tpu.memory_space<semaphore_mem>>)
      %dma_wait3A = arith.constant 0 : i32
      %dma_wait3A_308 = tpu.memref_slice %arg2[%add3A_5, %dma_wait3A] : memref<10240x128xf32, #tpu.memory_space<hbm>> -> memref<128x128xf32, #tpu.memory_space<hbm>>
      %dma_wait3A_309 = arith.constant 0 : i32
      %dma_wait3A_310 = tpu.memref_slice %arg2[%add3A_5, %dma_wait3A_309] : memref<10240x128xf32, #tpu.memory_space<hbm>> -> memref<128x128xf32, #tpu.memory_space<hbm>>
      tpu.wait_dma2 semaphore(%run_scoped3A : memref<!tpu.dma_semaphore, #tpu.memory_space<semaphore_mem>>) src(%dma_wait3A_310 : memref<128x128xf32, #tpu.memory_space<hbm>>) dst(%arg8 : memref<128x128xf32, #tpu.memory_space<vmem>>)
      tpu.yield
    }) : () -> ()
    "tpu.region"() ({
      %run_scoped3A = tpu.sem_alloc : memref<!tpu.dma_semaphore, #tpu.memory_space<semaphore_mem>>
      %dma_start3A = arith.constant 0 : i32
      %dma_start3A_305 = tpu.memref_slice %arg17[%add3A_5, %dma_start3A] : memref<10240x128xf32, #tpu.memory_space<vmem_shared>> -> memref<128x128xf32, #tpu.memory_space<vmem_shared>>
      %dma_start3A_306 = arith.constant 0 : i32
      %dma_start3A_307 = tpu.memref_slice %arg17[%add3A_5, %dma_start3A_306] : memref<10240x128xf32, #tpu.memory_space<vmem_shared>> -> memref<128x128xf32, #tpu.memory_space<vmem_shared>>
      tpu.enqueue_dma source(%arg8 : memref<128x128xf32, #tpu.memory_space<vmem>>) target(%dma_start3A_307 : memref<128x128xf32, #tpu.memory_space<vmem_shared>>) target_semaphore(%run_scoped3A : memref<!tpu.dma_semaphore, #tpu.memory_space<semaphore_mem>>)
      %dma_wait3A = arith.constant 0 : i32
      %dma_wait3A_308 = tpu.memref_slice %arg17[%add3A_5, %dma_wait3A] : memref<10240x128xf32, #tpu.memory_space<vmem_shared>> -> memref<128x128xf32, #tpu.memory_space<vmem_shared>>
      %dma_wait3A_309 = arith.constant 0 : i32
      %dma_wait3A_310 = tpu.memref_slice %arg17[%add3A_5, %dma_wait3A_309] : memref<10240x128xf32, #tpu.memory_space<vmem_shared>> -> memref<128x128xf32, #tpu.memory_space<vmem_shared>>
      tpu.wait_dma2 semaphore(%run_scoped3A : memref<!tpu.dma_semaphore, #tpu.memory_space<semaphore_mem>>) src(%arg8 : memref<128x128xf32, #tpu.memory_space<vmem>>) dst(%dma_wait3A_310 : memref<128x128xf32, #tpu.memory_space<vmem_shared>>)
      tpu.yield
    }) : () -> ()
    %mul3A_6 = arith.constant 640 : i32
    %mul3A_7 = arith.muli %arg1, %mul3A_6 : i32
    %add3A_8 = arith.constant 128 : i32
    %add3A_9 = arith.addi %mul3A_7, %add3A_8 : i32
    "tpu.region"() ({
      %run_scoped3A = tpu.sem_alloc : memref<!tpu.dma_semaphore, #tpu.memory_space<semaphore_mem>>
      %dma_start3A = arith.constant 0 : i32
      %dma_start3A_305 = tpu.memref_slice %arg2[%add3A_9, %dma_start3A] : memref<10240x128xf32, #tpu.memory_space<hbm>> -> memref<128x128xf32, #tpu.memory_space<hbm>>
      %dma_start3A_306 = arith.constant 0 : i32
      %dma_start3A_307 = tpu.memref_slice %arg2[%add3A_9, %dma_start3A_306] : memref<10240x128xf32, #tpu.memory_space<hbm>> -> memref<128x128xf32, #tpu.memory_space<hbm>>
      tpu.enqueue_dma source(%dma_start3A_307 : memref<128x128xf32, #tpu.memory_space<hbm>>) target(%arg8 : memref<128x128xf32, #tpu.memory_space<vmem>>) target_semaphore(%run_scoped3A : memref<!tpu.dma_semaphore, #tpu.memory_space<semaphore_mem>>)
      %dma_wait3A = arith.constant 0 : i32
      %dma_wait3A_308 = tpu.memref_slice %arg2[%add3A_9, %dma_wait3A] : memref<10240x128xf32, #tpu.memory_space<hbm>> -> memref<128x128xf32, #tpu.memory_space<hbm>>
      %dma_wait3A_309 = arith.constant 0 : i32
      %dma_wait3A_310 = tpu.memref_slice %arg2[%add3A_9, %dma_wait3A_309] : memref<10240x128xf32, #tpu.memory_space<hbm>> -> memref<128x128xf32, #tpu.memory_space<hbm>>
      tpu.wait_dma2 semaphore(%run_scoped3A : memref<!tpu.dma_semaphore, #tpu.memory_space<semaphore_mem>>) src(%dma_wait3A_310 : memref<128x128xf32, #tpu.memory_space<hbm>>) dst(%arg8 : memref<128x128xf32, #tpu.memory_space<vmem>>)
      tpu.yield
    }) : () -> ()
    "tpu.region"() ({
      %run_scoped3A = tpu.sem_alloc : memref<!tpu.dma_semaphore, #tpu.memory_space<semaphore_mem>>
      %dma_start3A = arith.constant 0 : i32
      %dma_start3A_305 = tpu.memref_slice %arg17[%add3A_9, %dma_start3A] : memref<10240x128xf32, #tpu.memory_space<vmem_shared>> -> memref<128x128xf32, #tpu.memory_space<vmem_shared>>
      %dma_start3A_306 = arith.constant 0 : i32
      %dma_start3A_307 = tpu.memref_slice %arg17[%add3A_9, %dma_start3A_306] : memref<10240x128xf32, #tpu.memory_space<vmem_shared>> -> memref<128x128xf32, #tpu.memory_space<vmem_shared>>
      tpu.enqueue_dma source(%arg8 : memref<128x128xf32, #tpu.memory_space<vmem>>) target(%dma_start3A_307 : memref<128x128xf32, #tpu.memory_space<vmem_shared>>) target_semaphore(%run_scoped3A : memref<!tpu.dma_semaphore, #tpu.memory_space<semaphore_mem>>)
      %dma_wait3A = arith.constant 0 : i32
      %dma_wait3A_308 = tpu.memref_slice %arg17[%add3A_9, %dma_wait3A] : memref<10240x128xf32, #tpu.memory_space<vmem_shared>> -> memref<128x128xf32, #tpu.memory_space<vmem_shared>>
      %dma_wait3A_309 = arith.constant 0 : i32
      %dma_wait3A_310 = tpu.memref_slice %arg17[%add3A_9, %dma_wait3A_309] : memref<10240x128xf32, #tpu.memory_space<vmem_shared>> -> memref<128x128xf32, #tpu.memory_space<vmem_shared>>
      tpu.wait_dma2 semaphore(%run_scoped3A : memref<!tpu.dma_semaphore, #tpu.memory_space<semaphore_mem>>) src(%arg8 : memref<128x128xf32, #tpu.memory_space<vmem>>) dst(%dma_wait3A_310 : memref<128x128xf32, #tpu.memory_space<vmem_shared>>)
      tpu.yield
    }) : () -> ()
    %mul3A_10 = arith.constant 640 : i32
    %mul3A_11 = arith.muli %arg1, %mul3A_10 : i32
    %add3A_12 = arith.constant 256 : i32
    %add3A_13 = arith.addi %mul3A_11, %add3A_12 : i32
    "tpu.region"() ({
      %run_scoped3A = tpu.sem_alloc : memref<!tpu.dma_semaphore, #tpu.memory_space<semaphore_mem>>
      %dma_start3A = arith.constant 0 : i32
      %dma_start3A_305 = tpu.memref_slice %arg2[%add3A_13, %dma_start3A] : memref<10240x128xf32, #tpu.memory_space<hbm>> -> memref<128x128xf32, #tpu.memory_space<hbm>>
      %dma_start3A_306 = arith.constant 0 : i32
      %dma_start3A_307 = tpu.memref_slice %arg2[%add3A_13, %dma_start3A_306] : memref<10240x128xf32, #tpu.memory_space<hbm>> -> memref<128x128xf32, #tpu.memory_space<hbm>>
      tpu.enqueue_dma source(%dma_start3A_307 : memref<128x128xf32, #tpu.memory_space<hbm>>) target(%arg8 : memref<128x128xf32, #tpu.memory_space<vmem>>) target_semaphore(%run_scoped3A : memref<!tpu.dma_semaphore, #tpu.memory_space<semaphore_mem>>)
      %dma_wait3A = arith.constant 0 : i32
      %dma_wait3A_308 = tpu.memref_slice %arg2[%add3A_13, %dma_wait3A] : memref<10240x128xf32, #tpu.memory_space<hbm>> -> memref<128x128xf32, #tpu.memory_space<hbm>>
      %dma_wait3A_309 = arith.constant 0 : i32
      %dma_wait3A_310 = tpu.memref_slice %arg2[%add3A_13, %dma_wait3A_309] : memref<10240x128xf32, #tpu.memory_space<hbm>> -> memref<128x128xf32, #tpu.memory_space<hbm>>
      tpu.wait_dma2 semaphore(%run_scoped3A : memref<!tpu.dma_semaphore, #tpu.memory_space<semaphore_mem>>) src(%dma_wait3A_310 : memref<128x128xf32, #tpu.memory_space<hbm>>) dst(%arg8 : memref<128x128xf32, #tpu.memory_space<vmem>>)
      tpu.yield
    }) : () -> ()
    "tpu.region"() ({
      %run_scoped3A = tpu.sem_alloc : memref<!tpu.dma_semaphore, #tpu.memory_space<semaphore_mem>>
      %dma_start3A = arith.constant 0 : i32
      %dma_start3A_305 = tpu.memref_slice %arg17[%add3A_13, %dma_start3A] : memref<10240x128xf32, #tpu.memory_space<vmem_shared>> -> memref<128x128xf32, #tpu.memory_space<vmem_shared>>
      %dma_start3A_306 = arith.constant 0 : i32
      %dma_start3A_307 = tpu.memref_slice %arg17[%add3A_13, %dma_start3A_306] : memref<10240x128xf32, #tpu.memory_space<vmem_shared>> -> memref<128x128xf32, #tpu.memory_space<vmem_shared>>
      tpu.enqueue_dma source(%arg8 : memref<128x128xf32, #tpu.memory_space<vmem>>) target(%dma_start3A_307 : memref<128x128xf32, #tpu.memory_space<vmem_shared>>) target_semaphore(%run_scoped3A : memref<!tpu.dma_semaphore, #tpu.memory_space<semaphore_mem>>)
      %dma_wait3A = arith.constant 0 : i32
      %dma_wait3A_308 = tpu.memref_slice %arg17[%add3A_13, %dma_wait3A] : memref<10240x128xf32, #tpu.memory_space<vmem_shared>> -> memref<128x128xf32, #tpu.memory_space<vmem_shared>>
      %dma_wait3A_309 = arith.constant 0 : i32
      %dma_wait3A_310 = tpu.memref_slice %arg17[%add3A_13, %dma_wait3A_309] : memref<10240x128xf32, #tpu.memory_space<vmem_shared>> -> memref<128x128xf32, #tpu.memory_space<vmem_shared>>
      tpu.wait_dma2 semaphore(%run_scoped3A : memref<!tpu.dma_semaphore, #tpu.memory_space<semaphore_mem>>) src(%arg8 : memref<128x128xf32, #tpu.memory_space<vmem>>) dst(%dma_wait3A_310 : memref<128x128xf32, #tpu.memory_space<vmem_shared>>)
      tpu.yield
    }) : () -> ()
    %mul3A_14 = arith.constant 640 : i32
    %mul3A_15 = arith.muli %arg1, %mul3A_14 : i32
    %add3A_16 = arith.constant 384 : i32
    %add3A_17 = arith.addi %mul3A_15, %add3A_16 : i32
    "tpu.region"() ({
      %run_scoped3A = tpu.sem_alloc : memref<!tpu.dma_semaphore, #tpu.memory_space<semaphore_mem>>
      %dma_start3A = arith.constant 0 : i32
      %dma_start3A_305 = tpu.memref_slice %arg2[%add3A_17, %dma_start3A] : memref<10240x128xf32, #tpu.memory_space<hbm>> -> memref<128x128xf32, #tpu.memory_space<hbm>>
      %dma_start3A_306 = arith.constant 0 : i32
      %dma_start3A_307 = tpu.memref_slice %arg2[%add3A_17, %dma_start3A_306] : memref<10240x128xf32, #tpu.memory_space<hbm>> -> memref<128x128xf32, #tpu.memory_space<hbm>>
      tpu.enqueue_dma source(%dma_start3A_307 : memref<128x128xf32, #tpu.memory_space<hbm>>) target(%arg8 : memref<128x128xf32, #tpu.memory_space<vmem>>) target_semaphore(%run_scoped3A : memref<!tpu.dma_semaphore, #tpu.memory_space<semaphore_mem>>)
      %dma_wait3A = arith.constant 0 : i32
      %dma_wait3A_308 = tpu.memref_slice %arg2[%add3A_17, %dma_wait3A] : memref<10240x128xf32, #tpu.memory_space<hbm>> -> memref<128x128xf32, #tpu.memory_space<hbm>>
      %dma_wait3A_309 = arith.constant 0 : i32
      %dma_wait3A_310 = tpu.memref_slice %arg2[%add3A_17, %dma_wait3A_309] : memref<10240x128xf32, #tpu.memory_space<hbm>> -> memref<128x128xf32, #tpu.memory_space<hbm>>
      tpu.wait_dma2 semaphore(%run_scoped3A : memref<!tpu.dma_semaphore, #tpu.memory_space<semaphore_mem>>) src(%dma_wait3A_310 : memref<128x128xf32, #tpu.memory_space<hbm>>) dst(%arg8 : memref<128x128xf32, #tpu.memory_space<vmem>>)
      tpu.yield
    }) : () -> ()
    "tpu.region"() ({
      %run_scoped3A = tpu.sem_alloc : memref<!tpu.dma_semaphore, #tpu.memory_space<semaphore_mem>>
      %dma_start3A = arith.constant 0 : i32
      %dma_start3A_305 = tpu.memref_slice %arg17[%add3A_17, %dma_start3A] : memref<10240x128xf32, #tpu.memory_space<vmem_shared>> -> memref<128x128xf32, #tpu.memory_space<vmem_shared>>
      %dma_start3A_306 = arith.constant 0 : i32
      %dma_start3A_307 = tpu.memref_slice %arg17[%add3A_17, %dma_start3A_306] : memref<10240x128xf32, #tpu.memory_space<vmem_shared>> -> memref<128x128xf32, #tpu.memory_space<vmem_shared>>
      tpu.enqueue_dma source(%arg8 : memref<128x128xf32, #tpu.memory_space<vmem>>) target(%dma_start3A_307 : memref<128x128xf32, #tpu.memory_space<vmem_shared>>) target_semaphore(%run_scoped3A : memref<!tpu.dma_semaphore, #tpu.memory_space<semaphore_mem>>)
      %dma_wait3A = arith.constant 0 : i32
      %dma_wait3A_308 = tpu.memref_slice %arg17[%add3A_17, %dma_wait3A] : memref<10240x128xf32, #tpu.memory_space<vmem_shared>> -> memref<128x128xf32, #tpu.memory_space<vmem_shared>>
      %dma_wait3A_309 = arith.constant 0 : i32
      %dma_wait3A_310 = tpu.memref_slice %arg17[%add3A_17, %dma_wait3A_309] : memref<10240x128xf32, #tpu.memory_space<vmem_shared>> -> memref<128x128xf32, #tpu.memory_space<vmem_shared>>
      tpu.wait_dma2 semaphore(%run_scoped3A : memref<!tpu.dma_semaphore, #tpu.memory_space<semaphore_mem>>) src(%arg8 : memref<128x128xf32, #tpu.memory_space<vmem>>) dst(%dma_wait3A_310 : memref<128x128xf32, #tpu.memory_space<vmem_shared>>)
      tpu.yield
    }) : () -> ()
    %mul3A_18 = arith.constant 640 : i32
    %mul3A_19 = arith.muli %arg1, %mul3A_18 : i32
    %add3A_20 = arith.constant 512 : i32
    %add3A_21 = arith.addi %mul3A_19, %add3A_20 : i32
    "tpu.region"() ({
      %run_scoped3A = tpu.sem_alloc : memref<!tpu.dma_semaphore, #tpu.memory_space<semaphore_mem>>
      %dma_start3A = arith.constant 0 : i32
      %dma_start3A_305 = tpu.memref_slice %arg2[%add3A_21, %dma_start3A] : memref<10240x128xf32, #tpu.memory_space<hbm>> -> memref<128x128xf32, #tpu.memory_space<hbm>>
      %dma_start3A_306 = arith.constant 0 : i32
      %dma_start3A_307 = tpu.memref_slice %arg2[%add3A_21, %dma_start3A_306] : memref<10240x128xf32, #tpu.memory_space<hbm>> -> memref<128x128xf32, #tpu.memory_space<hbm>>
      tpu.enqueue_dma source(%dma_start3A_307 : memref<128x128xf32, #tpu.memory_space<hbm>>) target(%arg8 : memref<128x128xf32, #tpu.memory_space<vmem>>) target_semaphore(%run_scoped3A : memref<!tpu.dma_semaphore, #tpu.memory_space<semaphore_mem>>)
      %dma_wait3A = arith.constant 0 : i32
      %dma_wait3A_308 = tpu.memref_slice %arg2[%add3A_21, %dma_wait3A] : memref<10240x128xf32, #tpu.memory_space<hbm>> -> memref<128x128xf32, #tpu.memory_space<hbm>>
      %dma_wait3A_309 = arith.constant 0 : i32
      %dma_wait3A_310 = tpu.memref_slice %arg2[%add3A_21, %dma_wait3A_309] : memref<10240x128xf32, #tpu.memory_space<hbm>> -> memref<128x128xf32, #tpu.memory_space<hbm>>
      tpu.wait_dma2 semaphore(%run_scoped3A : memref<!tpu.dma_semaphore, #tpu.memory_space<semaphore_mem>>) src(%dma_wait3A_310 : memref<128x128xf32, #tpu.memory_space<hbm>>) dst(%arg8 : memref<128x128xf32, #tpu.memory_space<vmem>>)
      tpu.yield
    }) : () -> ()
    "tpu.region"() ({
      %run_scoped3A = tpu.sem_alloc : memref<!tpu.dma_semaphore, #tpu.memory_space<semaphore_mem>>
      %dma_start3A = arith.constant 0 : i32
      %dma_start3A_305 = tpu.memref_slice %arg17[%add3A_21, %dma_start3A] : memref<10240x128xf32, #tpu.memory_space<vmem_shared>> -> memref<128x128xf32, #tpu.memory_space<vmem_shared>>
      %dma_start3A_306 = arith.constant 0 : i32
      %dma_start3A_307 = tpu.memref_slice %arg17[%add3A_21, %dma_start3A_306] : memref<10240x128xf32, #tpu.memory_space<vmem_shared>> -> memref<128x128xf32, #tpu.memory_space<vmem_shared>>
      tpu.enqueue_dma source(%arg8 : memref<128x128xf32, #tpu.memory_space<vmem>>) target(%dma_start3A_307 : memref<128x128xf32, #tpu.memory_space<vmem_shared>>) target_semaphore(%run_scoped3A : memref<!tpu.dma_semaphore, #tpu.memory_space<semaphore_mem>>)
      %dma_wait3A = arith.constant 0 : i32
      %dma_wait3A_308 = tpu.memref_slice %arg17[%add3A_21, %dma_wait3A] : memref<10240x128xf32, #tpu.memory_space<vmem_shared>> -> memref<128x128xf32, #tpu.memory_space<vmem_shared>>
      %dma_wait3A_309 = arith.constant 0 : i32
      %dma_wait3A_310 = tpu.memref_slice %arg17[%add3A_21, %dma_wait3A_309] : memref<10240x128xf32, #tpu.memory_space<vmem_shared>> -> memref<128x128xf32, #tpu.memory_space<vmem_shared>>
      tpu.wait_dma2 semaphore(%run_scoped3A : memref<!tpu.dma_semaphore, #tpu.memory_space<semaphore_mem>>) src(%arg8 : memref<128x128xf32, #tpu.memory_space<vmem>>) dst(%dma_wait3A_310 : memref<128x128xf32, #tpu.memory_space<vmem_shared>>)
      tpu.yield
    }) : () -> ()
    %barrier3A = arith.constant 0 : index
    tpu.barrier barrier_id(%barrier3A)
    %swap3A = arith.constant 0 : index
    %swap3A_22 = tpu.vector_load %arg16[%swap3A] {strides = array<i32>} : memref<512xf32, #tpu.memory_space<vmem>>, vector<16xf32>,
    %swap3A_23 = vector.shape_cast %swap3A_22 : vector<16xf32> to vector<16xf32>
    %swap3A_24 = vector.shape_cast %broadcast_in_dim3A_1 : vector<16xf32> to vector<16xf32>
    tpu.vector_store %arg16[%swap3A], %swap3A_24 {strides = array<i32>} : memref<512xf32, #tpu.memory_space<vmem>>, vector<16xf32>,
    %swap3A_25 = arith.constant 16 : index
    %swap3A_26 = tpu.vector_load %arg16[%swap3A_25] {strides = array<i32>} : memref<512xf32, #tpu.memory_space<vmem>>, vector<16xf32>,
    %swap3A_27 = vector.shape_cast %swap3A_26 : vector<16xf32> to vector<16xf32>
    %swap3A_28 = vector.shape_cast %broadcast_in_dim3A_1 : vector<16xf32> to vector<16xf32>
    tpu.vector_store %arg16[%swap3A_25], %swap3A_28 {strides = array<i32>} : memref<512xf32, #tpu.memory_space<vmem>>, vector<16xf32>,
    %swap3A_29 = arith.constant 32 : index
    %swap3A_30 = tpu.vector_load %arg16[%swap3A_29] {strides = array<i32>} : memref<512xf32, #tpu.memory_space<vmem>>, vector<16xf32>,
    %swap3A_31 = vector.shape_cast %swap3A_30 : vector<16xf32> to vector<16xf32>
    %swap3A_32 = vector.shape_cast %broadcast_in_dim3A_1 : vector<16xf32> to vector<16xf32>
    tpu.vector_store %arg16[%swap3A_29], %swap3A_32 {strides = array<i32>} : memref<512xf32, #tpu.memory_space<vmem>>, vector<16xf32>,
    %swap3A_33 = arith.constant 48 : index
    %swap3A_34 = tpu.vector_load %arg16[%swap3A_33] {strides = array<i32>} : memref<512xf32, #tpu.memory_space<vmem>>, vector<16xf32>,
    %swap3A_35 = vector.shape_cast %swap3A_34 : vector<16xf32> to vector<16xf32>
    %swap3A_36 = vector.shape_cast %broadcast_in_dim3A_1 : vector<16xf32> to vector<16xf32>
    tpu.vector_store %arg16[%swap3A_33], %swap3A_36 {strides = array<i32>} : memref<512xf32, #tpu.memory_space<vmem>>, vector<16xf32>,
    %swap3A_37 = arith.constant 64 : index
    %swap3A_38 = tpu.vector_load %arg16[%swap3A_37] {strides = array<i32>} : memref<512xf32, #tpu.memory_space<vmem>>, vector<16xf32>,
    %swap3A_39 = vector.shape_cast %swap3A_38 : vector<16xf32> to vector<16xf32>
    %swap3A_40 = vector.shape_cast %broadcast_in_dim3A_1 : vector<16xf32> to vector<16xf32>
    tpu.vector_store %arg16[%swap3A_37], %swap3A_40 {strides = array<i32>} : memref<512xf32, #tpu.memory_space<vmem>>, vector<16xf32>,
    %swap3A_41 = arith.constant 80 : index
    %swap3A_42 = tpu.vector_load %arg16[%swap3A_41] {strides = array<i32>} : memref<512xf32, #tpu.memory_space<vmem>>, vector<16xf32>,
    %swap3A_43 = vector.shape_cast %swap3A_42 : vector<16xf32> to vector<16xf32>
    %swap3A_44 = vector.shape_cast %broadcast_in_dim3A_1 : vector<16xf32> to vector<16xf32>
    tpu.vector_store %arg16[%swap3A_41], %swap3A_44 {strides = array<i32>} : memref<512xf32, #tpu.memory_space<vmem>>, vector<16xf32>,
    %swap3A_45 = arith.constant 96 : index
    %swap3A_46 = tpu.vector_load %arg16[%swap3A_45] {strides = array<i32>} : memref<512xf32, #tpu.memory_space<vmem>>, vector<16xf32>,
    %swap3A_47 = vector.shape_cast %swap3A_46 : vector<16xf32> to vector<16xf32>
    %swap3A_48 = vector.shape_cast %broadcast_in_dim3A_1 : vector<16xf32> to vector<16xf32>
    tpu.vector_store %arg16[%swap3A_45], %swap3A_48 {strides = array<i32>} : memref<512xf32, #tpu.memory_space<vmem>>, vector<16xf32>,
    %swap3A_49 = arith.constant 112 : index
    %swap3A_50 = tpu.vector_load %arg16[%swap3A_49] {strides = array<i32>} : memref<512xf32, #tpu.memory_space<vmem>>, vector<16xf32>,
    %swap3A_51 = vector.shape_cast %swap3A_50 : vector<16xf32> to vector<16xf32>
    %swap3A_52 = vector.shape_cast %broadcast_in_dim3A_1 : vector<16xf32> to vector<16xf32>
    tpu.vector_store %arg16[%swap3A_49], %swap3A_52 {strides = array<i32>} : memref<512xf32, #tpu.memory_space<vmem>>, vector<16xf32>,
    %swap3A_53 = arith.constant 128 : index
    %swap3A_54 = tpu.vector_load %arg16[%swap3A_53] {strides = array<i32>} : memref<512xf32, #tpu.memory_space<vmem>>, vector<16xf32>,
    %swap3A_55 = vector.shape_cast %swap3A_54 : vector<16xf32> to vector<16xf32>
    %swap3A_56 = vector.shape_cast %broadcast_in_dim3A_1 : vector<16xf32> to vector<16xf32>
    tpu.vector_store %arg16[%swap3A_53], %swap3A_56 {strides = array<i32>} : memref<512xf32, #tpu.memory_space<vmem>>, vector<16xf32>,
    %swap3A_57 = arith.constant 144 : index
    %swap3A_58 = tpu.vector_load %arg16[%swap3A_57] {strides = array<i32>} : memref<512xf32, #tpu.memory_space<vmem>>, vector<16xf32>,
    %swap3A_59 = vector.shape_cast %swap3A_58 : vector<16xf32> to vector<16xf32>
    %swap3A_60 = vector.shape_cast %broadcast_in_dim3A_1 : vector<16xf32> to vector<16xf32>
    tpu.vector_store %arg16[%swap3A_57], %swap3A_60 {strides = array<i32>} : memref<512xf32, #tpu.memory_space<vmem>>, vector<16xf32>,
    %swap3A_61 = arith.constant 160 : index
    %swap3A_62 = tpu.vector_load %arg16[%swap3A_61] {strides = array<i32>} : memref<512xf32, #tpu.memory_space<vmem>>, vector<16xf32>,
    %swap3A_63 = vector.shape_cast %swap3A_62 : vector<16xf32> to vector<16xf32>
    %swap3A_64 = vector.shape_cast %broadcast_in_dim3A_1 : vector<16xf32> to vector<16xf32>
    tpu.vector_store %arg16[%swap3A_61], %swap3A_64 {strides = array<i32>} : memref<512xf32, #tpu.memory_space<vmem>>, vector<16xf32>,
    %swap3A_65 = arith.constant 176 : index
    %swap3A_66 = tpu.vector_load %arg16[%swap3A_65] {strides = array<i32>} : memref<512xf32, #tpu.memory_space<vmem>>, vector<16xf32>,
    %swap3A_67 = vector.shape_cast %swap3A_66 : vector<16xf32> to vector<16xf32>
    %swap3A_68 = vector.shape_cast %broadcast_in_dim3A_1 : vector<16xf32> to vector<16xf32>
    tpu.vector_store %arg16[%swap3A_65], %swap3A_68 {strides = array<i32>} : memref<512xf32, #tpu.memory_space<vmem>>, vector<16xf32>,
    %swap3A_69 = arith.constant 192 : index
    %swap3A_70 = tpu.vector_load %arg16[%swap3A_69] {strides = array<i32>} : memref<512xf32, #tpu.memory_space<vmem>>, vector<16xf32>,
    %swap3A_71 = vector.shape_cast %swap3A_70 : vector<16xf32> to vector<16xf32>
    %swap3A_72 = vector.shape_cast %broadcast_in_dim3A_1 : vector<16xf32> to vector<16xf32>
    tpu.vector_store %arg16[%swap3A_69], %swap3A_72 {strides = array<i32>} : memref<512xf32, #tpu.memory_space<vmem>>, vector<16xf32>,
    %swap3A_73 = arith.constant 208 : index
    %swap3A_74 = tpu.vector_load %arg16[%swap3A_73] {strides = array<i32>} : memref<512xf32, #tpu.memory_space<vmem>>, vector<16xf32>,
    %swap3A_75 = vector.shape_cast %swap3A_74 : vector<16xf32> to vector<16xf32>
    %swap3A_76 = vector.shape_cast %broadcast_in_dim3A_1 : vector<16xf32> to vector<16xf32>
    tpu.vector_store %arg16[%swap3A_73], %swap3A_76 {strides = array<i32>} : memref<512xf32, #tpu.memory_space<vmem>>, vector<16xf32>,
    %swap3A_77 = arith.constant 224 : index
    %swap3A_78 = tpu.vector_load %arg16[%swap3A_77] {strides = array<i32>} : memref<512xf32, #tpu.memory_space<vmem>>, vector<16xf32>,
    %swap3A_79 = vector.shape_cast %swap3A_78 : vector<16xf32> to vector<16xf32>
    %swap3A_80 = vector.shape_cast %broadcast_in_dim3A_1 : vector<16xf32> to vector<16xf32>
    tpu.vector_store %arg16[%swap3A_77], %swap3A_80 {strides = array<i32>} : memref<512xf32, #tpu.memory_space<vmem>>, vector<16xf32>,
    %swap3A_81 = arith.constant 240 : index
    %swap3A_82 = tpu.vector_load %arg16[%swap3A_81] {strides = array<i32>} : memref<512xf32, #tpu.memory_space<vmem>>, vector<16xf32>,
    %swap3A_83 = vector.shape_cast %swap3A_82 : vector<16xf32> to vector<16xf32>
    %swap3A_84 = vector.shape_cast %broadcast_in_dim3A_1 : vector<16xf32> to vector<16xf32>
    tpu.vector_store %arg16[%swap3A_81], %swap3A_84 {strides = array<i32>} : memref<512xf32, #tpu.memory_space<vmem>>, vector<16xf32>,
    %swap3A_85 = arith.constant 256 : index
    %swap3A_86 = tpu.vector_load %arg16[%swap3A_85] {strides = array<i32>} : memref<512xf32, #tpu.memory_space<vmem>>, vector<16xf32>,
    %swap3A_87 = vector.shape_cast %swap3A_86 : vector<16xf32> to vector<16xf32>
    %swap3A_88 = vector.shape_cast %broadcast_in_dim3A_1 : vector<16xf32> to vector<16xf32>
    tpu.vector_store %arg16[%swap3A_85], %swap3A_88 {strides = array<i32>} : memref<512xf32, #tpu.memory_space<vmem>>, vector<16xf32>,
    %swap3A_89 = arith.constant 272 : index
    %swap3A_90 = tpu.vector_load %arg16[%swap3A_89] {strides = array<i32>} : memref<512xf32, #tpu.memory_space<vmem>>, vector<16xf32>,
    %swap3A_91 = vector.shape_cast %swap3A_90 : vector<16xf32> to vector<16xf32>
    %swap3A_92 = vector.shape_cast %broadcast_in_dim3A_1 : vector<16xf32> to vector<16xf32>
    tpu.vector_store %arg16[%swap3A_89], %swap3A_92 {strides = array<i32>} : memref<512xf32, #tpu.memory_space<vmem>>, vector<16xf32>,
    %swap3A_93 = arith.constant 288 : index
    %swap3A_94 = tpu.vector_load %arg16[%swap3A_93] {strides = array<i32>} : memref<512xf32, #tpu.memory_space<vmem>>, vector<16xf32>,
    %swap3A_95 = vector.shape_cast %swap3A_94 : vector<16xf32> to vector<16xf32>
    %swap3A_96 = vector.shape_cast %broadcast_in_dim3A_1 : vector<16xf32> to vector<16xf32>
    tpu.vector_store %arg16[%swap3A_93], %swap3A_96 {strides = array<i32>} : memref<512xf32, #tpu.memory_space<vmem>>, vector<16xf32>,
    %swap3A_97 = arith.constant 304 : index
    %swap3A_98 = tpu.vector_load %arg16[%swap3A_97] {strides = array<i32>} : memref<512xf32, #tpu.memory_space<vmem>>, vector<16xf32>,
    %swap3A_99 = vector.shape_cast %swap3A_98 : vector<16xf32> to vector<16xf32>
    %swap3A_100 = vector.shape_cast %broadcast_in_dim3A_1 : vector<16xf32> to vector<16xf32>
    tpu.vector_store %arg16[%swap3A_97], %swap3A_100 {strides = array<i32>} : memref<512xf32, #tpu.memory_space<vmem>>, vector<16xf32>,
    %swap3A_101 = arith.constant 320 : index
    %swap3A_102 = tpu.vector_load %arg16[%swap3A_101] {strides = array<i32>} : memref<512xf32, #tpu.memory_space<vmem>>, vector<16xf32>,
    %swap3A_103 = vector.shape_cast %swap3A_102 : vector<16xf32> to vector<16xf32>
    %swap3A_104 = vector.shape_cast %broadcast_in_dim3A_1 : vector<16xf32> to vector<16xf32>
    tpu.vector_store %arg16[%swap3A_101], %swap3A_104 {strides = array<i32>} : memref<512xf32, #tpu.memory_space<vmem>>, vector<16xf32>,
    %swap3A_105 = arith.constant 336 : index
    %swap3A_106 = tpu.vector_load %arg16[%swap3A_105] {strides = array<i32>} : memref<512xf32, #tpu.memory_space<vmem>>, vector<16xf32>,
    %swap3A_107 = vector.shape_cast %swap3A_106 : vector<16xf32> to vector<16xf32>
    %swap3A_108 = vector.shape_cast %broadcast_in_dim3A_1 : vector<16xf32> to vector<16xf32>
    tpu.vector_store %arg16[%swap3A_105], %swap3A_108 {strides = array<i32>} : memref<512xf32, #tpu.memory_space<vmem>>, vector<16xf32>,
    %swap3A_109 = arith.constant 352 : index
    %swap3A_110 = tpu.vector_load %arg16[%swap3A_109] {strides = array<i32>} : memref<512xf32, #tpu.memory_space<vmem>>, vector<16xf32>,
    %swap3A_111 = vector.shape_cast %swap3A_110 : vector<16xf32> to vector<16xf32>
    %swap3A_112 = vector.shape_cast %broadcast_in_dim3A_1 : vector<16xf32> to vector<16xf32>
    tpu.vector_store %arg16[%swap3A_109], %swap3A_112 {strides = array<i32>} : memref<512xf32, #tpu.memory_space<vmem>>, vector<16xf32>,
    %swap3A_113 = arith.constant 368 : index
    %swap3A_114 = tpu.vector_load %arg16[%swap3A_113] {strides = array<i32>} : memref<512xf32, #tpu.memory_space<vmem>>, vector<16xf32>,
    %swap3A_115 = vector.shape_cast %swap3A_114 : vector<16xf32> to vector<16xf32>
    %swap3A_116 = vector.shape_cast %broadcast_in_dim3A_1 : vector<16xf32> to vector<16xf32>
    tpu.vector_store %arg16[%swap3A_113], %swap3A_116 {strides = array<i32>} : memref<512xf32, #tpu.memory_space<vmem>>, vector<16xf32>,
    %swap3A_117 = arith.constant 384 : index
    %swap3A_118 = tpu.vector_load %arg16[%swap3A_117] {strides = array<i32>} : memref<512xf32, #tpu.memory_space<vmem>>, vector<16xf32>,
    %swap3A_119 = vector.shape_cast %swap3A_118 : vector<16xf32> to vector<16xf32>
    %swap3A_120 = vector.shape_cast %broadcast_in_dim3A_1 : vector<16xf32> to vector<16xf32>
    tpu.vector_store %arg16[%swap3A_117], %swap3A_120 {strides = array<i32>} : memref<512xf32, #tpu.memory_space<vmem>>, vector<16xf32>,
    %swap3A_121 = arith.constant 400 : index
    %swap3A_122 = tpu.vector_load %arg16[%swap3A_121] {strides = array<i32>} : memref<512xf32, #tpu.memory_space<vmem>>, vector<16xf32>,
    %swap3A_123 = vector.shape_cast %swap3A_122 : vector<16xf32> to vector<16xf32>
    %swap3A_124 = vector.shape_cast %broadcast_in_dim3A_1 : vector<16xf32> to vector<16xf32>
    tpu.vector_store %arg16[%swap3A_121], %swap3A_124 {strides = array<i32>} : memref<512xf32, #tpu.memory_space<vmem>>, vector<16xf32>,
    %swap3A_125 = arith.constant 416 : index
    %swap3A_126 = tpu.vector_load %arg16[%swap3A_125] {strides = array<i32>} : memref<512xf32, #tpu.memory_space<vmem>>, vector<16xf32>,
    %swap3A_127 = vector.shape_cast %swap3A_126 : vector<16xf32> to vector<16xf32>
    %swap3A_128 = vector.shape_cast %broadcast_in_dim3A_1 : vector<16xf32> to vector<16xf32>
    tpu.vector_store %arg16[%swap3A_125], %swap3A_128 {strides = array<i32>} : memref<512xf32, #tpu.memory_space<vmem>>, vector<16xf32>,
    %swap3A_129 = arith.constant 432 : index
    %swap3A_130 = tpu.vector_load %arg16[%swap3A_129] {strides = array<i32>} : memref<512xf32, #tpu.memory_space<vmem>>, vector<16xf32>,
    %swap3A_131 = vector.shape_cast %swap3A_130 : vector<16xf32> to vector<16xf32>
    %swap3A_132 = vector.shape_cast %broadcast_in_dim3A_1 : vector<16xf32> to vector<16xf32>
    tpu.vector_store %arg16[%swap3A_129], %swap3A_132 {strides = array<i32>} : memref<512xf32, #tpu.memory_space<vmem>>, vector<16xf32>,
    %swap3A_133 = arith.constant 448 : index
    %swap3A_134 = tpu.vector_load %arg16[%swap3A_133] {strides = array<i32>} : memref<512xf32, #tpu.memory_space<vmem>>, vector<16xf32>,
    %swap3A_135 = vector.shape_cast %swap3A_134 : vector<16xf32> to vector<16xf32>
    %swap3A_136 = vector.shape_cast %broadcast_in_dim3A_1 : vector<16xf32> to vector<16xf32>
    tpu.vector_store %arg16[%swap3A_133], %swap3A_136 {strides = array<i32>} : memref<512xf32, #tpu.memory_space<vmem>>, vector<16xf32>,
    %swap3A_137 = arith.constant 464 : index
    %swap3A_138 = tpu.vector_load %arg16[%swap3A_137] {strides = array<i32>} : memref<512xf32, #tpu.memory_space<vmem>>, vector<16xf32>,
    %swap3A_139 = vector.shape_cast %swap3A_138 : vector<16xf32> to vector<16xf32>
    %swap3A_140 = vector.shape_cast %broadcast_in_dim3A_1 : vector<16xf32> to vector<16xf32>
    tpu.vector_store %arg16[%swap3A_137], %swap3A_140 {strides = array<i32>} : memref<512xf32, #tpu.memory_space<vmem>>, vector<16xf32>,
    %swap3A_141 = arith.constant 480 : index
    %swap3A_142 = tpu.vector_load %arg16[%swap3A_141] {strides = array<i32>} : memref<512xf32, #tpu.memory_space<vmem>>, vector<16xf32>,
    %swap3A_143 = vector.shape_cast %swap3A_142 : vector<16xf32> to vector<16xf32>
    %swap3A_144 = vector.shape_cast %broadcast_in_dim3A_1 : vector<16xf32> to vector<16xf32>
    tpu.vector_store %arg16[%swap3A_141], %swap3A_144 {strides = array<i32>} : memref<512xf32, #tpu.memory_space<vmem>>, vector<16xf32>,
    %swap3A_145 = arith.constant 496 : index
    %swap3A_146 = tpu.vector_load %arg16[%swap3A_145] {strides = array<i32>} : memref<512xf32, #tpu.memory_space<vmem>>, vector<16xf32>,
    %swap3A_147 = vector.shape_cast %swap3A_146 : vector<16xf32> to vector<16xf32>
    %swap3A_148 = vector.shape_cast %broadcast_in_dim3A_1 : vector<16xf32> to vector<16xf32>
    tpu.vector_store %arg16[%swap3A_145], %swap3A_148 {strides = array<i32>} : memref<512xf32, #tpu.memory_space<vmem>>, vector<16xf32>,
    %mul3A_149 = arith.constant 10000 : i32
    %mul3A_150 = arith.muli %add3A, %mul3A_149 : i32
    %scan3A = arith.constant 0 : i32
    %scan3A_151 = arith.constant 0 : i32
    %scan3A_152 = arith.constant 78 : i32
    %scan3A_153 = arith.addi %scan3A_151, %scan3A_152 : i32
    %scan3A_154 = arith.constant 1 : i32
    scf.for %scan3A_305 = %scan3A_151 to %scan3A_153 step %scan3A_154  : i32 {
      %mul3A_306 = arith.constant 128 : i32
      %mul3A_307 = arith.muli %scan3A_305, %mul3A_306 : i32
      %add3A_308 = arith.addi %mul3A_150, %mul3A_307 : i32
      "tpu.region"() ({
        %run_scoped3A = tpu.sem_alloc : memref<!tpu.dma_semaphore, #tpu.memory_space<semaphore_mem>>
        %dma_start3A = tpu.memref_slice %arg3[%add3A_308] : memref<320000xi32, #tpu.memory_space<hbm>> -> memref<128xi32, #tpu.memory_space<hbm>>
        %dma_start3A_449 = tpu.memref_slice %arg3[%add3A_308] : memref<320000xi32, #tpu.memory_space<hbm>> -> memref<128xi32, #tpu.memory_space<hbm>>
        tpu.enqueue_dma source(%dma_start3A_449 : memref<128xi32, #tpu.memory_space<hbm>>) target(%arg12 : memref<128xi32, #tpu.memory_space<vmem>>) target_semaphore(%run_scoped3A : memref<!tpu.dma_semaphore, #tpu.memory_space<semaphore_mem>>)
        %dma_wait3A = tpu.memref_slice %arg3[%add3A_308] : memref<320000xi32, #tpu.memory_space<hbm>> -> memref<128xi32, #tpu.memory_space<hbm>>
        %dma_wait3A_450 = tpu.memref_slice %arg3[%add3A_308] : memref<320000xi32, #tpu.memory_space<hbm>> -> memref<128xi32, #tpu.memory_space<hbm>>
        tpu.wait_dma2 semaphore(%run_scoped3A : memref<!tpu.dma_semaphore, #tpu.memory_space<semaphore_mem>>) src(%dma_wait3A_450 : memref<128xi32, #tpu.memory_space<hbm>>) dst(%arg12 : memref<128xi32, #tpu.memory_space<vmem>>)
        tpu.yield
      }) : () -> ()
      "tpu.region"() ({
        %run_scoped3A = tpu.sem_alloc : memref<!tpu.dma_semaphore, #tpu.memory_space<semaphore_mem>>
        %dma_start3A = tpu.memref_slice %arg4[%add3A_308] : memref<320000xi32, #tpu.memory_space<hbm>> -> memref<128xi32, #tpu.memory_space<hbm>>
        %dma_start3A_449 = tpu.memref_slice %arg4[%add3A_308] : memref<320000xi32, #tpu.memory_space<hbm>> -> memref<128xi32, #tpu.memory_space<hbm>>
        tpu.enqueue_dma source(%dma_start3A_449 : memref<128xi32, #tpu.memory_space<hbm>>) target(%arg13 : memref<128xi32, #tpu.memory_space<vmem>>) target_semaphore(%run_scoped3A : memref<!tpu.dma_semaphore, #tpu.memory_space<semaphore_mem>>)
        %dma_wait3A = tpu.memref_slice %arg4[%add3A_308] : memref<320000xi32, #tpu.memory_space<hbm>> -> memref<128xi32, #tpu.memory_space<hbm>>
        %dma_wait3A_450 = tpu.memref_slice %arg4[%add3A_308] : memref<320000xi32, #tpu.memory_space<hbm>> -> memref<128xi32, #tpu.memory_space<hbm>>
        tpu.wait_dma2 semaphore(%run_scoped3A : memref<!tpu.dma_semaphore, #tpu.memory_space<semaphore_mem>>) src(%dma_wait3A_450 : memref<128xi32, #tpu.memory_space<hbm>>) dst(%arg13 : memref<128xi32, #tpu.memory_space<vmem>>)
        tpu.yield
      }) : () -> ()
      "tpu.region"() ({
        %run_scoped3A = tpu.sem_alloc : memref<!tpu.dma_semaphore, #tpu.memory_space<semaphore_mem>>
        %dma_start3A = arith.constant 0 : i32
        %dma_start3A_449 = arith.constant 0 : i32
        %dma_start3A_450 = tpu.memref_slice %arg17[%dma_start3A, %dma_start3A_449] : memref<10240x128xf32, #tpu.memory_space<vmem_shared>> -> memref<10240x128xf32, #tpu.memory_space<vmem_shared>>
        tpu.enqueue_indirect_dma source(%dma_start3A_450 : memref<10240x128xf32, #tpu.memory_space<vmem_shared>>) target(%arg8 : memref<128x128xf32, #tpu.memory_space<vmem>>) offsets(%arg12 : memref<128xi32, #tpu.memory_space<vmem>>) semaphore(%run_scoped3A : memref<!tpu.dma_semaphore, #tpu.memory_space<semaphore_mem>>)
        %dma_wait3A = arith.constant 0 : i32
        %dma_wait3A_451 = arith.constant 0 : i32
        %dma_wait3A_452 = tpu.memref_slice %arg17[%dma_wait3A, %dma_wait3A_451] : memref<10240x128xf32, #tpu.memory_space<vmem_shared>> -> memref<10240x128xf32, #tpu.memory_space<vmem_shared>>
        tpu.wait_indirect_dma semaphore(%run_scoped3A : memref<!tpu.dma_semaphore, #tpu.memory_space<semaphore_mem>>) src(%dma_wait3A_452 : memref<10240x128xf32, #tpu.memory_space<vmem_shared>>) dst(%arg8 : memref<128x128xf32, #tpu.memory_space<vmem>>)
        tpu.yield
      }) : () -> ()
      "tpu.region"() ({
        %run_scoped3A = tpu.sem_alloc : memref<!tpu.dma_semaphore, #tpu.memory_space<semaphore_mem>>
        %dma_start3A = arith.constant 0 : i32
        %dma_start3A_449 = arith.constant 0 : i32
        %dma_start3A_450 = tpu.memref_slice %arg17[%dma_start3A, %dma_start3A_449] : memref<10240x128xf32, #tpu.memory_space<vmem_shared>> -> memref<10240x128xf32, #tpu.memory_space<vmem_shared>>
        tpu.enqueue_indirect_dma source(%dma_start3A_450 : memref<10240x128xf32, #tpu.memory_space<vmem_shared>>) target(%arg9 : memref<128x128xf32, #tpu.memory_space<vmem>>) offsets(%arg13 : memref<128xi32, #tpu.memory_space<vmem>>) semaphore(%run_scoped3A : memref<!tpu.dma_semaphore, #tpu.memory_space<semaphore_mem>>)
        %dma_wait3A = arith.constant 0 : i32
        %dma_wait3A_451 = arith.constant 0 : i32
        %dma_wait3A_452 = tpu.memref_slice %arg17[%dma_wait3A, %dma_wait3A_451] : memref<10240x128xf32, #tpu.memory_space<vmem_shared>> -> memref<10240x128xf32, #tpu.memory_space<vmem_shared>>
        tpu.wait_indirect_dma semaphore(%run_scoped3A : memref<!tpu.dma_semaphore, #tpu.memory_space<semaphore_mem>>) src(%dma_wait3A_452 : memref<10240x128xf32, #tpu.memory_space<vmem_shared>>) dst(%arg9 : memref<128x128xf32, #tpu.memory_space<vmem>>)
        tpu.yield
      }) : () -> ()
      "tpu.region"() ({
        %run_scoped3A = tpu.sem_alloc : memref<!tpu.dma_semaphore, #tpu.memory_space<semaphore_mem>>
        %dma_start3A = arith.constant 0 : i32
        %dma_start3A_449 = tpu.memref_slice %arg5[%add3A_308, %dma_start3A] : memref<320000x128xf32, #tpu.memory_space<hbm>> -> memref<128x128xf32, #tpu.memory_space<hbm>>
        %dma_start3A_450 = arith.constant 0 : i32
        %dma_start3A_451 = tpu.memref_slice %arg5[%add3A_308, %dma_start3A_450] : memref<320000x128xf32, #tpu.memory_space<hbm>> -> memref<128x128xf32, #tpu.memory_space<hbm>>
        tpu.enqueue_dma source(%arg8 : memref<128x128xf32, #tpu.memory_space<vmem>>) target(%dma_start3A_451 : memref<128x128xf32, #tpu.memory_space<hbm>>) target_semaphore(%run_scoped3A : memref<!tpu.dma_semaphore, #tpu.memory_space<semaphore_mem>>)
        %dma_wait3A = arith.constant 0 : i32
        %dma_wait3A_452 = tpu.memref_slice %arg5[%add3A_308, %dma_wait3A] : memref<320000x128xf32, #tpu.memory_space<hbm>> -> memref<128x128xf32, #tpu.memory_space<hbm>>
        %dma_wait3A_453 = arith.constant 0 : i32
        %dma_wait3A_454 = tpu.memref_slice %arg5[%add3A_308, %dma_wait3A_453] : memref<320000x128xf32, #tpu.memory_space<hbm>> -> memref<128x128xf32, #tpu.memory_space<hbm>>
        tpu.wait_dma2 semaphore(%run_scoped3A : memref<!tpu.dma_semaphore, #tpu.memory_space<semaphore_mem>>) src(%arg8 : memref<128x128xf32, #tpu.memory_space<vmem>>) dst(%dma_wait3A_454 : memref<128x128xf32, #tpu.memory_space<hbm>>)
        tpu.yield
      }) : () -> ()
      "tpu.region"() ({
        %run_scoped3A = tpu.sem_alloc : memref<!tpu.dma_semaphore, #tpu.memory_space<semaphore_mem>>
        %dma_start3A = arith.constant 0 : i32
        %dma_start3A_449 = tpu.memref_slice %arg6[%add3A_308, %dma_start3A] : memref<320000x128xf32, #tpu.memory_space<hbm>> -> memref<128x128xf32, #tpu.memory_space<hbm>>
        %dma_start3A_450 = arith.constant 0 : i32
        %dma_start3A_451 = tpu.memref_slice %arg6[%add3A_308, %dma_start3A_450] : memref<320000x128xf32, #tpu.memory_space<hbm>> -> memref<128x128xf32, #tpu.memory_space<hbm>>
        tpu.enqueue_dma source(%arg9 : memref<128x128xf32, #tpu.memory_space<vmem>>) target(%dma_start3A_451 : memref<128x128xf32, #tpu.memory_space<hbm>>) target_semaphore(%run_scoped3A : memref<!tpu.dma_semaphore, #tpu.memory_space<semaphore_mem>>)
        %dma_wait3A = arith.constant 0 : i32
        %dma_wait3A_452 = tpu.memref_slice %arg6[%add3A_308, %dma_wait3A] : memref<320000x128xf32, #tpu.memory_space<hbm>> -> memref<128x128xf32, #tpu.memory_space<hbm>>
        %dma_wait3A_453 = arith.constant 0 : i32
        %dma_wait3A_454 = tpu.memref_slice %arg6[%add3A_308, %dma_wait3A_453] : memref<320000x128xf32, #tpu.memory_space<hbm>> -> memref<128x128xf32, #tpu.memory_space<hbm>>
        tpu.wait_dma2 semaphore(%run_scoped3A : memref<!tpu.dma_semaphore, #tpu.memory_space<semaphore_mem>>) src(%arg9 : memref<128x128xf32, #tpu.memory_space<vmem>>) dst(%dma_wait3A_454 : memref<128x128xf32, #tpu.memory_space<hbm>>)
        tpu.yield
      }) : () -> ()
      %scan3A_309 = arith.constant 0 : i32
      %scan3A_310 = arith.constant 128 : i32
      %scan3A_311 = arith.addi %scan3A_309, %scan3A_310 : i32
      %scan3A_312 = arith.constant 1 : i32
      %scan3A_313:16 = scf.for %scan3A_449 = %scan3A_309 to %scan3A_311 step %scan3A_312 iter_args(%scan3A_450 = %broadcast_in_dim3A_1, %scan3A_451 = %broadcast_in_dim3A_1, %scan3A_452 = %broadcast_in_dim3A_1, %scan3A_453 = %broadcast_in_dim3A_1, %scan3A_454 = %broadcast_in_dim3A_1, %scan3A_455 = %broadcast_in_dim3A_1, %scan3A_456 = %broadcast_in_dim3A_1, %scan3A_457 = %broadcast_in_dim3A_1, %scan3A_458 = %broadcast_in_dim3A_1, %scan3A_459 = %broadcast_in_dim3A_1, %scan3A_460 = %broadcast_in_dim3A_1, %scan3A_461 = %broadcast_in_dim3A_1, %scan3A_462 = %broadcast_in_dim3A_1, %scan3A_463 = %broadcast_in_dim3A_1, %scan3A_464 = %broadcast_in_dim3A_1, %scan3A_465 = %broadcast_in_dim3A_1) -> (vector<16xf32>, vector<16xf32>, vector<16xf32>, vector<16xf32>, vector<16xf32>, vector<16xf32>, vector<16xf32>, vector<16xf32>, vector<16xf32>, vector<16xf32>, vector<16xf32>, vector<16xf32>, vector<16xf32>, vector<16xf32>, vector<16xf32>, vector<16xf32>)  : i32 {
        %get3A = arith.index_cast %scan3A_449 : i32 to index
        %get3A_466 = arith.constant 0 : index
        %get3A_467 = tpu.vector_load %arg8[%get3A, %get3A_466] {strides = array<i32>} : memref<128x128xf32, #tpu.memory_space<vmem>>, vector<1x16xf32>,
        %get3A_468 = vector.shape_cast %get3A_467 : vector<1x16xf32> to vector<16xf32>
        %get3A_469 = arith.index_cast %scan3A_449 : i32 to index
        %get3A_470 = arith.constant 16 : index
        %get3A_471 = tpu.vector_load %arg8[%get3A_469, %get3A_470] {strides = array<i32>} : memref<128x128xf32, #tpu.memory_space<vmem>>, vector<1x16xf32>,
        %get3A_472 = vector.shape_cast %get3A_471 : vector<1x16xf32> to vector<16xf32>
        %get3A_473 = arith.index_cast %scan3A_449 : i32 to index
        %get3A_474 = arith.constant 32 : index
        %get3A_475 = tpu.vector_load %arg8[%get3A_473, %get3A_474] {strides = array<i32>} : memref<128x128xf32, #tpu.memory_space<vmem>>, vector<1x16xf32>,
        %get3A_476 = vector.shape_cast %get3A_475 : vector<1x16xf32> to vector<16xf32>
        %get3A_477 = arith.index_cast %scan3A_449 : i32 to index
        %get3A_478 = arith.constant 48 : index
        %get3A_479 = tpu.vector_load %arg8[%get3A_477, %get3A_478] {strides = array<i32>} : memref<128x128xf32, #tpu.memory_space<vmem>>, vector<1x16xf32>,
        %get3A_480 = vector.shape_cast %get3A_479 : vector<1x16xf32> to vector<16xf32>
        %get3A_481 = arith.index_cast %scan3A_449 : i32 to index
        %get3A_482 = arith.constant 64 : index
        %get3A_483 = tpu.vector_load %arg8[%get3A_481, %get3A_482] {strides = array<i32>} : memref<128x128xf32, #tpu.memory_space<vmem>>, vector<1x16xf32>,
        %get3A_484 = vector.shape_cast %get3A_483 : vector<1x16xf32> to vector<16xf32>
        %get3A_485 = arith.index_cast %scan3A_449 : i32 to index
        %get3A_486 = arith.constant 80 : index
        %get3A_487 = tpu.vector_load %arg8[%get3A_485, %get3A_486] {strides = array<i32>} : memref<128x128xf32, #tpu.memory_space<vmem>>, vector<1x16xf32>,
        %get3A_488 = vector.shape_cast %get3A_487 : vector<1x16xf32> to vector<16xf32>
        %get3A_489 = arith.index_cast %scan3A_449 : i32 to index
        %get3A_490 = arith.constant 96 : index
        %get3A_491 = tpu.vector_load %arg8[%get3A_489, %get3A_490] {strides = array<i32>} : memref<128x128xf32, #tpu.memory_space<vmem>>, vector<1x16xf32>,
        %get3A_492 = vector.shape_cast %get3A_491 : vector<1x16xf32> to vector<16xf32>
        %get3A_493 = arith.index_cast %scan3A_449 : i32 to index
        %get3A_494 = arith.constant 112 : index
        %get3A_495 = tpu.vector_load %arg8[%get3A_493, %get3A_494] {strides = array<i32>} : memref<128x128xf32, #tpu.memory_space<vmem>>, vector<1x16xf32>,
        %get3A_496 = vector.shape_cast %get3A_495 : vector<1x16xf32> to vector<16xf32>
        %add3A_497 = arith.addf %scan3A_450, %get3A_468 : vector<16xf32>
        %add3A_498 = arith.addf %scan3A_451, %get3A_472 : vector<16xf32>
        %add3A_499 = arith.addf %scan3A_452, %get3A_476 : vector<16xf32>
        %add3A_500 = arith.addf %scan3A_453, %get3A_480 : vector<16xf32>
        %add3A_501 = arith.addf %scan3A_454, %get3A_484 : vector<16xf32>
        %add3A_502 = arith.addf %scan3A_455, %get3A_488 : vector<16xf32>
        %add3A_503 = arith.addf %scan3A_456, %get3A_492 : vector<16xf32>
        %add3A_504 = arith.addf %scan3A_457, %get3A_496 : vector<16xf32>
        %mul3A_505 = arith.mulf %get3A_468, %get3A_468 : vector<16xf32>
        %add3A_506 = arith.addf %scan3A_458, %mul3A_505 : vector<16xf32>
        %mul3A_507 = arith.mulf %get3A_472, %get3A_472 : vector<16xf32>
        %add3A_508 = arith.addf %scan3A_459, %mul3A_507 : vector<16xf32>
        %mul3A_509 = arith.mulf %get3A_476, %get3A_476 : vector<16xf32>
        %add3A_510 = arith.addf %scan3A_460, %mul3A_509 : vector<16xf32>
        %mul3A_511 = arith.mulf %get3A_480, %get3A_480 : vector<16xf32>
        %add3A_512 = arith.addf %scan3A_461, %mul3A_511 : vector<16xf32>
        %mul3A_513 = arith.mulf %get3A_484, %get3A_484 : vector<16xf32>
        %add3A_514 = arith.addf %scan3A_462, %mul3A_513 : vector<16xf32>
        %mul3A_515 = arith.mulf %get3A_488, %get3A_488 : vector<16xf32>
        %add3A_516 = arith.addf %scan3A_463, %mul3A_515 : vector<16xf32>
        %mul3A_517 = arith.mulf %get3A_492, %get3A_492 : vector<16xf32>
        %add3A_518 = arith.addf %scan3A_464, %mul3A_517 : vector<16xf32>
        %mul3A_519 = arith.mulf %get3A_496, %get3A_496 : vector<16xf32>
        %add3A_520 = arith.addf %scan3A_465, %mul3A_519 : vector<16xf32>
        scf.yield %add3A_497, %add3A_498, %add3A_499, %add3A_500, %add3A_501, %add3A_502, %add3A_503, %add3A_504, %add3A_506, %add3A_508, %add3A_510, %add3A_512, %add3A_514, %add3A_516, %add3A_518, %add3A_520 : vector<16xf32>, vector<16xf32>, vector<16xf32>, vector<16xf32>, vector<16xf32>, vector<16xf32>, vector<16xf32>, vector<16xf32>, vector<16xf32>, vector<16xf32>, vector<16xf32>, vector<16xf32>, vector<16xf32>, vector<16xf32>, vector<16xf32>, vector<16xf32>
      }
      %scan3A_314 = arith.constant 128 : i32
      %swap3A_315 = arith.constant 0 : index
      %swap3A_316 = tpu.vector_load %arg16[%swap3A_315] {strides = array<i32>} : memref<512xf32, #tpu.memory_space<vmem>>, vector<16xf32>,
      %swap3A_317 = vector.shape_cast %swap3A_316 : vector<16xf32> to vector<16xf32>
      %swap3A_318 = vector.shape_cast %scan3A_313#0 : vector<16xf32> to vector<16xf32>
      tpu.vector_store %arg16[%swap3A_315], %swap3A_318 {add = true, strides = array<i32>} : memref<512xf32, #tpu.memory_space<vmem>>, vector<16xf32>,
      %swap3A_319 = arith.constant 128 : index
      %swap3A_320 = tpu.vector_load %arg16[%swap3A_319] {strides = array<i32>} : memref<512xf32, #tpu.memory_space<vmem>>, vector<16xf32>,
      %swap3A_321 = vector.shape_cast %swap3A_320 : vector<16xf32> to vector<16xf32>
      %swap3A_322 = vector.shape_cast %scan3A_313#8 : vector<16xf32> to vector<16xf32>
      tpu.vector_store %arg16[%swap3A_319], %swap3A_322 {add = true, strides = array<i32>} : memref<512xf32, #tpu.memory_space<vmem>>, vector<16xf32>,
      %swap3A_323 = arith.constant 16 : index
      %swap3A_324 = tpu.vector_load %arg16[%swap3A_323] {strides = array<i32>} : memref<512xf32, #tpu.memory_space<vmem>>, vector<16xf32>,
      %swap3A_325 = vector.shape_cast %swap3A_324 : vector<16xf32> to vector<16xf32>
      %swap3A_326 = vector.shape_cast %scan3A_313#1 : vector<16xf32> to vector<16xf32>
      tpu.vector_store %arg16[%swap3A_323], %swap3A_326 {add = true, strides = array<i32>} : memref<512xf32, #tpu.memory_space<vmem>>, vector<16xf32>,
      %swap3A_327 = arith.constant 144 : index
      %swap3A_328 = tpu.vector_load %arg16[%swap3A_327] {strides = array<i32>} : memref<512xf32, #tpu.memory_space<vmem>>, vector<16xf32>,
      %swap3A_329 = vector.shape_cast %swap3A_328 : vector<16xf32> to vector<16xf32>
      %swap3A_330 = vector.shape_cast %scan3A_313#9 : vector<16xf32> to vector<16xf32>
      tpu.vector_store %arg16[%swap3A_327], %swap3A_330 {add = true, strides = array<i32>} : memref<512xf32, #tpu.memory_space<vmem>>, vector<16xf32>,
      %swap3A_331 = arith.constant 32 : index
      %swap3A_332 = tpu.vector_load %arg16[%swap3A_331] {strides = array<i32>} : memref<512xf32, #tpu.memory_space<vmem>>, vector<16xf32>,
      %swap3A_333 = vector.shape_cast %swap3A_332 : vector<16xf32> to vector<16xf32>
      %swap3A_334 = vector.shape_cast %scan3A_313#2 : vector<16xf32> to vector<16xf32>
      tpu.vector_store %arg16[%swap3A_331], %swap3A_334 {add = true, strides = array<i32>} : memref<512xf32, #tpu.memory_space<vmem>>, vector<16xf32>,
      %swap3A_335 = arith.constant 160 : index
      %swap3A_336 = tpu.vector_load %arg16[%swap3A_335] {strides = array<i32>} : memref<512xf32, #tpu.memory_space<vmem>>, vector<16xf32>,
      %swap3A_337 = vector.shape_cast %swap3A_336 : vector<16xf32> to vector<16xf32>
      %swap3A_338 = vector.shape_cast %scan3A_313#10 : vector<16xf32> to vector<16xf32>
      tpu.vector_store %arg16[%swap3A_335], %swap3A_338 {add = true, strides = array<i32>} : memref<512xf32, #tpu.memory_space<vmem>>, vector<16xf32>,
      %swap3A_339 = arith.constant 48 : index
      %swap3A_340 = tpu.vector_load %arg16[%swap3A_339] {strides = array<i32>} : memref<512xf32, #tpu.memory_space<vmem>>, vector<16xf32>,
      %swap3A_341 = vector.shape_cast %swap3A_340 : vector<16xf32> to vector<16xf32>
      %swap3A_342 = vector.shape_cast %scan3A_313#3 : vector<16xf32> to vector<16xf32>
      tpu.vector_store %arg16[%swap3A_339], %swap3A_342 {add = true, strides = array<i32>} : memref<512xf32, #tpu.memory_space<vmem>>, vector<16xf32>,
      %swap3A_343 = arith.constant 176 : index
      %swap3A_344 = tpu.vector_load %arg16[%swap3A_343] {strides = array<i32>} : memref<512xf32, #tpu.memory_space<vmem>>, vector<16xf32>,
      %swap3A_345 = vector.shape_cast %swap3A_344 : vector<16xf32> to vector<16xf32>
      %swap3A_346 = vector.shape_cast %scan3A_313#11 : vector<16xf32> to vector<16xf32>
      tpu.vector_store %arg16[%swap3A_343], %swap3A_346 {add = true, strides = array<i32>} : memref<512xf32, #tpu.memory_space<vmem>>, vector<16xf32>,
      %swap3A_347 = arith.constant 64 : index
      %swap3A_348 = tpu.vector_load %arg16[%swap3A_347] {strides = array<i32>} : memref<512xf32, #tpu.memory_space<vmem>>, vector<16xf32>,
      %swap3A_349 = vector.shape_cast %swap3A_348 : vector<16xf32> to vector<16xf32>
      %swap3A_350 = vector.shape_cast %scan3A_313#4 : vector<16xf32> to vector<16xf32>
      tpu.vector_store %arg16[%swap3A_347], %swap3A_350 {add = true, strides = array<i32>} : memref<512xf32, #tpu.memory_space<vmem>>, vector<16xf32>,
      %swap3A_351 = arith.constant 192 : index
      %swap3A_352 = tpu.vector_load %arg16[%swap3A_351] {strides = array<i32>} : memref<512xf32, #tpu.memory_space<vmem>>, vector<16xf32>,
      %swap3A_353 = vector.shape_cast %swap3A_352 : vector<16xf32> to vector<16xf32>
      %swap3A_354 = vector.shape_cast %scan3A_313#12 : vector<16xf32> to vector<16xf32>
      tpu.vector_store %arg16[%swap3A_351], %swap3A_354 {add = true, strides = array<i32>} : memref<512xf32, #tpu.memory_space<vmem>>, vector<16xf32>,
      %swap3A_355 = arith.constant 80 : index
      %swap3A_356 = tpu.vector_load %arg16[%swap3A_355] {strides = array<i32>} : memref<512xf32, #tpu.memory_space<vmem>>, vector<16xf32>,
      %swap3A_357 = vector.shape_cast %swap3A_356 : vector<16xf32> to vector<16xf32>
      %swap3A_358 = vector.shape_cast %scan3A_313#5 : vector<16xf32> to vector<16xf32>
      tpu.vector_store %arg16[%swap3A_355], %swap3A_358 {add = true, strides = array<i32>} : memref<512xf32, #tpu.memory_space<vmem>>, vector<16xf32>,
      %swap3A_359 = arith.constant 208 : index
      %swap3A_360 = tpu.vector_load %arg16[%swap3A_359] {strides = array<i32>} : memref<512xf32, #tpu.memory_space<vmem>>, vector<16xf32>,
      %swap3A_361 = vector.shape_cast %swap3A_360 : vector<16xf32> to vector<16xf32>
      %swap3A_362 = vector.shape_cast %scan3A_313#13 : vector<16xf32> to vector<16xf32>
      tpu.vector_store %arg16[%swap3A_359], %swap3A_362 {add = true, strides = array<i32>} : memref<512xf32, #tpu.memory_space<vmem>>, vector<16xf32>,
      %swap3A_363 = arith.constant 96 : index
      %swap3A_364 = tpu.vector_load %arg16[%swap3A_363] {strides = array<i32>} : memref<512xf32, #tpu.memory_space<vmem>>, vector<16xf32>,
      %swap3A_365 = vector.shape_cast %swap3A_364 : vector<16xf32> to vector<16xf32>
      %swap3A_366 = vector.shape_cast %scan3A_313#6 : vector<16xf32> to vector<16xf32>
      tpu.vector_store %arg16[%swap3A_363], %swap3A_366 {add = true, strides = array<i32>} : memref<512xf32, #tpu.memory_space<vmem>>, vector<16xf32>,
      %swap3A_367 = arith.constant 224 : index
      %swap3A_368 = tpu.vector_load %arg16[%swap3A_367] {strides = array<i32>} : memref<512xf32, #tpu.memory_space<vmem>>, vector<16xf32>,
      %swap3A_369 = vector.shape_cast %swap3A_368 : vector<16xf32> to vector<16xf32>
      %swap3A_370 = vector.shape_cast %scan3A_313#14 : vector<16xf32> to vector<16xf32>
      tpu.vector_store %arg16[%swap3A_367], %swap3A_370 {add = true, strides = array<i32>} : memref<512xf32, #tpu.memory_space<vmem>>, vector<16xf32>,
      %swap3A_371 = arith.constant 112 : index
      %swap3A_372 = tpu.vector_load %arg16[%swap3A_371] {strides = array<i32>} : memref<512xf32, #tpu.memory_space<vmem>>, vector<16xf32>,
      %swap3A_373 = vector.shape_cast %swap3A_372 : vector<16xf32> to vector<16xf32>
      %swap3A_374 = vector.shape_cast %scan3A_313#7 : vector<16xf32> to vector<16xf32>
      tpu.vector_store %arg16[%swap3A_371], %swap3A_374 {add = true, strides = array<i32>} : memref<512xf32, #tpu.memory_space<vmem>>, vector<16xf32>,
      %swap3A_375 = arith.constant 240 : index
      %swap3A_376 = tpu.vector_load %arg16[%swap3A_375] {strides = array<i32>} : memref<512xf32, #tpu.memory_space<vmem>>, vector<16xf32>,
      %swap3A_377 = vector.shape_cast %swap3A_376 : vector<16xf32> to vector<16xf32>
      %swap3A_378 = vector.shape_cast %scan3A_313#15 : vector<16xf32> to vector<16xf32>
      tpu.vector_store %arg16[%swap3A_375], %swap3A_378 {add = true, strides = array<i32>} : memref<512xf32, #tpu.memory_space<vmem>>, vector<16xf32>,
      %scan3A_379 = arith.constant 0 : i32
      %scan3A_380 = arith.constant 128 : i32
      %scan3A_381 = arith.addi %scan3A_379, %scan3A_380 : i32
      %scan3A_382 = arith.constant 1 : i32
      %scan3A_383:16 = scf.for %scan3A_449 = %scan3A_379 to %scan3A_381 step %scan3A_382 iter_args(%scan3A_450 = %broadcast_in_dim3A_1, %scan3A_451 = %broadcast_in_dim3A_1, %scan3A_452 = %broadcast_in_dim3A_1, %scan3A_453 = %broadcast_in_dim3A_1, %scan3A_454 = %broadcast_in_dim3A_1, %scan3A_455 = %broadcast_in_dim3A_1, %scan3A_456 = %broadcast_in_dim3A_1, %scan3A_457 = %broadcast_in_dim3A_1, %scan3A_458 = %broadcast_in_dim3A_1, %scan3A_459 = %broadcast_in_dim3A_1, %scan3A_460 = %broadcast_in_dim3A_1, %scan3A_461 = %broadcast_in_dim3A_1, %scan3A_462 = %broadcast_in_dim3A_1, %scan3A_463 = %broadcast_in_dim3A_1, %scan3A_464 = %broadcast_in_dim3A_1, %scan3A_465 = %broadcast_in_dim3A_1) -> (vector<16xf32>, vector<16xf32>, vector<16xf32>, vector<16xf32>, vector<16xf32>, vector<16xf32>, vector<16xf32>, vector<16xf32>, vector<16xf32>, vector<16xf32>, vector<16xf32>, vector<16xf32>, vector<16xf32>, vector<16xf32>, vector<16xf32>, vector<16xf32>)  : i32 {
        %get3A = arith.index_cast %scan3A_449 : i32 to index
        %get3A_466 = arith.constant 0 : index
        %get3A_467 = tpu.vector_load %arg9[%get3A, %get3A_466] {strides = array<i32>} : memref<128x128xf32, #tpu.memory_space<vmem>>, vector<1x16xf32>,
        %get3A_468 = vector.shape_cast %get3A_467 : vector<1x16xf32> to vector<16xf32>
        %get3A_469 = arith.index_cast %scan3A_449 : i32 to index
        %get3A_470 = arith.constant 16 : index
        %get3A_471 = tpu.vector_load %arg9[%get3A_469, %get3A_470] {strides = array<i32>} : memref<128x128xf32, #tpu.memory_space<vmem>>, vector<1x16xf32>,
        %get3A_472 = vector.shape_cast %get3A_471 : vector<1x16xf32> to vector<16xf32>
        %get3A_473 = arith.index_cast %scan3A_449 : i32 to index
        %get3A_474 = arith.constant 32 : index
        %get3A_475 = tpu.vector_load %arg9[%get3A_473, %get3A_474] {strides = array<i32>} : memref<128x128xf32, #tpu.memory_space<vmem>>, vector<1x16xf32>,
        %get3A_476 = vector.shape_cast %get3A_475 : vector<1x16xf32> to vector<16xf32>
        %get3A_477 = arith.index_cast %scan3A_449 : i32 to index
        %get3A_478 = arith.constant 48 : index
        %get3A_479 = tpu.vector_load %arg9[%get3A_477, %get3A_478] {strides = array<i32>} : memref<128x128xf32, #tpu.memory_space<vmem>>, vector<1x16xf32>,
        %get3A_480 = vector.shape_cast %get3A_479 : vector<1x16xf32> to vector<16xf32>
        %get3A_481 = arith.index_cast %scan3A_449 : i32 to index
        %get3A_482 = arith.constant 64 : index
        %get3A_483 = tpu.vector_load %arg9[%get3A_481, %get3A_482] {strides = array<i32>} : memref<128x128xf32, #tpu.memory_space<vmem>>, vector<1x16xf32>,
        %get3A_484 = vector.shape_cast %get3A_483 : vector<1x16xf32> to vector<16xf32>
        %get3A_485 = arith.index_cast %scan3A_449 : i32 to index
        %get3A_486 = arith.constant 80 : index
        %get3A_487 = tpu.vector_load %arg9[%get3A_485, %get3A_486] {strides = array<i32>} : memref<128x128xf32, #tpu.memory_space<vmem>>, vector<1x16xf32>,
        %get3A_488 = vector.shape_cast %get3A_487 : vector<1x16xf32> to vector<16xf32>
        %get3A_489 = arith.index_cast %scan3A_449 : i32 to index
        %get3A_490 = arith.constant 96 : index
        %get3A_491 = tpu.vector_load %arg9[%get3A_489, %get3A_490] {strides = array<i32>} : memref<128x128xf32, #tpu.memory_space<vmem>>, vector<1x16xf32>,
        %get3A_492 = vector.shape_cast %get3A_491 : vector<1x16xf32> to vector<16xf32>
        %get3A_493 = arith.index_cast %scan3A_449 : i32 to index
        %get3A_494 = arith.constant 112 : index
        %get3A_495 = tpu.vector_load %arg9[%get3A_493, %get3A_494] {strides = array<i32>} : memref<128x128xf32, #tpu.memory_space<vmem>>, vector<1x16xf32>,
        %get3A_496 = vector.shape_cast %get3A_495 : vector<1x16xf32> to vector<16xf32>
        %add3A_497 = arith.addf %scan3A_450, %get3A_468 : vector<16xf32>
        %add3A_498 = arith.addf %scan3A_451, %get3A_472 : vector<16xf32>
        %add3A_499 = arith.addf %scan3A_452, %get3A_476 : vector<16xf32>
        %add3A_500 = arith.addf %scan3A_453, %get3A_480 : vector<16xf32>
        %add3A_501 = arith.addf %scan3A_454, %get3A_484 : vector<16xf32>
        %add3A_502 = arith.addf %scan3A_455, %get3A_488 : vector<16xf32>
        %add3A_503 = arith.addf %scan3A_456, %get3A_492 : vector<16xf32>
        %add3A_504 = arith.addf %scan3A_457, %get3A_496 : vector<16xf32>
        %mul3A_505 = arith.mulf %get3A_468, %get3A_468 : vector<16xf32>
        %add3A_506 = arith.addf %scan3A_458, %mul3A_505 : vector<16xf32>
        %mul3A_507 = arith.mulf %get3A_472, %get3A_472 : vector<16xf32>
        %add3A_508 = arith.addf %scan3A_459, %mul3A_507 : vector<16xf32>
        %mul3A_509 = arith.mulf %get3A_476, %get3A_476 : vector<16xf32>
        %add3A_510 = arith.addf %scan3A_460, %mul3A_509 : vector<16xf32>
        %mul3A_511 = arith.mulf %get3A_480, %get3A_480 : vector<16xf32>
        %add3A_512 = arith.addf %scan3A_461, %mul3A_511 : vector<16xf32>
        %mul3A_513 = arith.mulf %get3A_484, %get3A_484 : vector<16xf32>
        %add3A_514 = arith.addf %scan3A_462, %mul3A_513 : vector<16xf32>
        %mul3A_515 = arith.mulf %get3A_488, %get3A_488 : vector<16xf32>
        %add3A_516 = arith.addf %scan3A_463, %mul3A_515 : vector<16xf32>
        %mul3A_517 = arith.mulf %get3A_492, %get3A_492 : vector<16xf32>
        %add3A_518 = arith.addf %scan3A_464, %mul3A_517 : vector<16xf32>
        %mul3A_519 = arith.mulf %get3A_496, %get3A_496 : vector<16xf32>
        %add3A_520 = arith.addf %scan3A_465, %mul3A_519 : vector<16xf32>
        scf.yield %add3A_497, %add3A_498, %add3A_499, %add3A_500, %add3A_501, %add3A_502, %add3A_503, %add3A_504, %add3A_506, %add3A_508, %add3A_510, %add3A_512, %add3A_514, %add3A_516, %add3A_518, %add3A_520 : vector<16xf32>, vector<16xf32>, vector<16xf32>, vector<16xf32>, vector<16xf32>, vector<16xf32>, vector<16xf32>, vector<16xf32>, vector<16xf32>, vector<16xf32>, vector<16xf32>, vector<16xf32>, vector<16xf32>, vector<16xf32>, vector<16xf32>, vector<16xf32>
      }
      %scan3A_384 = arith.constant 128 : i32
      %swap3A_385 = arith.constant 256 : index
      %swap3A_386 = tpu.vector_load %arg16[%swap3A_385] {strides = array<i32>} : memref<512xf32, #tpu.memory_space<vmem>>, vector<16xf32>,
      %swap3A_387 = vector.shape_cast %swap3A_386 : vector<16xf32> to vector<16xf32>
      %swap3A_388 = vector.shape_cast %scan3A_383#0 : vector<16xf32> to vector<16xf32>
      tpu.vector_store %arg16[%swap3A_385], %swap3A_388 {add = true, strides = array<i32>} : memref<512xf32, #tpu.memory_space<vmem>>, vector<16xf32>,
      %swap3A_389 = arith.constant 384 : index
      %swap3A_390 = tpu.vector_load %arg16[%swap3A_389] {strides = array<i32>} : memref<512xf32, #tpu.memory_space<vmem>>, vector<16xf32>,
      %swap3A_391 = vector.shape_cast %swap3A_390 : vector<16xf32> to vector<16xf32>
      %swap3A_392 = vector.shape_cast %scan3A_383#8 : vector<16xf32> to vector<16xf32>
      tpu.vector_store %arg16[%swap3A_389], %swap3A_392 {add = true, strides = array<i32>} : memref<512xf32, #tpu.memory_space<vmem>>, vector<16xf32>,
      %swap3A_393 = arith.constant 272 : index
      %swap3A_394 = tpu.vector_load %arg16[%swap3A_393] {strides = array<i32>} : memref<512xf32, #tpu.memory_space<vmem>>, vector<16xf32>,
      %swap3A_395 = vector.shape_cast %swap3A_394 : vector<16xf32> to vector<16xf32>
      %swap3A_396 = vector.shape_cast %scan3A_383#1 : vector<16xf32> to vector<16xf32>
      tpu.vector_store %arg16[%swap3A_393], %swap3A_396 {add = true, strides = array<i32>} : memref<512xf32, #tpu.memory_space<vmem>>, vector<16xf32>,
      %swap3A_397 = arith.constant 400 : index
      %swap3A_398 = tpu.vector_load %arg16[%swap3A_397] {strides = array<i32>} : memref<512xf32, #tpu.memory_space<vmem>>, vector<16xf32>,
      %swap3A_399 = vector.shape_cast %swap3A_398 : vector<16xf32> to vector<16xf32>
      %swap3A_400 = vector.shape_cast %scan3A_383#9 : vector<16xf32> to vector<16xf32>
      tpu.vector_store %arg16[%swap3A_397], %swap3A_400 {add = true, strides = array<i32>} : memref<512xf32, #tpu.memory_space<vmem>>, vector<16xf32>,
      %swap3A_401 = arith.constant 288 : index
      %swap3A_402 = tpu.vector_load %arg16[%swap3A_401] {strides = array<i32>} : memref<512xf32, #tpu.memory_space<vmem>>, vector<16xf32>,
      %swap3A_403 = vector.shape_cast %swap3A_402 : vector<16xf32> to vector<16xf32>
      %swap3A_404 = vector.shape_cast %scan3A_383#2 : vector<16xf32> to vector<16xf32>
      tpu.vector_store %arg16[%swap3A_401], %swap3A_404 {add = true, strides = array<i32>} : memref<512xf32, #tpu.memory_space<vmem>>, vector<16xf32>,
      %swap3A_405 = arith.constant 416 : index
      %swap3A_406 = tpu.vector_load %arg16[%swap3A_405] {strides = array<i32>} : memref<512xf32, #tpu.memory_space<vmem>>, vector<16xf32>,
      %swap3A_407 = vector.shape_cast %swap3A_406 : vector<16xf32> to vector<16xf32>
      %swap3A_408 = vector.shape_cast %scan3A_383#10 : vector<16xf32> to vector<16xf32>
      tpu.vector_store %arg16[%swap3A_405], %swap3A_408 {add = true, strides = array<i32>} : memref<512xf32, #tpu.memory_space<vmem>>, vector<16xf32>,
      %swap3A_409 = arith.constant 304 : index
      %swap3A_410 = tpu.vector_load %arg16[%swap3A_409] {strides = array<i32>} : memref<512xf32, #tpu.memory_space<vmem>>, vector<16xf32>,
      %swap3A_411 = vector.shape_cast %swap3A_410 : vector<16xf32> to vector<16xf32>
      %swap3A_412 = vector.shape_cast %scan3A_383#3 : vector<16xf32> to vector<16xf32>
      tpu.vector_store %arg16[%swap3A_409], %swap3A_412 {add = true, strides = array<i32>} : memref<512xf32, #tpu.memory_space<vmem>>, vector<16xf32>,
      %swap3A_413 = arith.constant 432 : index
      %swap3A_414 = tpu.vector_load %arg16[%swap3A_413] {strides = array<i32>} : memref<512xf32, #tpu.memory_space<vmem>>, vector<16xf32>,
      %swap3A_415 = vector.shape_cast %swap3A_414 : vector<16xf32> to vector<16xf32>
      %swap3A_416 = vector.shape_cast %scan3A_383#11 : vector<16xf32> to vector<16xf32>
      tpu.vector_store %arg16[%swap3A_413], %swap3A_416 {add = true, strides = array<i32>} : memref<512xf32, #tpu.memory_space<vmem>>, vector<16xf32>,
      %swap3A_417 = arith.constant 320 : index
      %swap3A_418 = tpu.vector_load %arg16[%swap3A_417] {strides = array<i32>} : memref<512xf32, #tpu.memory_space<vmem>>, vector<16xf32>,
      %swap3A_419 = vector.shape_cast %swap3A_418 : vector<16xf32> to vector<16xf32>
      %swap3A_420 = vector.shape_cast %scan3A_383#4 : vector<16xf32> to vector<16xf32>
      tpu.vector_store %arg16[%swap3A_417], %swap3A_420 {add = true, strides = array<i32>} : memref<512xf32, #tpu.memory_space<vmem>>, vector<16xf32>,
      %swap3A_421 = arith.constant 448 : index
      %swap3A_422 = tpu.vector_load %arg16[%swap3A_421] {strides = array<i32>} : memref<512xf32, #tpu.memory_space<vmem>>, vector<16xf32>,
      %swap3A_423 = vector.shape_cast %swap3A_422 : vector<16xf32> to vector<16xf32>
      %swap3A_424 = vector.shape_cast %scan3A_383#12 : vector<16xf32> to vector<16xf32>
      tpu.vector_store %arg16[%swap3A_421], %swap3A_424 {add = true, strides = array<i32>} : memref<512xf32, #tpu.memory_space<vmem>>, vector<16xf32>,
      %swap3A_425 = arith.constant 336 : index
      %swap3A_426 = tpu.vector_load %arg16[%swap3A_425] {strides = array<i32>} : memref<512xf32, #tpu.memory_space<vmem>>, vector<16xf32>,
      %swap3A_427 = vector.shape_cast %swap3A_426 : vector<16xf32> to vector<16xf32>
      %swap3A_428 = vector.shape_cast %scan3A_383#5 : vector<16xf32> to vector<16xf32>
      tpu.vector_store %arg16[%swap3A_425], %swap3A_428 {add = true, strides = array<i32>} : memref<512xf32, #tpu.memory_space<vmem>>, vector<16xf32>,
      %swap3A_429 = arith.constant 464 : index
      %swap3A_430 = tpu.vector_load %arg16[%swap3A_429] {strides = array<i32>} : memref<512xf32, #tpu.memory_space<vmem>>, vector<16xf32>,
      %swap3A_431 = vector.shape_cast %swap3A_430 : vector<16xf32> to vector<16xf32>
      %swap3A_432 = vector.shape_cast %scan3A_383#13 : vector<16xf32> to vector<16xf32>
      tpu.vector_store %arg16[%swap3A_429], %swap3A_432 {add = true, strides = array<i32>} : memref<512xf32, #tpu.memory_space<vmem>>, vector<16xf32>,
      %swap3A_433 = arith.constant 352 : index
      %swap3A_434 = tpu.vector_load %arg16[%swap3A_433] {strides = array<i32>} : memref<512xf32, #tpu.memory_space<vmem>>, vector<16xf32>,
      %swap3A_435 = vector.shape_cast %swap3A_434 : vector<16xf32> to vector<16xf32>
      %swap3A_436 = vector.shape_cast %scan3A_383#6 : vector<16xf32> to vector<16xf32>
      tpu.vector_store %arg16[%swap3A_433], %swap3A_436 {add = true, strides = array<i32>} : memref<512xf32, #tpu.memory_space<vmem>>, vector<16xf32>,
      %swap3A_437 = arith.constant 480 : index
      %swap3A_438 = tpu.vector_load %arg16[%swap3A_437] {strides = array<i32>} : memref<512xf32, #tpu.memory_space<vmem>>, vector<16xf32>,
      %swap3A_439 = vector.shape_cast %swap3A_438 : vector<16xf32> to vector<16xf32>
      %swap3A_440 = vector.shape_cast %scan3A_383#14 : vector<16xf32> to vector<16xf32>
      tpu.vector_store %arg16[%swap3A_437], %swap3A_440 {add = true, strides = array<i32>} : memref<512xf32, #tpu.memory_space<vmem>>, vector<16xf32>,
      %swap3A_441 = arith.constant 368 : index
      %swap3A_442 = tpu.vector_load %arg16[%swap3A_441] {strides = array<i32>} : memref<512xf32, #tpu.memory_space<vmem>>, vector<16xf32>,
      %swap3A_443 = vector.shape_cast %swap3A_442 : vector<16xf32> to vector<16xf32>
      %swap3A_444 = vector.shape_cast %scan3A_383#7 : vector<16xf32> to vector<16xf32>
      tpu.vector_store %arg16[%swap3A_441], %swap3A_444 {add = true, strides = array<i32>} : memref<512xf32, #tpu.memory_space<vmem>>, vector<16xf32>,
      %swap3A_445 = arith.constant 496 : index
      %swap3A_446 = tpu.vector_load %arg16[%swap3A_445] {strides = array<i32>} : memref<512xf32, #tpu.memory_space<vmem>>, vector<16xf32>,
      %swap3A_447 = vector.shape_cast %swap3A_446 : vector<16xf32> to vector<16xf32>
      %swap3A_448 = vector.shape_cast %scan3A_383#15 : vector<16xf32> to vector<16xf32>
      tpu.vector_store %arg16[%swap3A_445], %swap3A_448 {add = true, strides = array<i32>} : memref<512xf32, #tpu.memory_space<vmem>>, vector<16xf32>,
    }
    %scan3A_155 = arith.constant 78 : i32
    %add3A_156 = arith.constant 9984 : i32
    %add3A_157 = arith.addi %mul3A_150, %add3A_156 : i32
    "tpu.region"() ({
      %run_scoped3A = tpu.sem_alloc : memref<!tpu.dma_semaphore, #tpu.memory_space<semaphore_mem>>
      %dma_start3A = tpu.memref_slice %arg3[%add3A_157] : memref<320000xi32, #tpu.memory_space<hbm>> -> memref<16xi32, #tpu.memory_space<hbm>>
      %dma_start3A_305 = tpu.memref_slice %arg3[%add3A_157] : memref<320000xi32, #tpu.memory_space<hbm>> -> memref<16xi32, #tpu.memory_space<hbm>>
      tpu.enqueue_dma source(%dma_start3A_305 : memref<16xi32, #tpu.memory_space<hbm>>) target(%arg14 : memref<16xi32, #tpu.memory_space<vmem>>) target_semaphore(%run_scoped3A : memref<!tpu.dma_semaphore, #tpu.memory_space<semaphore_mem>>)
      %dma_wait3A = tpu.memref_slice %arg3[%add3A_157] : memref<320000xi32, #tpu.memory_space<hbm>> -> memref<16xi32, #tpu.memory_space<hbm>>
      %dma_wait3A_306 = tpu.memref_slice %arg3[%add3A_157] : memref<320000xi32, #tpu.memory_space<hbm>> -> memref<16xi32, #tpu.memory_space<hbm>>
      tpu.wait_dma2 semaphore(%run_scoped3A : memref<!tpu.dma_semaphore, #tpu.memory_space<semaphore_mem>>) src(%dma_wait3A_306 : memref<16xi32, #tpu.memory_space<hbm>>) dst(%arg14 : memref<16xi32, #tpu.memory_space<vmem>>)
      tpu.yield
    }) : () -> ()
    "tpu.region"() ({
      %run_scoped3A = tpu.sem_alloc : memref<!tpu.dma_semaphore, #tpu.memory_space<semaphore_mem>>
      %dma_start3A = tpu.memref_slice %arg4[%add3A_157] : memref<320000xi32, #tpu.memory_space<hbm>> -> memref<16xi32, #tpu.memory_space<hbm>>
      %dma_start3A_305 = tpu.memref_slice %arg4[%add3A_157] : memref<320000xi32, #tpu.memory_space<hbm>> -> memref<16xi32, #tpu.memory_space<hbm>>
      tpu.enqueue_dma source(%dma_start3A_305 : memref<16xi32, #tpu.memory_space<hbm>>) target(%arg15 : memref<16xi32, #tpu.memory_space<vmem>>) target_semaphore(%run_scoped3A : memref<!tpu.dma_semaphore, #tpu.memory_space<semaphore_mem>>)
      %dma_wait3A = tpu.memref_slice %arg4[%add3A_157] : memref<320000xi32, #tpu.memory_space<hbm>> -> memref<16xi32, #tpu.memory_space<hbm>>
      %dma_wait3A_306 = tpu.memref_slice %arg4[%add3A_157] : memref<320000xi32, #tpu.memory_space<hbm>> -> memref<16xi32, #tpu.memory_space<hbm>>
      tpu.wait_dma2 semaphore(%run_scoped3A : memref<!tpu.dma_semaphore, #tpu.memory_space<semaphore_mem>>) src(%dma_wait3A_306 : memref<16xi32, #tpu.memory_space<hbm>>) dst(%arg15 : memref<16xi32, #tpu.memory_space<vmem>>)
      tpu.yield
    }) : () -> ()
    "tpu.region"() ({
      %run_scoped3A = tpu.sem_alloc : memref<!tpu.dma_semaphore, #tpu.memory_space<semaphore_mem>>
      %dma_start3A = arith.constant 0 : i32
      %dma_start3A_305 = arith.constant 0 : i32
      %dma_start3A_306 = tpu.memref_slice %arg17[%dma_start3A, %dma_start3A_305] : memref<10240x128xf32, #tpu.memory_space<vmem_shared>> -> memref<10240x128xf32, #tpu.memory_space<vmem_shared>>
      tpu.enqueue_indirect_dma source(%dma_start3A_306 : memref<10240x128xf32, #tpu.memory_space<vmem_shared>>) target(%arg10 : memref<16x128xf32, #tpu.memory_space<vmem>>) offsets(%arg14 : memref<16xi32, #tpu.memory_space<vmem>>) semaphore(%run_scoped3A : memref<!tpu.dma_semaphore, #tpu.memory_space<semaphore_mem>>)
      %dma_wait3A = arith.constant 0 : i32
      %dma_wait3A_307 = arith.constant 0 : i32
      %dma_wait3A_308 = tpu.memref_slice %arg17[%dma_wait3A, %dma_wait3A_307] : memref<10240x128xf32, #tpu.memory_space<vmem_shared>> -> memref<10240x128xf32, #tpu.memory_space<vmem_shared>>
      tpu.wait_indirect_dma semaphore(%run_scoped3A : memref<!tpu.dma_semaphore, #tpu.memory_space<semaphore_mem>>) src(%dma_wait3A_308 : memref<10240x128xf32, #tpu.memory_space<vmem_shared>>) dst(%arg10 : memref<16x128xf32, #tpu.memory_space<vmem>>)
      tpu.yield
    }) : () -> ()
    "tpu.region"() ({
      %run_scoped3A = tpu.sem_alloc : memref<!tpu.dma_semaphore, #tpu.memory_space<semaphore_mem>>
      %dma_start3A = arith.constant 0 : i32
      %dma_start3A_305 = arith.constant 0 : i32
      %dma_start3A_306 = tpu.memref_slice %arg17[%dma_start3A, %dma_start3A_305] : memref<10240x128xf32, #tpu.memory_space<vmem_shared>> -> memref<10240x128xf32, #tpu.memory_space<vmem_shared>>
      tpu.enqueue_indirect_dma source(%dma_start3A_306 : memref<10240x128xf32, #tpu.memory_space<vmem_shared>>) target(%arg11 : memref<16x128xf32, #tpu.memory_space<vmem>>) offsets(%arg15 : memref<16xi32, #tpu.memory_space<vmem>>) semaphore(%run_scoped3A : memref<!tpu.dma_semaphore, #tpu.memory_space<semaphore_mem>>)
      %dma_wait3A = arith.constant 0 : i32
      %dma_wait3A_307 = arith.constant 0 : i32
      %dma_wait3A_308 = tpu.memref_slice %arg17[%dma_wait3A, %dma_wait3A_307] : memref<10240x128xf32, #tpu.memory_space<vmem_shared>> -> memref<10240x128xf32, #tpu.memory_space<vmem_shared>>
      tpu.wait_indirect_dma semaphore(%run_scoped3A : memref<!tpu.dma_semaphore, #tpu.memory_space<semaphore_mem>>) src(%dma_wait3A_308 : memref<10240x128xf32, #tpu.memory_space<vmem_shared>>) dst(%arg11 : memref<16x128xf32, #tpu.memory_space<vmem>>)
      tpu.yield
    }) : () -> ()
    "tpu.region"() ({
      %run_scoped3A = tpu.sem_alloc : memref<!tpu.dma_semaphore, #tpu.memory_space<semaphore_mem>>
      %dma_start3A = arith.constant 0 : i32
      %dma_start3A_305 = tpu.memref_slice %arg5[%add3A_157, %dma_start3A] : memref<320000x128xf32, #tpu.memory_space<hbm>> -> memref<16x128xf32, #tpu.memory_space<hbm>>
      %dma_start3A_306 = arith.constant 0 : i32
      %dma_start3A_307 = tpu.memref_slice %arg5[%add3A_157, %dma_start3A_306] : memref<320000x128xf32, #tpu.memory_space<hbm>> -> memref<16x128xf32, #tpu.memory_space<hbm>>
      tpu.enqueue_dma source(%arg10 : memref<16x128xf32, #tpu.memory_space<vmem>>) target(%dma_start3A_307 : memref<16x128xf32, #tpu.memory_space<hbm>>) target_semaphore(%run_scoped3A : memref<!tpu.dma_semaphore, #tpu.memory_space<semaphore_mem>>)
      %dma_wait3A = arith.constant 0 : i32
      %dma_wait3A_308 = tpu.memref_slice %arg5[%add3A_157, %dma_wait3A] : memref<320000x128xf32, #tpu.memory_space<hbm>> -> memref<16x128xf32, #tpu.memory_space<hbm>>
      %dma_wait3A_309 = arith.constant 0 : i32
      %dma_wait3A_310 = tpu.memref_slice %arg5[%add3A_157, %dma_wait3A_309] : memref<320000x128xf32, #tpu.memory_space<hbm>> -> memref<16x128xf32, #tpu.memory_space<hbm>>
      tpu.wait_dma2 semaphore(%run_scoped3A : memref<!tpu.dma_semaphore, #tpu.memory_space<semaphore_mem>>) src(%arg10 : memref<16x128xf32, #tpu.memory_space<vmem>>) dst(%dma_wait3A_310 : memref<16x128xf32, #tpu.memory_space<hbm>>)
      tpu.yield
    }) : () -> ()
    "tpu.region"() ({
      %run_scoped3A = tpu.sem_alloc : memref<!tpu.dma_semaphore, #tpu.memory_space<semaphore_mem>>
      %dma_start3A = arith.constant 0 : i32
      %dma_start3A_305 = tpu.memref_slice %arg6[%add3A_157, %dma_start3A] : memref<320000x128xf32, #tpu.memory_space<hbm>> -> memref<16x128xf32, #tpu.memory_space<hbm>>
      %dma_start3A_306 = arith.constant 0 : i32
      %dma_start3A_307 = tpu.memref_slice %arg6[%add3A_157, %dma_start3A_306] : memref<320000x128xf32, #tpu.memory_space<hbm>> -> memref<16x128xf32, #tpu.memory_space<hbm>>
      tpu.enqueue_dma source(%arg11 : memref<16x128xf32, #tpu.memory_space<vmem>>) target(%dma_start3A_307 : memref<16x128xf32, #tpu.memory_space<hbm>>) target_semaphore(%run_scoped3A : memref<!tpu.dma_semaphore, #tpu.memory_space<semaphore_mem>>)
      %dma_wait3A = arith.constant 0 : i32
      %dma_wait3A_308 = tpu.memref_slice %arg6[%add3A_157, %dma_wait3A] : memref<320000x128xf32, #tpu.memory_space<hbm>> -> memref<16x128xf32, #tpu.memory_space<hbm>>
      %dma_wait3A_309 = arith.constant 0 : i32
      %dma_wait3A_310 = tpu.memref_slice %arg6[%add3A_157, %dma_wait3A_309] : memref<320000x128xf32, #tpu.memory_space<hbm>> -> memref<16x128xf32, #tpu.memory_space<hbm>>
      tpu.wait_dma2 semaphore(%run_scoped3A : memref<!tpu.dma_semaphore, #tpu.memory_space<semaphore_mem>>) src(%arg11 : memref<16x128xf32, #tpu.memory_space<vmem>>) dst(%dma_wait3A_310 : memref<16x128xf32, #tpu.memory_space<hbm>>)
      tpu.yield
    }) : () -> ()
    %scan3A_158 = arith.constant 0 : i32
    %scan3A_159 = arith.constant 16 : i32
    %scan3A_160 = arith.addi %scan3A_158, %scan3A_159 : i32
    %scan3A_161 = arith.constant 1 : i32
    %scan3A_162:16 = scf.for %scan3A_305 = %scan3A_158 to %scan3A_160 step %scan3A_161 iter_args(%scan3A_306 = %broadcast_in_dim3A_1, %scan3A_307 = %broadcast_in_dim3A_1, %scan3A_308 = %broadcast_in_dim3A_1, %scan3A_309 = %broadcast_in_dim3A_1, %scan3A_310 = %broadcast_in_dim3A_1, %scan3A_311 = %broadcast_in_dim3A_1, %scan3A_312 = %broadcast_in_dim3A_1, %scan3A_313 = %broadcast_in_dim3A_1, %scan3A_314 = %broadcast_in_dim3A_1, %scan3A_315 = %broadcast_in_dim3A_1, %scan3A_316 = %broadcast_in_dim3A_1, %scan3A_317 = %broadcast_in_dim3A_1, %scan3A_318 = %broadcast_in_dim3A_1, %scan3A_319 = %broadcast_in_dim3A_1, %scan3A_320 = %broadcast_in_dim3A_1, %scan3A_321 = %broadcast_in_dim3A_1) -> (vector<16xf32>, vector<16xf32>, vector<16xf32>, vector<16xf32>, vector<16xf32>, vector<16xf32>, vector<16xf32>, vector<16xf32>, vector<16xf32>, vector<16xf32>, vector<16xf32>, vector<16xf32>, vector<16xf32>, vector<16xf32>, vector<16xf32>, vector<16xf32>)  : i32 {
      %get3A = arith.index_cast %scan3A_305 : i32 to index
      %get3A_322 = arith.constant 0 : index
      %get3A_323 = tpu.vector_load %arg10[%get3A, %get3A_322] {strides = array<i32>} : memref<16x128xf32, #tpu.memory_space<vmem>>, vector<1x16xf32>,
      %get3A_324 = vector.shape_cast %get3A_323 : vector<1x16xf32> to vector<16xf32>
      %get3A_325 = arith.index_cast %scan3A_305 : i32 to index
      %get3A_326 = arith.constant 16 : index
      %get3A_327 = tpu.vector_load %arg10[%get3A_325, %get3A_326] {strides = array<i32>} : memref<16x128xf32, #tpu.memory_space<vmem>>, vector<1x16xf32>,
      %get3A_328 = vector.shape_cast %get3A_327 : vector<1x16xf32> to vector<16xf32>
      %get3A_329 = arith.index_cast %scan3A_305 : i32 to index
      %get3A_330 = arith.constant 32 : index
      %get3A_331 = tpu.vector_load %arg10[%get3A_329, %get3A_330] {strides = array<i32>} : memref<16x128xf32, #tpu.memory_space<vmem>>, vector<1x16xf32>,
      %get3A_332 = vector.shape_cast %get3A_331 : vector<1x16xf32> to vector<16xf32>
      %get3A_333 = arith.index_cast %scan3A_305 : i32 to index
      %get3A_334 = arith.constant 48 : index
      %get3A_335 = tpu.vector_load %arg10[%get3A_333, %get3A_334] {strides = array<i32>} : memref<16x128xf32, #tpu.memory_space<vmem>>, vector<1x16xf32>,
      %get3A_336 = vector.shape_cast %get3A_335 : vector<1x16xf32> to vector<16xf32>
      %get3A_337 = arith.index_cast %scan3A_305 : i32 to index
      %get3A_338 = arith.constant 64 : index
      %get3A_339 = tpu.vector_load %arg10[%get3A_337, %get3A_338] {strides = array<i32>} : memref<16x128xf32, #tpu.memory_space<vmem>>, vector<1x16xf32>,
      %get3A_340 = vector.shape_cast %get3A_339 : vector<1x16xf32> to vector<16xf32>
      %get3A_341 = arith.index_cast %scan3A_305 : i32 to index
      %get3A_342 = arith.constant 80 : index
      %get3A_343 = tpu.vector_load %arg10[%get3A_341, %get3A_342] {strides = array<i32>} : memref<16x128xf32, #tpu.memory_space<vmem>>, vector<1x16xf32>,
      %get3A_344 = vector.shape_cast %get3A_343 : vector<1x16xf32> to vector<16xf32>
      %get3A_345 = arith.index_cast %scan3A_305 : i32 to index
      %get3A_346 = arith.constant 96 : index
      %get3A_347 = tpu.vector_load %arg10[%get3A_345, %get3A_346] {strides = array<i32>} : memref<16x128xf32, #tpu.memory_space<vmem>>, vector<1x16xf32>,
      %get3A_348 = vector.shape_cast %get3A_347 : vector<1x16xf32> to vector<16xf32>
      %get3A_349 = arith.index_cast %scan3A_305 : i32 to index
      %get3A_350 = arith.constant 112 : index
      %get3A_351 = tpu.vector_load %arg10[%get3A_349, %get3A_350] {strides = array<i32>} : memref<16x128xf32, #tpu.memory_space<vmem>>, vector<1x16xf32>,
      %get3A_352 = vector.shape_cast %get3A_351 : vector<1x16xf32> to vector<16xf32>
      %add3A_353 = arith.addf %scan3A_306, %get3A_324 : vector<16xf32>
      %add3A_354 = arith.addf %scan3A_307, %get3A_328 : vector<16xf32>
      %add3A_355 = arith.addf %scan3A_308, %get3A_332 : vector<16xf32>
      %add3A_356 = arith.addf %scan3A_309, %get3A_336 : vector<16xf32>
      %add3A_357 = arith.addf %scan3A_310, %get3A_340 : vector<16xf32>
      %add3A_358 = arith.addf %scan3A_311, %get3A_344 : vector<16xf32>
      %add3A_359 = arith.addf %scan3A_312, %get3A_348 : vector<16xf32>
      %add3A_360 = arith.addf %scan3A_313, %get3A_352 : vector<16xf32>
      %mul3A_361 = arith.mulf %get3A_324, %get3A_324 : vector<16xf32>
      %add3A_362 = arith.addf %scan3A_314, %mul3A_361 : vector<16xf32>
      %mul3A_363 = arith.mulf %get3A_328, %get3A_328 : vector<16xf32>
      %add3A_364 = arith.addf %scan3A_315, %mul3A_363 : vector<16xf32>
      %mul3A_365 = arith.mulf %get3A_332, %get3A_332 : vector<16xf32>
      %add3A_366 = arith.addf %scan3A_316, %mul3A_365 : vector<16xf32>
      %mul3A_367 = arith.mulf %get3A_336, %get3A_336 : vector<16xf32>
      %add3A_368 = arith.addf %scan3A_317, %mul3A_367 : vector<16xf32>
      %mul3A_369 = arith.mulf %get3A_340, %get3A_340 : vector<16xf32>
      %add3A_370 = arith.addf %scan3A_318, %mul3A_369 : vector<16xf32>
      %mul3A_371 = arith.mulf %get3A_344, %get3A_344 : vector<16xf32>
      %add3A_372 = arith.addf %scan3A_319, %mul3A_371 : vector<16xf32>
      %mul3A_373 = arith.mulf %get3A_348, %get3A_348 : vector<16xf32>
      %add3A_374 = arith.addf %scan3A_320, %mul3A_373 : vector<16xf32>
      %mul3A_375 = arith.mulf %get3A_352, %get3A_352 : vector<16xf32>
      %add3A_376 = arith.addf %scan3A_321, %mul3A_375 : vector<16xf32>
      scf.yield %add3A_353, %add3A_354, %add3A_355, %add3A_356, %add3A_357, %add3A_358, %add3A_359, %add3A_360, %add3A_362, %add3A_364, %add3A_366, %add3A_368, %add3A_370, %add3A_372, %add3A_374, %add3A_376 : vector<16xf32>, vector<16xf32>, vector<16xf32>, vector<16xf32>, vector<16xf32>, vector<16xf32>, vector<16xf32>, vector<16xf32>, vector<16xf32>, vector<16xf32>, vector<16xf32>, vector<16xf32>, vector<16xf32>, vector<16xf32>, vector<16xf32>, vector<16xf32>
    }
    %scan3A_163 = arith.constant 16 : i32
    %swap3A_164 = arith.constant 0 : index
    %swap3A_165 = tpu.vector_load %arg16[%swap3A_164] {strides = array<i32>} : memref<512xf32, #tpu.memory_space<vmem>>, vector<16xf32>,
    %swap3A_166 = vector.shape_cast %swap3A_165 : vector<16xf32> to vector<16xf32>
    %swap3A_167 = vector.shape_cast %scan3A_162#0 : vector<16xf32> to vector<16xf32>
    tpu.vector_store %arg16[%swap3A_164], %swap3A_167 {add = true, strides = array<i32>} : memref<512xf32, #tpu.memory_space<vmem>>, vector<16xf32>,
    %swap3A_168 = arith.constant 128 : index
    %swap3A_169 = tpu.vector_load %arg16[%swap3A_168] {strides = array<i32>} : memref<512xf32, #tpu.memory_space<vmem>>, vector<16xf32>,
    %swap3A_170 = vector.shape_cast %swap3A_169 : vector<16xf32> to vector<16xf32>
    %swap3A_171 = vector.shape_cast %scan3A_162#8 : vector<16xf32> to vector<16xf32>
    tpu.vector_store %arg16[%swap3A_168], %swap3A_171 {add = true, strides = array<i32>} : memref<512xf32, #tpu.memory_space<vmem>>, vector<16xf32>,
    %swap3A_172 = arith.constant 16 : index
    %swap3A_173 = tpu.vector_load %arg16[%swap3A_172] {strides = array<i32>} : memref<512xf32, #tpu.memory_space<vmem>>, vector<16xf32>,
    %swap3A_174 = vector.shape_cast %swap3A_173 : vector<16xf32> to vector<16xf32>
    %swap3A_175 = vector.shape_cast %scan3A_162#1 : vector<16xf32> to vector<16xf32>
    tpu.vector_store %arg16[%swap3A_172], %swap3A_175 {add = true, strides = array<i32>} : memref<512xf32, #tpu.memory_space<vmem>>, vector<16xf32>,
    %swap3A_176 = arith.constant 144 : index
    %swap3A_177 = tpu.vector_load %arg16[%swap3A_176] {strides = array<i32>} : memref<512xf32, #tpu.memory_space<vmem>>, vector<16xf32>,
    %swap3A_178 = vector.shape_cast %swap3A_177 : vector<16xf32> to vector<16xf32>
    %swap3A_179 = vector.shape_cast %scan3A_162#9 : vector<16xf32> to vector<16xf32>
    tpu.vector_store %arg16[%swap3A_176], %swap3A_179 {add = true, strides = array<i32>} : memref<512xf32, #tpu.memory_space<vmem>>, vector<16xf32>,
    %swap3A_180 = arith.constant 32 : index
    %swap3A_181 = tpu.vector_load %arg16[%swap3A_180] {strides = array<i32>} : memref<512xf32, #tpu.memory_space<vmem>>, vector<16xf32>,
    %swap3A_182 = vector.shape_cast %swap3A_181 : vector<16xf32> to vector<16xf32>
    %swap3A_183 = vector.shape_cast %scan3A_162#2 : vector<16xf32> to vector<16xf32>
    tpu.vector_store %arg16[%swap3A_180], %swap3A_183 {add = true, strides = array<i32>} : memref<512xf32, #tpu.memory_space<vmem>>, vector<16xf32>,
    %swap3A_184 = arith.constant 160 : index
    %swap3A_185 = tpu.vector_load %arg16[%swap3A_184] {strides = array<i32>} : memref<512xf32, #tpu.memory_space<vmem>>, vector<16xf32>,
    %swap3A_186 = vector.shape_cast %swap3A_185 : vector<16xf32> to vector<16xf32>
    %swap3A_187 = vector.shape_cast %scan3A_162#10 : vector<16xf32> to vector<16xf32>
    tpu.vector_store %arg16[%swap3A_184], %swap3A_187 {add = true, strides = array<i32>} : memref<512xf32, #tpu.memory_space<vmem>>, vector<16xf32>,
    %swap3A_188 = arith.constant 48 : index
    %swap3A_189 = tpu.vector_load %arg16[%swap3A_188] {strides = array<i32>} : memref<512xf32, #tpu.memory_space<vmem>>, vector<16xf32>,
    %swap3A_190 = vector.shape_cast %swap3A_189 : vector<16xf32> to vector<16xf32>
    %swap3A_191 = vector.shape_cast %scan3A_162#3 : vector<16xf32> to vector<16xf32>
    tpu.vector_store %arg16[%swap3A_188], %swap3A_191 {add = true, strides = array<i32>} : memref<512xf32, #tpu.memory_space<vmem>>, vector<16xf32>,
    %swap3A_192 = arith.constant 176 : index
    %swap3A_193 = tpu.vector_load %arg16[%swap3A_192] {strides = array<i32>} : memref<512xf32, #tpu.memory_space<vmem>>, vector<16xf32>,
    %swap3A_194 = vector.shape_cast %swap3A_193 : vector<16xf32> to vector<16xf32>
    %swap3A_195 = vector.shape_cast %scan3A_162#11 : vector<16xf32> to vector<16xf32>
    tpu.vector_store %arg16[%swap3A_192], %swap3A_195 {add = true, strides = array<i32>} : memref<512xf32, #tpu.memory_space<vmem>>, vector<16xf32>,
    %swap3A_196 = arith.constant 64 : index
    %swap3A_197 = tpu.vector_load %arg16[%swap3A_196] {strides = array<i32>} : memref<512xf32, #tpu.memory_space<vmem>>, vector<16xf32>,
    %swap3A_198 = vector.shape_cast %swap3A_197 : vector<16xf32> to vector<16xf32>
    %swap3A_199 = vector.shape_cast %scan3A_162#4 : vector<16xf32> to vector<16xf32>
    tpu.vector_store %arg16[%swap3A_196], %swap3A_199 {add = true, strides = array<i32>} : memref<512xf32, #tpu.memory_space<vmem>>, vector<16xf32>,
    %swap3A_200 = arith.constant 192 : index
    %swap3A_201 = tpu.vector_load %arg16[%swap3A_200] {strides = array<i32>} : memref<512xf32, #tpu.memory_space<vmem>>, vector<16xf32>,
    %swap3A_202 = vector.shape_cast %swap3A_201 : vector<16xf32> to vector<16xf32>
    %swap3A_203 = vector.shape_cast %scan3A_162#12 : vector<16xf32> to vector<16xf32>
    tpu.vector_store %arg16[%swap3A_200], %swap3A_203 {add = true, strides = array<i32>} : memref<512xf32, #tpu.memory_space<vmem>>, vector<16xf32>,
    %swap3A_204 = arith.constant 80 : index
    %swap3A_205 = tpu.vector_load %arg16[%swap3A_204] {strides = array<i32>} : memref<512xf32, #tpu.memory_space<vmem>>, vector<16xf32>,
    %swap3A_206 = vector.shape_cast %swap3A_205 : vector<16xf32> to vector<16xf32>
    %swap3A_207 = vector.shape_cast %scan3A_162#5 : vector<16xf32> to vector<16xf32>
    tpu.vector_store %arg16[%swap3A_204], %swap3A_207 {add = true, strides = array<i32>} : memref<512xf32, #tpu.memory_space<vmem>>, vector<16xf32>,
    %swap3A_208 = arith.constant 208 : index
    %swap3A_209 = tpu.vector_load %arg16[%swap3A_208] {strides = array<i32>} : memref<512xf32, #tpu.memory_space<vmem>>, vector<16xf32>,
    %swap3A_210 = vector.shape_cast %swap3A_209 : vector<16xf32> to vector<16xf32>
    %swap3A_211 = vector.shape_cast %scan3A_162#13 : vector<16xf32> to vector<16xf32>
    tpu.vector_store %arg16[%swap3A_208], %swap3A_211 {add = true, strides = array<i32>} : memref<512xf32, #tpu.memory_space<vmem>>, vector<16xf32>,
    %swap3A_212 = arith.constant 96 : index
    %swap3A_213 = tpu.vector_load %arg16[%swap3A_212] {strides = array<i32>} : memref<512xf32, #tpu.memory_space<vmem>>, vector<16xf32>,
    %swap3A_214 = vector.shape_cast %swap3A_213 : vector<16xf32> to vector<16xf32>
    %swap3A_215 = vector.shape_cast %scan3A_162#6 : vector<16xf32> to vector<16xf32>
    tpu.vector_store %arg16[%swap3A_212], %swap3A_215 {add = true, strides = array<i32>} : memref<512xf32, #tpu.memory_space<vmem>>, vector<16xf32>,
    %swap3A_216 = arith.constant 224 : index
    %swap3A_217 = tpu.vector_load %arg16[%swap3A_216] {strides = array<i32>} : memref<512xf32, #tpu.memory_space<vmem>>, vector<16xf32>,
    %swap3A_218 = vector.shape_cast %swap3A_217 : vector<16xf32> to vector<16xf32>
    %swap3A_219 = vector.shape_cast %scan3A_162#14 : vector<16xf32> to vector<16xf32>
    tpu.vector_store %arg16[%swap3A_216], %swap3A_219 {add = true, strides = array<i32>} : memref<512xf32, #tpu.memory_space<vmem>>, vector<16xf32>,
    %swap3A_220 = arith.constant 112 : index
    %swap3A_221 = tpu.vector_load %arg16[%swap3A_220] {strides = array<i32>} : memref<512xf32, #tpu.memory_space<vmem>>, vector<16xf32>,
    %swap3A_222 = vector.shape_cast %swap3A_221 : vector<16xf32> to vector<16xf32>
    %swap3A_223 = vector.shape_cast %scan3A_162#7 : vector<16xf32> to vector<16xf32>
    tpu.vector_store %arg16[%swap3A_220], %swap3A_223 {add = true, strides = array<i32>} : memref<512xf32, #tpu.memory_space<vmem>>, vector<16xf32>,
    %swap3A_224 = arith.constant 240 : index
    %swap3A_225 = tpu.vector_load %arg16[%swap3A_224] {strides = array<i32>} : memref<512xf32, #tpu.memory_space<vmem>>, vector<16xf32>,
    %swap3A_226 = vector.shape_cast %swap3A_225 : vector<16xf32> to vector<16xf32>
    %swap3A_227 = vector.shape_cast %scan3A_162#15 : vector<16xf32> to vector<16xf32>
    tpu.vector_store %arg16[%swap3A_224], %swap3A_227 {add = true, strides = array<i32>} : memref<512xf32, #tpu.memory_space<vmem>>, vector<16xf32>,
    %scan3A_228 = arith.constant 0 : i32
    %scan3A_229 = arith.constant 16 : i32
    %scan3A_230 = arith.addi %scan3A_228, %scan3A_229 : i32
    %scan3A_231 = arith.constant 1 : i32
    %scan3A_232:16 = scf.for %scan3A_305 = %scan3A_228 to %scan3A_230 step %scan3A_231 iter_args(%scan3A_306 = %broadcast_in_dim3A_1, %scan3A_307 = %broadcast_in_dim3A_1, %scan3A_308 = %broadcast_in_dim3A_1, %scan3A_309 = %broadcast_in_dim3A_1, %scan3A_310 = %broadcast_in_dim3A_1, %scan3A_311 = %broadcast_in_dim3A_1, %scan3A_312 = %broadcast_in_dim3A_1, %scan3A_313 = %broadcast_in_dim3A_1, %scan3A_314 = %broadcast_in_dim3A_1, %scan3A_315 = %broadcast_in_dim3A_1, %scan3A_316 = %broadcast_in_dim3A_1, %scan3A_317 = %broadcast_in_dim3A_1, %scan3A_318 = %broadcast_in_dim3A_1, %scan3A_319 = %broadcast_in_dim3A_1, %scan3A_320 = %broadcast_in_dim3A_1, %scan3A_321 = %broadcast_in_dim3A_1) -> (vector<16xf32>, vector<16xf32>, vector<16xf32>, vector<16xf32>, vector<16xf32>, vector<16xf32>, vector<16xf32>, vector<16xf32>, vector<16xf32>, vector<16xf32>, vector<16xf32>, vector<16xf32>, vector<16xf32>, vector<16xf32>, vector<16xf32>, vector<16xf32>)  : i32 {
      %get3A = arith.index_cast %scan3A_305 : i32 to index
      %get3A_322 = arith.constant 0 : index
      %get3A_323 = tpu.vector_load %arg11[%get3A, %get3A_322] {strides = array<i32>} : memref<16x128xf32, #tpu.memory_space<vmem>>, vector<1x16xf32>,
      %get3A_324 = vector.shape_cast %get3A_323 : vector<1x16xf32> to vector<16xf32>
      %get3A_325 = arith.index_cast %scan3A_305 : i32 to index
      %get3A_326 = arith.constant 16 : index
      %get3A_327 = tpu.vector_load %arg11[%get3A_325, %get3A_326] {strides = array<i32>} : memref<16x128xf32, #tpu.memory_space<vmem>>, vector<1x16xf32>,
      %get3A_328 = vector.shape_cast %get3A_327 : vector<1x16xf32> to vector<16xf32>
      %get3A_329 = arith.index_cast %scan3A_305 : i32 to index
      %get3A_330 = arith.constant 32 : index
      %get3A_331 = tpu.vector_load %arg11[%get3A_329, %get3A_330] {strides = array<i32>} : memref<16x128xf32, #tpu.memory_space<vmem>>, vector<1x16xf32>,
      %get3A_332 = vector.shape_cast %get3A_331 : vector<1x16xf32> to vector<16xf32>
      %get3A_333 = arith.index_cast %scan3A_305 : i32 to index
      %get3A_334 = arith.constant 48 : index
      %get3A_335 = tpu.vector_load %arg11[%get3A_333, %get3A_334] {strides = array<i32>} : memref<16x128xf32, #tpu.memory_space<vmem>>, vector<1x16xf32>,
      %get3A_336 = vector.shape_cast %get3A_335 : vector<1x16xf32> to vector<16xf32>
      %get3A_337 = arith.index_cast %scan3A_305 : i32 to index
      %get3A_338 = arith.constant 64 : index
      %get3A_339 = tpu.vector_load %arg11[%get3A_337, %get3A_338] {strides = array<i32>} : memref<16x128xf32, #tpu.memory_space<vmem>>, vector<1x16xf32>,
      %get3A_340 = vector.shape_cast %get3A_339 : vector<1x16xf32> to vector<16xf32>
      %get3A_341 = arith.index_cast %scan3A_305 : i32 to index
      %get3A_342 = arith.constant 80 : index
      %get3A_343 = tpu.vector_load %arg11[%get3A_341, %get3A_342] {strides = array<i32>} : memref<16x128xf32, #tpu.memory_space<vmem>>, vector<1x16xf32>,
      %get3A_344 = vector.shape_cast %get3A_343 : vector<1x16xf32> to vector<16xf32>
      %get3A_345 = arith.index_cast %scan3A_305 : i32 to index
      %get3A_346 = arith.constant 96 : index
      %get3A_347 = tpu.vector_load %arg11[%get3A_345, %get3A_346] {strides = array<i32>} : memref<16x128xf32, #tpu.memory_space<vmem>>, vector<1x16xf32>,
      %get3A_348 = vector.shape_cast %get3A_347 : vector<1x16xf32> to vector<16xf32>
      %get3A_349 = arith.index_cast %scan3A_305 : i32 to index
      %get3A_350 = arith.constant 112 : index
      %get3A_351 = tpu.vector_load %arg11[%get3A_349, %get3A_350] {strides = array<i32>} : memref<16x128xf32, #tpu.memory_space<vmem>>, vector<1x16xf32>,
      %get3A_352 = vector.shape_cast %get3A_351 : vector<1x16xf32> to vector<16xf32>
      %add3A_353 = arith.addf %scan3A_306, %get3A_324 : vector<16xf32>
      %add3A_354 = arith.addf %scan3A_307, %get3A_328 : vector<16xf32>
      %add3A_355 = arith.addf %scan3A_308, %get3A_332 : vector<16xf32>
      %add3A_356 = arith.addf %scan3A_309, %get3A_336 : vector<16xf32>
      %add3A_357 = arith.addf %scan3A_310, %get3A_340 : vector<16xf32>
      %add3A_358 = arith.addf %scan3A_311, %get3A_344 : vector<16xf32>
      %add3A_359 = arith.addf %scan3A_312, %get3A_348 : vector<16xf32>
      %add3A_360 = arith.addf %scan3A_313, %get3A_352 : vector<16xf32>
      %mul3A_361 = arith.mulf %get3A_324, %get3A_324 : vector<16xf32>
      %add3A_362 = arith.addf %scan3A_314, %mul3A_361 : vector<16xf32>
      %mul3A_363 = arith.mulf %get3A_328, %get3A_328 : vector<16xf32>
      %add3A_364 = arith.addf %scan3A_315, %mul3A_363 : vector<16xf32>
      %mul3A_365 = arith.mulf %get3A_332, %get3A_332 : vector<16xf32>
      %add3A_366 = arith.addf %scan3A_316, %mul3A_365 : vector<16xf32>
      %mul3A_367 = arith.mulf %get3A_336, %get3A_336 : vector<16xf32>
      %add3A_368 = arith.addf %scan3A_317, %mul3A_367 : vector<16xf32>
      %mul3A_369 = arith.mulf %get3A_340, %get3A_340 : vector<16xf32>
      %add3A_370 = arith.addf %scan3A_318, %mul3A_369 : vector<16xf32>
      %mul3A_371 = arith.mulf %get3A_344, %get3A_344 : vector<16xf32>
      %add3A_372 = arith.addf %scan3A_319, %mul3A_371 : vector<16xf32>
      %mul3A_373 = arith.mulf %get3A_348, %get3A_348 : vector<16xf32>
      %add3A_374 = arith.addf %scan3A_320, %mul3A_373 : vector<16xf32>
      %mul3A_375 = arith.mulf %get3A_352, %get3A_352 : vector<16xf32>
      %add3A_376 = arith.addf %scan3A_321, %mul3A_375 : vector<16xf32>
      scf.yield %add3A_353, %add3A_354, %add3A_355, %add3A_356, %add3A_357, %add3A_358, %add3A_359, %add3A_360, %add3A_362, %add3A_364, %add3A_366, %add3A_368, %add3A_370, %add3A_372, %add3A_374, %add3A_376 : vector<16xf32>, vector<16xf32>, vector<16xf32>, vector<16xf32>, vector<16xf32>, vector<16xf32>, vector<16xf32>, vector<16xf32>, vector<16xf32>, vector<16xf32>, vector<16xf32>, vector<16xf32>, vector<16xf32>, vector<16xf32>, vector<16xf32>, vector<16xf32>
    }
    %scan3A_233 = arith.constant 16 : i32
    %swap3A_234 = arith.constant 256 : index
    %swap3A_235 = tpu.vector_load %arg16[%swap3A_234] {strides = array<i32>} : memref<512xf32, #tpu.memory_space<vmem>>, vector<16xf32>,
    %swap3A_236 = vector.shape_cast %swap3A_235 : vector<16xf32> to vector<16xf32>
    %swap3A_237 = vector.shape_cast %scan3A_232#0 : vector<16xf32> to vector<16xf32>
    tpu.vector_store %arg16[%swap3A_234], %swap3A_237 {add = true, strides = array<i32>} : memref<512xf32, #tpu.memory_space<vmem>>, vector<16xf32>,
    %swap3A_238 = arith.constant 384 : index
    %swap3A_239 = tpu.vector_load %arg16[%swap3A_238] {strides = array<i32>} : memref<512xf32, #tpu.memory_space<vmem>>, vector<16xf32>,
    %swap3A_240 = vector.shape_cast %swap3A_239 : vector<16xf32> to vector<16xf32>
    %swap3A_241 = vector.shape_cast %scan3A_232#8 : vector<16xf32> to vector<16xf32>
    tpu.vector_store %arg16[%swap3A_238], %swap3A_241 {add = true, strides = array<i32>} : memref<512xf32, #tpu.memory_space<vmem>>, vector<16xf32>,
    %swap3A_242 = arith.constant 272 : index
    %swap3A_243 = tpu.vector_load %arg16[%swap3A_242] {strides = array<i32>} : memref<512xf32, #tpu.memory_space<vmem>>, vector<16xf32>,
    %swap3A_244 = vector.shape_cast %swap3A_243 : vector<16xf32> to vector<16xf32>
    %swap3A_245 = vector.shape_cast %scan3A_232#1 : vector<16xf32> to vector<16xf32>
    tpu.vector_store %arg16[%swap3A_242], %swap3A_245 {add = true, strides = array<i32>} : memref<512xf32, #tpu.memory_space<vmem>>, vector<16xf32>,
    %swap3A_246 = arith.constant 400 : index
    %swap3A_247 = tpu.vector_load %arg16[%swap3A_246] {strides = array<i32>} : memref<512xf32, #tpu.memory_space<vmem>>, vector<16xf32>,
    %swap3A_248 = vector.shape_cast %swap3A_247 : vector<16xf32> to vector<16xf32>
    %swap3A_249 = vector.shape_cast %scan3A_232#9 : vector<16xf32> to vector<16xf32>
    tpu.vector_store %arg16[%swap3A_246], %swap3A_249 {add = true, strides = array<i32>} : memref<512xf32, #tpu.memory_space<vmem>>, vector<16xf32>,
    %swap3A_250 = arith.constant 288 : index
    %swap3A_251 = tpu.vector_load %arg16[%swap3A_250] {strides = array<i32>} : memref<512xf32, #tpu.memory_space<vmem>>, vector<16xf32>,
    %swap3A_252 = vector.shape_cast %swap3A_251 : vector<16xf32> to vector<16xf32>
    %swap3A_253 = vector.shape_cast %scan3A_232#2 : vector<16xf32> to vector<16xf32>
    tpu.vector_store %arg16[%swap3A_250], %swap3A_253 {add = true, strides = array<i32>} : memref<512xf32, #tpu.memory_space<vmem>>, vector<16xf32>,
    %swap3A_254 = arith.constant 416 : index
    %swap3A_255 = tpu.vector_load %arg16[%swap3A_254] {strides = array<i32>} : memref<512xf32, #tpu.memory_space<vmem>>, vector<16xf32>,
    %swap3A_256 = vector.shape_cast %swap3A_255 : vector<16xf32> to vector<16xf32>
    %swap3A_257 = vector.shape_cast %scan3A_232#10 : vector<16xf32> to vector<16xf32>
    tpu.vector_store %arg16[%swap3A_254], %swap3A_257 {add = true, strides = array<i32>} : memref<512xf32, #tpu.memory_space<vmem>>, vector<16xf32>,
    %swap3A_258 = arith.constant 304 : index
    %swap3A_259 = tpu.vector_load %arg16[%swap3A_258] {strides = array<i32>} : memref<512xf32, #tpu.memory_space<vmem>>, vector<16xf32>,
    %swap3A_260 = vector.shape_cast %swap3A_259 : vector<16xf32> to vector<16xf32>
    %swap3A_261 = vector.shape_cast %scan3A_232#3 : vector<16xf32> to vector<16xf32>
    tpu.vector_store %arg16[%swap3A_258], %swap3A_261 {add = true, strides = array<i32>} : memref<512xf32, #tpu.memory_space<vmem>>, vector<16xf32>,
    %swap3A_262 = arith.constant 432 : index
    %swap3A_263 = tpu.vector_load %arg16[%swap3A_262] {strides = array<i32>} : memref<512xf32, #tpu.memory_space<vmem>>, vector<16xf32>,
    %swap3A_264 = vector.shape_cast %swap3A_263 : vector<16xf32> to vector<16xf32>
    %swap3A_265 = vector.shape_cast %scan3A_232#11 : vector<16xf32> to vector<16xf32>
    tpu.vector_store %arg16[%swap3A_262], %swap3A_265 {add = true, strides = array<i32>} : memref<512xf32, #tpu.memory_space<vmem>>, vector<16xf32>,
    %swap3A_266 = arith.constant 320 : index
    %swap3A_267 = tpu.vector_load %arg16[%swap3A_266] {strides = array<i32>} : memref<512xf32, #tpu.memory_space<vmem>>, vector<16xf32>,
    %swap3A_268 = vector.shape_cast %swap3A_267 : vector<16xf32> to vector<16xf32>
    %swap3A_269 = vector.shape_cast %scan3A_232#4 : vector<16xf32> to vector<16xf32>
    tpu.vector_store %arg16[%swap3A_266], %swap3A_269 {add = true, strides = array<i32>} : memref<512xf32, #tpu.memory_space<vmem>>, vector<16xf32>,
    %swap3A_270 = arith.constant 448 : index
    %swap3A_271 = tpu.vector_load %arg16[%swap3A_270] {strides = array<i32>} : memref<512xf32, #tpu.memory_space<vmem>>, vector<16xf32>,
    %swap3A_272 = vector.shape_cast %swap3A_271 : vector<16xf32> to vector<16xf32>
    %swap3A_273 = vector.shape_cast %scan3A_232#12 : vector<16xf32> to vector<16xf32>
    tpu.vector_store %arg16[%swap3A_270], %swap3A_273 {add = true, strides = array<i32>} : memref<512xf32, #tpu.memory_space<vmem>>, vector<16xf32>,
    %swap3A_274 = arith.constant 336 : index
    %swap3A_275 = tpu.vector_load %arg16[%swap3A_274] {strides = array<i32>} : memref<512xf32, #tpu.memory_space<vmem>>, vector<16xf32>,
    %swap3A_276 = vector.shape_cast %swap3A_275 : vector<16xf32> to vector<16xf32>
    %swap3A_277 = vector.shape_cast %scan3A_232#5 : vector<16xf32> to vector<16xf32>
    tpu.vector_store %arg16[%swap3A_274], %swap3A_277 {add = true, strides = array<i32>} : memref<512xf32, #tpu.memory_space<vmem>>, vector<16xf32>,
    %swap3A_278 = arith.constant 464 : index
    %swap3A_279 = tpu.vector_load %arg16[%swap3A_278] {strides = array<i32>} : memref<512xf32, #tpu.memory_space<vmem>>, vector<16xf32>,
    %swap3A_280 = vector.shape_cast %swap3A_279 : vector<16xf32> to vector<16xf32>
    %swap3A_281 = vector.shape_cast %scan3A_232#13 : vector<16xf32> to vector<16xf32>
    tpu.vector_store %arg16[%swap3A_278], %swap3A_281 {add = true, strides = array<i32>} : memref<512xf32, #tpu.memory_space<vmem>>, vector<16xf32>,
    %swap3A_282 = arith.constant 352 : index
    %swap3A_283 = tpu.vector_load %arg16[%swap3A_282] {strides = array<i32>} : memref<512xf32, #tpu.memory_space<vmem>>, vector<16xf32>,
    %swap3A_284 = vector.shape_cast %swap3A_283 : vector<16xf32> to vector<16xf32>
    %swap3A_285 = vector.shape_cast %scan3A_232#6 : vector<16xf32> to vector<16xf32>
    tpu.vector_store %arg16[%swap3A_282], %swap3A_285 {add = true, strides = array<i32>} : memref<512xf32, #tpu.memory_space<vmem>>, vector<16xf32>,
    %swap3A_286 = arith.constant 480 : index
    %swap3A_287 = tpu.vector_load %arg16[%swap3A_286] {strides = array<i32>} : memref<512xf32, #tpu.memory_space<vmem>>, vector<16xf32>,
    %swap3A_288 = vector.shape_cast %swap3A_287 : vector<16xf32> to vector<16xf32>
    %swap3A_289 = vector.shape_cast %scan3A_232#14 : vector<16xf32> to vector<16xf32>
    tpu.vector_store %arg16[%swap3A_286], %swap3A_289 {add = true, strides = array<i32>} : memref<512xf32, #tpu.memory_space<vmem>>, vector<16xf32>,
    %swap3A_290 = arith.constant 368 : index
    %swap3A_291 = tpu.vector_load %arg16[%swap3A_290] {strides = array<i32>} : memref<512xf32, #tpu.memory_space<vmem>>, vector<16xf32>,
    %swap3A_292 = vector.shape_cast %swap3A_291 : vector<16xf32> to vector<16xf32>
    %swap3A_293 = vector.shape_cast %scan3A_232#7 : vector<16xf32> to vector<16xf32>
    tpu.vector_store %arg16[%swap3A_290], %swap3A_293 {add = true, strides = array<i32>} : memref<512xf32, #tpu.memory_space<vmem>>, vector<16xf32>,
    %swap3A_294 = arith.constant 496 : index
    %swap3A_295 = tpu.vector_load %arg16[%swap3A_294] {strides = array<i32>} : memref<512xf32, #tpu.memory_space<vmem>>, vector<16xf32>,
    %swap3A_296 = vector.shape_cast %swap3A_295 : vector<16xf32> to vector<16xf32>
    %swap3A_297 = vector.shape_cast %scan3A_232#15 : vector<16xf32> to vector<16xf32>
    tpu.vector_store %arg16[%swap3A_294], %swap3A_297 {add = true, strides = array<i32>} : memref<512xf32, #tpu.memory_space<vmem>>, vector<16xf32>,
    %mul3A_298 = arith.constant 16 : i32
    %mul3A_299 = arith.muli %arg0, %mul3A_298 : i32
    %add3A_300 = arith.addi %mul3A_299, %arg1 : i32
    %mul3A_301 = arith.constant 4 : i32
    %mul3A_302 = arith.muli %add3A_300, %mul3A_301 : i32
    %mul3A_303 = arith.constant 128 : i32
    %mul3A_304 = arith.muli %mul3A_302, %mul3A_303 : i32
    "tpu.region"() ({
      %run_scoped3A = tpu.sem_alloc : memref<!tpu.dma_semaphore, #tpu.memory_space<semaphore_mem>>
      %dma_start3A = tpu.memref_slice %arg7[%mul3A_304] : memref<16384xf32, #tpu.memory_space<hbm>> -> memref<512xf32, #tpu.memory_space<hbm>>
      %dma_start3A_305 = tpu.memref_slice %arg7[%mul3A_304] : memref<16384xf32, #tpu.memory_space<hbm>> -> memref<512xf32, #tpu.memory_space<hbm>>
      tpu.enqueue_dma source(%arg16 : memref<512xf32, #tpu.memory_space<vmem>>) target(%dma_start3A_305 : memref<512xf32, #tpu.memory_space<hbm>>) target_semaphore(%run_scoped3A : memref<!tpu.dma_semaphore, #tpu.memory_space<semaphore_mem>>)
      %dma_wait3A = tpu.memref_slice %arg7[%mul3A_304] : memref<16384xf32, #tpu.memory_space<hbm>> -> memref<512xf32, #tpu.memory_space<hbm>>
      %dma_wait3A_306 = tpu.memref_slice %arg7[%mul3A_304] : memref<16384xf32, #tpu.memory_space<hbm>> -> memref<512xf32, #tpu.memory_space<hbm>>
      tpu.wait_dma2 semaphore(%run_scoped3A : memref<!tpu.dma_semaphore, #tpu.memory_space<semaphore_mem>>) src(%arg16 : memref<512xf32, #tpu.memory_space<vmem>>) dst(%dma_wait3A_306 : memref<512xf32, #tpu.memory_space<hbm>>)
      tpu.yield
    }) : () -> ()
    return
  }
}

#map = affine_map<(d0, d1) -> (0, 0)>
#map1 = affine_map<(d0, d1) -> (0)>
#map2 = affine_map<(d0, d1) -> (0, 0, 0)>
module attributes {stable_mosaic.version = 14 : i64} {
  func.func @_p1_body(%arg0: i32, %arg1: i32, %arg2: memref<320000x128xf32, #tpu.memory_space<hbm>>, %arg3: memref<320000xi32, #tpu.memory_space<hbm>>, %arg4: memref<2x10240x128xf32, #tpu.memory_space<hbm>>, %arg5: memref<4096xf32, #tpu.memory_space<hbm>>, %arg6: memref<128x128xf32, #tpu.memory_space<vmem>>, %arg7: memref<128xi32, #tpu.memory_space<vmem>>, %arg8: memref<16x128xf32, #tpu.memory_space<vmem>>, %arg9: memref<16xi32, #tpu.memory_space<vmem>>, %arg10: memref<128x128xf32, #tpu.memory_space<vmem>>, %arg11: memref<128xf32, #tpu.memory_space<vmem>>, %arg12: memref<10240x128xf32, #tpu.memory_space<vmem_shared>>) attributes {dimension_semantics = [#tpu.dimension_semantics<core_parallel>, #tpu.dimension_semantics<subcore_parallel>], iteration_bounds = array<i64: 2, 16>, scalar_prefetch = 0 : i64, scratch_operands = 7 : i64, tpu.core_type = #tpu.core_type<sc_vector_subcore>, window_params = [{transform_indices = #map}, {transform_indices = #map1}, {transform_indices = #map2}, {transform_indices = #map1}]} {
    %mul3A = arith.constant 2 : i32
    %mul3A_0 = arith.muli %arg1, %mul3A : i32
    %add3A = arith.addi %mul3A_0, %arg0 : i32
    %broadcast_in_dim3A = arith.constant 0.000000e+00 : f32
    %broadcast_in_dim3A_1 = vector.broadcast %broadcast_in_dim3A : f32 to vector<16xf32>
    %scan3A = arith.constant 0 : i32
    %scan3A_2 = arith.constant 0 : i32
    %scan3A_3 = arith.constant 128 : i32
    %scan3A_4 = arith.addi %scan3A_2, %scan3A_3 : i32
    %scan3A_5 = arith.constant 1 : i32
    scf.for %scan3A_100 = %scan3A_2 to %scan3A_4 step %scan3A_5  : i32 {
      %swap3A_101 = arith.index_cast %scan3A_100 : i32 to index
      %swap3A_102 = arith.constant 0 : index
      %swap3A_103 = tpu.vector_load %arg10[%swap3A_101, %swap3A_102] {strides = array<i32>} : memref<128x128xf32, #tpu.memory_space<vmem>>, vector<1x16xf32>,
      %swap3A_104 = vector.shape_cast %swap3A_103 : vector<1x16xf32> to vector<16xf32>
      %swap3A_105 = vector.shape_cast %broadcast_in_dim3A_1 : vector<16xf32> to vector<1x16xf32>
      tpu.vector_store %arg10[%swap3A_101, %swap3A_102], %swap3A_105 {strides = array<i32>} : memref<128x128xf32, #tpu.memory_space<vmem>>, vector<1x16xf32>,
      %swap3A_106 = arith.index_cast %scan3A_100 : i32 to index
      %swap3A_107 = arith.constant 16 : index
      %swap3A_108 = tpu.vector_load %arg10[%swap3A_106, %swap3A_107] {strides = array<i32>} : memref<128x128xf32, #tpu.memory_space<vmem>>, vector<1x16xf32>,
      %swap3A_109 = vector.shape_cast %swap3A_108 : vector<1x16xf32> to vector<16xf32>
      %swap3A_110 = vector.shape_cast %broadcast_in_dim3A_1 : vector<16xf32> to vector<1x16xf32>
      tpu.vector_store %arg10[%swap3A_106, %swap3A_107], %swap3A_110 {strides = array<i32>} : memref<128x128xf32, #tpu.memory_space<vmem>>, vector<1x16xf32>,
      %swap3A_111 = arith.index_cast %scan3A_100 : i32 to index
      %swap3A_112 = arith.constant 32 : index
      %swap3A_113 = tpu.vector_load %arg10[%swap3A_111, %swap3A_112] {strides = array<i32>} : memref<128x128xf32, #tpu.memory_space<vmem>>, vector<1x16xf32>,
      %swap3A_114 = vector.shape_cast %swap3A_113 : vector<1x16xf32> to vector<16xf32>
      %swap3A_115 = vector.shape_cast %broadcast_in_dim3A_1 : vector<16xf32> to vector<1x16xf32>
      tpu.vector_store %arg10[%swap3A_111, %swap3A_112], %swap3A_115 {strides = array<i32>} : memref<128x128xf32, #tpu.memory_space<vmem>>, vector<1x16xf32>,
      %swap3A_116 = arith.index_cast %scan3A_100 : i32 to index
      %swap3A_117 = arith.constant 48 : index
      %swap3A_118 = tpu.vector_load %arg10[%swap3A_116, %swap3A_117] {strides = array<i32>} : memref<128x128xf32, #tpu.memory_space<vmem>>, vector<1x16xf32>,
      %swap3A_119 = vector.shape_cast %swap3A_118 : vector<1x16xf32> to vector<16xf32>
      %swap3A_120 = vector.shape_cast %broadcast_in_dim3A_1 : vector<16xf32> to vector<1x16xf32>
      tpu.vector_store %arg10[%swap3A_116, %swap3A_117], %swap3A_120 {strides = array<i32>} : memref<128x128xf32, #tpu.memory_space<vmem>>, vector<1x16xf32>,
      %swap3A_121 = arith.index_cast %scan3A_100 : i32 to index
      %swap3A_122 = arith.constant 64 : index
      %swap3A_123 = tpu.vector_load %arg10[%swap3A_121, %swap3A_122] {strides = array<i32>} : memref<128x128xf32, #tpu.memory_space<vmem>>, vector<1x16xf32>,
      %swap3A_124 = vector.shape_cast %swap3A_123 : vector<1x16xf32> to vector<16xf32>
      %swap3A_125 = vector.shape_cast %broadcast_in_dim3A_1 : vector<16xf32> to vector<1x16xf32>
      tpu.vector_store %arg10[%swap3A_121, %swap3A_122], %swap3A_125 {strides = array<i32>} : memref<128x128xf32, #tpu.memory_space<vmem>>, vector<1x16xf32>,
      %swap3A_126 = arith.index_cast %scan3A_100 : i32 to index
      %swap3A_127 = arith.constant 80 : index
      %swap3A_128 = tpu.vector_load %arg10[%swap3A_126, %swap3A_127] {strides = array<i32>} : memref<128x128xf32, #tpu.memory_space<vmem>>, vector<1x16xf32>,
      %swap3A_129 = vector.shape_cast %swap3A_128 : vector<1x16xf32> to vector<16xf32>
      %swap3A_130 = vector.shape_cast %broadcast_in_dim3A_1 : vector<16xf32> to vector<1x16xf32>
      tpu.vector_store %arg10[%swap3A_126, %swap3A_127], %swap3A_130 {strides = array<i32>} : memref<128x128xf32, #tpu.memory_space<vmem>>, vector<1x16xf32>,
      %swap3A_131 = arith.index_cast %scan3A_100 : i32 to index
      %swap3A_132 = arith.constant 96 : index
      %swap3A_133 = tpu.vector_load %arg10[%swap3A_131, %swap3A_132] {strides = array<i32>} : memref<128x128xf32, #tpu.memory_space<vmem>>, vector<1x16xf32>,
      %swap3A_134 = vector.shape_cast %swap3A_133 : vector<1x16xf32> to vector<16xf32>
      %swap3A_135 = vector.shape_cast %broadcast_in_dim3A_1 : vector<16xf32> to vector<1x16xf32>
      tpu.vector_store %arg10[%swap3A_131, %swap3A_132], %swap3A_135 {strides = array<i32>} : memref<128x128xf32, #tpu.memory_space<vmem>>, vector<1x16xf32>,
      %swap3A_136 = arith.index_cast %scan3A_100 : i32 to index
      %swap3A_137 = arith.constant 112 : index
      %swap3A_138 = tpu.vector_load %arg10[%swap3A_136, %swap3A_137] {strides = array<i32>} : memref<128x128xf32, #tpu.memory_space<vmem>>, vector<1x16xf32>,
      %swap3A_139 = vector.shape_cast %swap3A_138 : vector<1x16xf32> to vector<16xf32>
      %swap3A_140 = vector.shape_cast %broadcast_in_dim3A_1 : vector<16xf32> to vector<1x16xf32>
      tpu.vector_store %arg10[%swap3A_136, %swap3A_137], %swap3A_140 {strides = array<i32>} : memref<128x128xf32, #tpu.memory_space<vmem>>, vector<1x16xf32>,
    }
    %scan3A_6 = arith.constant 128 : i32
    %mul3A_7 = arith.constant 640 : i32
    %mul3A_8 = arith.muli %arg1, %mul3A_7 : i32
    %add3A_9 = arith.constant 0 : i32
    %add3A_10 = arith.addi %mul3A_8, %add3A_9 : i32
    "tpu.region"() ({
      %run_scoped3A = tpu.sem_alloc : memref<!tpu.dma_semaphore, #tpu.memory_space<semaphore_mem>>
      %dma_start3A = arith.constant 0 : i32
      %dma_start3A_100 = tpu.memref_slice %arg12[%add3A_10, %dma_start3A] : memref<10240x128xf32, #tpu.memory_space<vmem_shared>> -> memref<128x128xf32, #tpu.memory_space<vmem_shared>>
      %dma_start3A_101 = arith.constant 0 : i32
      %dma_start3A_102 = tpu.memref_slice %arg12[%add3A_10, %dma_start3A_101] : memref<10240x128xf32, #tpu.memory_space<vmem_shared>> -> memref<128x128xf32, #tpu.memory_space<vmem_shared>>
      tpu.enqueue_dma source(%arg10 : memref<128x128xf32, #tpu.memory_space<vmem>>) target(%dma_start3A_102 : memref<128x128xf32, #tpu.memory_space<vmem_shared>>) target_semaphore(%run_scoped3A : memref<!tpu.dma_semaphore, #tpu.memory_space<semaphore_mem>>)
      %dma_wait3A = arith.constant 0 : i32
      %dma_wait3A_103 = tpu.memref_slice %arg12[%add3A_10, %dma_wait3A] : memref<10240x128xf32, #tpu.memory_space<vmem_shared>> -> memref<128x128xf32, #tpu.memory_space<vmem_shared>>
      %dma_wait3A_104 = arith.constant 0 : i32
      %dma_wait3A_105 = tpu.memref_slice %arg12[%add3A_10, %dma_wait3A_104] : memref<10240x128xf32, #tpu.memory_space<vmem_shared>> -> memref<128x128xf32, #tpu.memory_space<vmem_shared>>
      tpu.wait_dma2 semaphore(%run_scoped3A : memref<!tpu.dma_semaphore, #tpu.memory_space<semaphore_mem>>) src(%arg10 : memref<128x128xf32, #tpu.memory_space<vmem>>) dst(%dma_wait3A_105 : memref<128x128xf32, #tpu.memory_space<vmem_shared>>)
      tpu.yield
    }) : () -> ()
    %mul3A_11 = arith.constant 640 : i32
    %mul3A_12 = arith.muli %arg1, %mul3A_11 : i32
    %add3A_13 = arith.constant 128 : i32
    %add3A_14 = arith.addi %mul3A_12, %add3A_13 : i32
    "tpu.region"() ({
      %run_scoped3A = tpu.sem_alloc : memref<!tpu.dma_semaphore, #tpu.memory_space<semaphore_mem>>
      %dma_start3A = arith.constant 0 : i32
      %dma_start3A_100 = tpu.memref_slice %arg12[%add3A_14, %dma_start3A] : memref<10240x128xf32, #tpu.memory_space<vmem_shared>> -> memref<128x128xf32, #tpu.memory_space<vmem_shared>>
      %dma_start3A_101 = arith.constant 0 : i32
      %dma_start3A_102 = tpu.memref_slice %arg12[%add3A_14, %dma_start3A_101] : memref<10240x128xf32, #tpu.memory_space<vmem_shared>> -> memref<128x128xf32, #tpu.memory_space<vmem_shared>>
      tpu.enqueue_dma source(%arg10 : memref<128x128xf32, #tpu.memory_space<vmem>>) target(%dma_start3A_102 : memref<128x128xf32, #tpu.memory_space<vmem_shared>>) target_semaphore(%run_scoped3A : memref<!tpu.dma_semaphore, #tpu.memory_space<semaphore_mem>>)
      %dma_wait3A = arith.constant 0 : i32
      %dma_wait3A_103 = tpu.memref_slice %arg12[%add3A_14, %dma_wait3A] : memref<10240x128xf32, #tpu.memory_space<vmem_shared>> -> memref<128x128xf32, #tpu.memory_space<vmem_shared>>
      %dma_wait3A_104 = arith.constant 0 : i32
      %dma_wait3A_105 = tpu.memref_slice %arg12[%add3A_14, %dma_wait3A_104] : memref<10240x128xf32, #tpu.memory_space<vmem_shared>> -> memref<128x128xf32, #tpu.memory_space<vmem_shared>>
      tpu.wait_dma2 semaphore(%run_scoped3A : memref<!tpu.dma_semaphore, #tpu.memory_space<semaphore_mem>>) src(%arg10 : memref<128x128xf32, #tpu.memory_space<vmem>>) dst(%dma_wait3A_105 : memref<128x128xf32, #tpu.memory_space<vmem_shared>>)
      tpu.yield
    }) : () -> ()
    %mul3A_15 = arith.constant 640 : i32
    %mul3A_16 = arith.muli %arg1, %mul3A_15 : i32
    %add3A_17 = arith.constant 256 : i32
    %add3A_18 = arith.addi %mul3A_16, %add3A_17 : i32
    "tpu.region"() ({
      %run_scoped3A = tpu.sem_alloc : memref<!tpu.dma_semaphore, #tpu.memory_space<semaphore_mem>>
      %dma_start3A = arith.constant 0 : i32
      %dma_start3A_100 = tpu.memref_slice %arg12[%add3A_18, %dma_start3A] : memref<10240x128xf32, #tpu.memory_space<vmem_shared>> -> memref<128x128xf32, #tpu.memory_space<vmem_shared>>
      %dma_start3A_101 = arith.constant 0 : i32
      %dma_start3A_102 = tpu.memref_slice %arg12[%add3A_18, %dma_start3A_101] : memref<10240x128xf32, #tpu.memory_space<vmem_shared>> -> memref<128x128xf32, #tpu.memory_space<vmem_shared>>
      tpu.enqueue_dma source(%arg10 : memref<128x128xf32, #tpu.memory_space<vmem>>) target(%dma_start3A_102 : memref<128x128xf32, #tpu.memory_space<vmem_shared>>) target_semaphore(%run_scoped3A : memref<!tpu.dma_semaphore, #tpu.memory_space<semaphore_mem>>)
      %dma_wait3A = arith.constant 0 : i32
      %dma_wait3A_103 = tpu.memref_slice %arg12[%add3A_18, %dma_wait3A] : memref<10240x128xf32, #tpu.memory_space<vmem_shared>> -> memref<128x128xf32, #tpu.memory_space<vmem_shared>>
      %dma_wait3A_104 = arith.constant 0 : i32
      %dma_wait3A_105 = tpu.memref_slice %arg12[%add3A_18, %dma_wait3A_104] : memref<10240x128xf32, #tpu.memory_space<vmem_shared>> -> memref<128x128xf32, #tpu.memory_space<vmem_shared>>
      tpu.wait_dma2 semaphore(%run_scoped3A : memref<!tpu.dma_semaphore, #tpu.memory_space<semaphore_mem>>) src(%arg10 : memref<128x128xf32, #tpu.memory_space<vmem>>) dst(%dma_wait3A_105 : memref<128x128xf32, #tpu.memory_space<vmem_shared>>)
      tpu.yield
    }) : () -> ()
    %mul3A_19 = arith.constant 640 : i32
    %mul3A_20 = arith.muli %arg1, %mul3A_19 : i32
    %add3A_21 = arith.constant 384 : i32
    %add3A_22 = arith.addi %mul3A_20, %add3A_21 : i32
    "tpu.region"() ({
      %run_scoped3A = tpu.sem_alloc : memref<!tpu.dma_semaphore, #tpu.memory_space<semaphore_mem>>
      %dma_start3A = arith.constant 0 : i32
      %dma_start3A_100 = tpu.memref_slice %arg12[%add3A_22, %dma_start3A] : memref<10240x128xf32, #tpu.memory_space<vmem_shared>> -> memref<128x128xf32, #tpu.memory_space<vmem_shared>>
      %dma_start3A_101 = arith.constant 0 : i32
      %dma_start3A_102 = tpu.memref_slice %arg12[%add3A_22, %dma_start3A_101] : memref<10240x128xf32, #tpu.memory_space<vmem_shared>> -> memref<128x128xf32, #tpu.memory_space<vmem_shared>>
      tpu.enqueue_dma source(%arg10 : memref<128x128xf32, #tpu.memory_space<vmem>>) target(%dma_start3A_102 : memref<128x128xf32, #tpu.memory_space<vmem_shared>>) target_semaphore(%run_scoped3A : memref<!tpu.dma_semaphore, #tpu.memory_space<semaphore_mem>>)
      %dma_wait3A = arith.constant 0 : i32
      %dma_wait3A_103 = tpu.memref_slice %arg12[%add3A_22, %dma_wait3A] : memref<10240x128xf32, #tpu.memory_space<vmem_shared>> -> memref<128x128xf32, #tpu.memory_space<vmem_shared>>
      %dma_wait3A_104 = arith.constant 0 : i32
      %dma_wait3A_105 = tpu.memref_slice %arg12[%add3A_22, %dma_wait3A_104] : memref<10240x128xf32, #tpu.memory_space<vmem_shared>> -> memref<128x128xf32, #tpu.memory_space<vmem_shared>>
      tpu.wait_dma2 semaphore(%run_scoped3A : memref<!tpu.dma_semaphore, #tpu.memory_space<semaphore_mem>>) src(%arg10 : memref<128x128xf32, #tpu.memory_space<vmem>>) dst(%dma_wait3A_105 : memref<128x128xf32, #tpu.memory_space<vmem_shared>>)
      tpu.yield
    }) : () -> ()
    %mul3A_23 = arith.constant 640 : i32
    %mul3A_24 = arith.muli %arg1, %mul3A_23 : i32
    %add3A_25 = arith.constant 512 : i32
    %add3A_26 = arith.addi %mul3A_24, %add3A_25 : i32
    "tpu.region"() ({
      %run_scoped3A = tpu.sem_alloc : memref<!tpu.dma_semaphore, #tpu.memory_space<semaphore_mem>>
      %dma_start3A = arith.constant 0 : i32
      %dma_start3A_100 = tpu.memref_slice %arg12[%add3A_26, %dma_start3A] : memref<10240x128xf32, #tpu.memory_space<vmem_shared>> -> memref<128x128xf32, #tpu.memory_space<vmem_shared>>
      %dma_start3A_101 = arith.constant 0 : i32
      %dma_start3A_102 = tpu.memref_slice %arg12[%add3A_26, %dma_start3A_101] : memref<10240x128xf32, #tpu.memory_space<vmem_shared>> -> memref<128x128xf32, #tpu.memory_space<vmem_shared>>
      tpu.enqueue_dma source(%arg10 : memref<128x128xf32, #tpu.memory_space<vmem>>) target(%dma_start3A_102 : memref<128x128xf32, #tpu.memory_space<vmem_shared>>) target_semaphore(%run_scoped3A : memref<!tpu.dma_semaphore, #tpu.memory_space<semaphore_mem>>)
      %dma_wait3A = arith.constant 0 : i32
      %dma_wait3A_103 = tpu.memref_slice %arg12[%add3A_26, %dma_wait3A] : memref<10240x128xf32, #tpu.memory_space<vmem_shared>> -> memref<128x128xf32, #tpu.memory_space<vmem_shared>>
      %dma_wait3A_104 = arith.constant 0 : i32
      %dma_wait3A_105 = tpu.memref_slice %arg12[%add3A_26, %dma_wait3A_104] : memref<10240x128xf32, #tpu.memory_space<vmem_shared>> -> memref<128x128xf32, #tpu.memory_space<vmem_shared>>
      tpu.wait_dma2 semaphore(%run_scoped3A : memref<!tpu.dma_semaphore, #tpu.memory_space<semaphore_mem>>) src(%arg10 : memref<128x128xf32, #tpu.memory_space<vmem>>) dst(%dma_wait3A_105 : memref<128x128xf32, #tpu.memory_space<vmem_shared>>)
      tpu.yield
    }) : () -> ()
    %barrier3A = arith.constant 0 : index
    tpu.barrier barrier_id(%barrier3A)
    %mul3A_27 = arith.constant 10000 : i32
    %mul3A_28 = arith.muli %add3A, %mul3A_27 : i32
    %scan3A_29 = arith.constant 0 : i32
    %scan3A_30 = arith.constant 78 : i32
    %scan3A_31 = arith.addi %scan3A_29, %scan3A_30 : i32
    %scan3A_32 = arith.constant 1 : i32
    %scan3A_33:8 = scf.for %scan3A_100 = %scan3A_29 to %scan3A_31 step %scan3A_32 iter_args(%scan3A_101 = %broadcast_in_dim3A_1, %scan3A_102 = %broadcast_in_dim3A_1, %scan3A_103 = %broadcast_in_dim3A_1, %scan3A_104 = %broadcast_in_dim3A_1, %scan3A_105 = %broadcast_in_dim3A_1, %scan3A_106 = %broadcast_in_dim3A_1, %scan3A_107 = %broadcast_in_dim3A_1, %scan3A_108 = %broadcast_in_dim3A_1) -> (vector<16xf32>, vector<16xf32>, vector<16xf32>, vector<16xf32>, vector<16xf32>, vector<16xf32>, vector<16xf32>, vector<16xf32>)  : i32 {
      %mul3A_109 = arith.constant 128 : i32
      %mul3A_110 = arith.muli %scan3A_100, %mul3A_109 : i32
      %add3A_111 = arith.addi %mul3A_28, %mul3A_110 : i32
      "tpu.region"() ({
        %run_scoped3A = tpu.sem_alloc : memref<!tpu.dma_semaphore, #tpu.memory_space<semaphore_mem>>
        %dma_start3A = tpu.memref_slice %arg3[%add3A_111] : memref<320000xi32, #tpu.memory_space<hbm>> -> memref<128xi32, #tpu.memory_space<hbm>>
        %dma_start3A_118 = tpu.memref_slice %arg3[%add3A_111] : memref<320000xi32, #tpu.memory_space<hbm>> -> memref<128xi32, #tpu.memory_space<hbm>>
        tpu.enqueue_dma source(%dma_start3A_118 : memref<128xi32, #tpu.memory_space<hbm>>) target(%arg7 : memref<128xi32, #tpu.memory_space<vmem>>) target_semaphore(%run_scoped3A : memref<!tpu.dma_semaphore, #tpu.memory_space<semaphore_mem>>)
        %dma_wait3A = tpu.memref_slice %arg3[%add3A_111] : memref<320000xi32, #tpu.memory_space<hbm>> -> memref<128xi32, #tpu.memory_space<hbm>>
        %dma_wait3A_119 = tpu.memref_slice %arg3[%add3A_111] : memref<320000xi32, #tpu.memory_space<hbm>> -> memref<128xi32, #tpu.memory_space<hbm>>
        tpu.wait_dma2 semaphore(%run_scoped3A : memref<!tpu.dma_semaphore, #tpu.memory_space<semaphore_mem>>) src(%dma_wait3A_119 : memref<128xi32, #tpu.memory_space<hbm>>) dst(%arg7 : memref<128xi32, #tpu.memory_space<vmem>>)
        tpu.yield
      }) : () -> ()
      "tpu.region"() ({
        %run_scoped3A = tpu.sem_alloc : memref<!tpu.dma_semaphore, #tpu.memory_space<semaphore_mem>>
        %dma_start3A = arith.constant 0 : i32
        %dma_start3A_118 = tpu.memref_slice %arg2[%add3A_111, %dma_start3A] : memref<320000x128xf32, #tpu.memory_space<hbm>> -> memref<128x128xf32, #tpu.memory_space<hbm>>
        %dma_start3A_119 = arith.constant 0 : i32
        %dma_start3A_120 = tpu.memref_slice %arg2[%add3A_111, %dma_start3A_119] : memref<320000x128xf32, #tpu.memory_space<hbm>> -> memref<128x128xf32, #tpu.memory_space<hbm>>
        tpu.enqueue_dma source(%dma_start3A_120 : memref<128x128xf32, #tpu.memory_space<hbm>>) target(%arg6 : memref<128x128xf32, #tpu.memory_space<vmem>>) target_semaphore(%run_scoped3A : memref<!tpu.dma_semaphore, #tpu.memory_space<semaphore_mem>>)
        %dma_wait3A = arith.constant 0 : i32
        %dma_wait3A_121 = tpu.memref_slice %arg2[%add3A_111, %dma_wait3A] : memref<320000x128xf32, #tpu.memory_space<hbm>> -> memref<128x128xf32, #tpu.memory_space<hbm>>
        %dma_wait3A_122 = arith.constant 0 : i32
        %dma_wait3A_123 = tpu.memref_slice %arg2[%add3A_111, %dma_wait3A_122] : memref<320000x128xf32, #tpu.memory_space<hbm>> -> memref<128x128xf32, #tpu.memory_space<hbm>>
        tpu.wait_dma2 semaphore(%run_scoped3A : memref<!tpu.dma_semaphore, #tpu.memory_space<semaphore_mem>>) src(%dma_wait3A_123 : memref<128x128xf32, #tpu.memory_space<hbm>>) dst(%arg6 : memref<128x128xf32, #tpu.memory_space<vmem>>)
        tpu.yield
      }) : () -> ()
      "tpu.region"() ({
        %run_scoped3A = tpu.sem_alloc : memref<!tpu.dma_semaphore, #tpu.memory_space<semaphore_mem>>
        %dma_start3A = arith.constant 0 : i32
        %dma_start3A_118 = arith.constant 0 : i32
        %dma_start3A_119 = tpu.memref_slice %arg12[%dma_start3A, %dma_start3A_118] : memref<10240x128xf32, #tpu.memory_space<vmem_shared>> -> memref<10240x128xf32, #tpu.memory_space<vmem_shared>>
        tpu.enqueue_indirect_dma source(%arg6 : memref<128x128xf32, #tpu.memory_space<vmem>>) target(%dma_start3A_119 : memref<10240x128xf32, #tpu.memory_space<vmem_shared>>) offsets(%arg7 : memref<128xi32, #tpu.memory_space<vmem>>) semaphore(%run_scoped3A : memref<!tpu.dma_semaphore, #tpu.memory_space<semaphore_mem>>) {add = true}
        %dma_wait3A = arith.constant 0 : i32
        %dma_wait3A_120 = arith.constant 0 : i32
        %dma_wait3A_121 = tpu.memref_slice %arg12[%dma_wait3A, %dma_wait3A_120] : memref<10240x128xf32, #tpu.memory_space<vmem_shared>> -> memref<10240x128xf32, #tpu.memory_space<vmem_shared>>
        tpu.wait_indirect_dma semaphore(%run_scoped3A : memref<!tpu.dma_semaphore, #tpu.memory_space<semaphore_mem>>) src(%arg6 : memref<128x128xf32, #tpu.memory_space<vmem>>) dst(%dma_wait3A_121 : memref<10240x128xf32, #tpu.memory_space<vmem_shared>>)
        tpu.yield
      }) : () -> ()
      %scan3A_112 = arith.constant 0 : i32
      %scan3A_113 = arith.constant 128 : i32
      %scan3A_114 = arith.addi %scan3A_112, %scan3A_113 : i32
      %scan3A_115 = arith.constant 1 : i32
      %scan3A_116:8 = scf.for %scan3A_118 = %scan3A_112 to %scan3A_114 step %scan3A_115 iter_args(%scan3A_119 = %scan3A_101, %scan3A_120 = %scan3A_102, %scan3A_121 = %scan3A_103, %scan3A_122 = %scan3A_104, %scan3A_123 = %scan3A_105, %scan3A_124 = %scan3A_106, %scan3A_125 = %scan3A_107, %scan3A_126 = %scan3A_108) -> (vector<16xf32>, vector<16xf32>, vector<16xf32>, vector<16xf32>, vector<16xf32>, vector<16xf32>, vector<16xf32>, vector<16xf32>)  : i32 {
        %get3A = arith.index_cast %scan3A_118 : i32 to index
        %get3A_127 = arith.constant 0 : index
        %get3A_128 = tpu.vector_load %arg6[%get3A, %get3A_127] {strides = array<i32>} : memref<128x128xf32, #tpu.memory_space<vmem>>, vector<1x16xf32>,
        %get3A_129 = vector.shape_cast %get3A_128 : vector<1x16xf32> to vector<16xf32>
        %get3A_130 = arith.index_cast %scan3A_118 : i32 to index
        %get3A_131 = arith.constant 16 : index
        %get3A_132 = tpu.vector_load %arg6[%get3A_130, %get3A_131] {strides = array<i32>} : memref<128x128xf32, #tpu.memory_space<vmem>>, vector<1x16xf32>,
        %get3A_133 = vector.shape_cast %get3A_132 : vector<1x16xf32> to vector<16xf32>
        %get3A_134 = arith.index_cast %scan3A_118 : i32 to index
        %get3A_135 = arith.constant 32 : index
        %get3A_136 = tpu.vector_load %arg6[%get3A_134, %get3A_135] {strides = array<i32>} : memref<128x128xf32, #tpu.memory_space<vmem>>, vector<1x16xf32>,
        %get3A_137 = vector.shape_cast %get3A_136 : vector<1x16xf32> to vector<16xf32>
        %get3A_138 = arith.index_cast %scan3A_118 : i32 to index
        %get3A_139 = arith.constant 48 : index
        %get3A_140 = tpu.vector_load %arg6[%get3A_138, %get3A_139] {strides = array<i32>} : memref<128x128xf32, #tpu.memory_space<vmem>>, vector<1x16xf32>,
        %get3A_141 = vector.shape_cast %get3A_140 : vector<1x16xf32> to vector<16xf32>
        %get3A_142 = arith.index_cast %scan3A_118 : i32 to index
        %get3A_143 = arith.constant 64 : index
        %get3A_144 = tpu.vector_load %arg6[%get3A_142, %get3A_143] {strides = array<i32>} : memref<128x128xf32, #tpu.memory_space<vmem>>, vector<1x16xf32>,
        %get3A_145 = vector.shape_cast %get3A_144 : vector<1x16xf32> to vector<16xf32>
        %get3A_146 = arith.index_cast %scan3A_118 : i32 to index
        %get3A_147 = arith.constant 80 : index
        %get3A_148 = tpu.vector_load %arg6[%get3A_146, %get3A_147] {strides = array<i32>} : memref<128x128xf32, #tpu.memory_space<vmem>>, vector<1x16xf32>,
        %get3A_149 = vector.shape_cast %get3A_148 : vector<1x16xf32> to vector<16xf32>
        %get3A_150 = arith.index_cast %scan3A_118 : i32 to index
        %get3A_151 = arith.constant 96 : index
        %get3A_152 = tpu.vector_load %arg6[%get3A_150, %get3A_151] {strides = array<i32>} : memref<128x128xf32, #tpu.memory_space<vmem>>, vector<1x16xf32>,
        %get3A_153 = vector.shape_cast %get3A_152 : vector<1x16xf32> to vector<16xf32>
        %get3A_154 = arith.index_cast %scan3A_118 : i32 to index
        %get3A_155 = arith.constant 112 : index
        %get3A_156 = tpu.vector_load %arg6[%get3A_154, %get3A_155] {strides = array<i32>} : memref<128x128xf32, #tpu.memory_space<vmem>>, vector<1x16xf32>,
        %get3A_157 = vector.shape_cast %get3A_156 : vector<1x16xf32> to vector<16xf32>
        %mul3A_158 = arith.mulf %get3A_129, %get3A_129 : vector<16xf32>
        %add3A_159 = arith.addf %scan3A_119, %mul3A_158 : vector<16xf32>
        %mul3A_160 = arith.mulf %get3A_133, %get3A_133 : vector<16xf32>
        %add3A_161 = arith.addf %scan3A_120, %mul3A_160 : vector<16xf32>
        %mul3A_162 = arith.mulf %get3A_137, %get3A_137 : vector<16xf32>
        %add3A_163 = arith.addf %scan3A_121, %mul3A_162 : vector<16xf32>
        %mul3A_164 = arith.mulf %get3A_141, %get3A_141 : vector<16xf32>
        %add3A_165 = arith.addf %scan3A_122, %mul3A_164 : vector<16xf32>
        %mul3A_166 = arith.mulf %get3A_145, %get3A_145 : vector<16xf32>
        %add3A_167 = arith.addf %scan3A_123, %mul3A_166 : vector<16xf32>
        %mul3A_168 = arith.mulf %get3A_149, %get3A_149 : vector<16xf32>
        %add3A_169 = arith.addf %scan3A_124, %mul3A_168 : vector<16xf32>
        %mul3A_170 = arith.mulf %get3A_153, %get3A_153 : vector<16xf32>
        %add3A_171 = arith.addf %scan3A_125, %mul3A_170 : vector<16xf32>
        %mul3A_172 = arith.mulf %get3A_157, %get3A_157 : vector<16xf32>
        %add3A_173 = arith.addf %scan3A_126, %mul3A_172 : vector<16xf32>
        scf.yield %add3A_159, %add3A_161, %add3A_163, %add3A_165, %add3A_167, %add3A_169, %add3A_171, %add3A_173 : vector<16xf32>, vector<16xf32>, vector<16xf32>, vector<16xf32>, vector<16xf32>, vector<16xf32>, vector<16xf32>, vector<16xf32>
      }
      %scan3A_117 = arith.constant 128 : i32
      scf.yield %scan3A_116#0, %scan3A_116#1, %scan3A_116#2, %scan3A_116#3, %scan3A_116#4, %scan3A_116#5, %scan3A_116#6, %scan3A_116#7 : vector<16xf32>, vector<16xf32>, vector<16xf32>, vector<16xf32>, vector<16xf32>, vector<16xf32>, vector<16xf32>, vector<16xf32>
    }
    %scan3A_34 = arith.constant 78 : i32
    %add3A_35 = arith.constant 9984 : i32
    %add3A_36 = arith.addi %mul3A_28, %add3A_35 : i32
    "tpu.region"() ({
      %run_scoped3A = tpu.sem_alloc : memref<!tpu.dma_semaphore, #tpu.memory_space<semaphore_mem>>
      %dma_start3A = tpu.memref_slice %arg3[%add3A_36] : memref<320000xi32, #tpu.memory_space<hbm>> -> memref<16xi32, #tpu.memory_space<hbm>>
      %dma_start3A_100 = tpu.memref_slice %arg3[%add3A_36] : memref<320000xi32, #tpu.memory_space<hbm>> -> memref<16xi32, #tpu.memory_space<hbm>>
      tpu.enqueue_dma source(%dma_start3A_100 : memref<16xi32, #tpu.memory_space<hbm>>) target(%arg9 : memref<16xi32, #tpu.memory_space<vmem>>) target_semaphore(%run_scoped3A : memref<!tpu.dma_semaphore, #tpu.memory_space<semaphore_mem>>)
      %dma_wait3A = tpu.memref_slice %arg3[%add3A_36] : memref<320000xi32, #tpu.memory_space<hbm>> -> memref<16xi32, #tpu.memory_space<hbm>>
      %dma_wait3A_101 = tpu.memref_slice %arg3[%add3A_36] : memref<320000xi32, #tpu.memory_space<hbm>> -> memref<16xi32, #tpu.memory_space<hbm>>
      tpu.wait_dma2 semaphore(%run_scoped3A : memref<!tpu.dma_semaphore, #tpu.memory_space<semaphore_mem>>) src(%dma_wait3A_101 : memref<16xi32, #tpu.memory_space<hbm>>) dst(%arg9 : memref<16xi32, #tpu.memory_space<vmem>>)
      tpu.yield
    }) : () -> ()
    "tpu.region"() ({
      %run_scoped3A = tpu.sem_alloc : memref<!tpu.dma_semaphore, #tpu.memory_space<semaphore_mem>>
      %dma_start3A = arith.constant 0 : i32
      %dma_start3A_100 = tpu.memref_slice %arg2[%add3A_36, %dma_start3A] : memref<320000x128xf32, #tpu.memory_space<hbm>> -> memref<16x128xf32, #tpu.memory_space<hbm>>
      %dma_start3A_101 = arith.constant 0 : i32
      %dma_start3A_102 = tpu.memref_slice %arg2[%add3A_36, %dma_start3A_101] : memref<320000x128xf32, #tpu.memory_space<hbm>> -> memref<16x128xf32, #tpu.memory_space<hbm>>
      tpu.enqueue_dma source(%dma_start3A_102 : memref<16x128xf32, #tpu.memory_space<hbm>>) target(%arg8 : memref<16x128xf32, #tpu.memory_space<vmem>>) target_semaphore(%run_scoped3A : memref<!tpu.dma_semaphore, #tpu.memory_space<semaphore_mem>>)
      %dma_wait3A = arith.constant 0 : i32
      %dma_wait3A_103 = tpu.memref_slice %arg2[%add3A_36, %dma_wait3A] : memref<320000x128xf32, #tpu.memory_space<hbm>> -> memref<16x128xf32, #tpu.memory_space<hbm>>
      %dma_wait3A_104 = arith.constant 0 : i32
      %dma_wait3A_105 = tpu.memref_slice %arg2[%add3A_36, %dma_wait3A_104] : memref<320000x128xf32, #tpu.memory_space<hbm>> -> memref<16x128xf32, #tpu.memory_space<hbm>>
      tpu.wait_dma2 semaphore(%run_scoped3A : memref<!tpu.dma_semaphore, #tpu.memory_space<semaphore_mem>>) src(%dma_wait3A_105 : memref<16x128xf32, #tpu.memory_space<hbm>>) dst(%arg8 : memref<16x128xf32, #tpu.memory_space<vmem>>)
      tpu.yield
    }) : () -> ()
    "tpu.region"() ({
      %run_scoped3A = tpu.sem_alloc : memref<!tpu.dma_semaphore, #tpu.memory_space<semaphore_mem>>
      %dma_start3A = arith.constant 0 : i32
      %dma_start3A_100 = arith.constant 0 : i32
      %dma_start3A_101 = tpu.memref_slice %arg12[%dma_start3A, %dma_start3A_100] : memref<10240x128xf32, #tpu.memory_space<vmem_shared>> -> memref<10240x128xf32, #tpu.memory_space<vmem_shared>>
      tpu.enqueue_indirect_dma source(%arg8 : memref<16x128xf32, #tpu.memory_space<vmem>>) target(%dma_start3A_101 : memref<10240x128xf32, #tpu.memory_space<vmem_shared>>) offsets(%arg9 : memref<16xi32, #tpu.memory_space<vmem>>) semaphore(%run_scoped3A : memref<!tpu.dma_semaphore, #tpu.memory_space<semaphore_mem>>) {add = true}
      %dma_wait3A = arith.constant 0 : i32
      %dma_wait3A_102 = arith.constant 0 : i32
      %dma_wait3A_103 = tpu.memref_slice %arg12[%dma_wait3A, %dma_wait3A_102] : memref<10240x128xf32, #tpu.memory_space<vmem_shared>> -> memref<10240x128xf32, #tpu.memory_space<vmem_shared>>
      tpu.wait_indirect_dma semaphore(%run_scoped3A : memref<!tpu.dma_semaphore, #tpu.memory_space<semaphore_mem>>) src(%arg8 : memref<16x128xf32, #tpu.memory_space<vmem>>) dst(%dma_wait3A_103 : memref<10240x128xf32, #tpu.memory_space<vmem_shared>>)
      tpu.yield
    }) : () -> ()
    %scan3A_37 = arith.constant 0 : i32
    %scan3A_38 = arith.constant 16 : i32
    %scan3A_39 = arith.addi %scan3A_37, %scan3A_38 : i32
    %scan3A_40 = arith.constant 1 : i32
    %scan3A_41:8 = scf.for %scan3A_100 = %scan3A_37 to %scan3A_39 step %scan3A_40 iter_args(%scan3A_101 = %scan3A_33#0, %scan3A_102 = %scan3A_33#1, %scan3A_103 = %scan3A_33#2, %scan3A_104 = %scan3A_33#3, %scan3A_105 = %scan3A_33#4, %scan3A_106 = %scan3A_33#5, %scan3A_107 = %scan3A_33#6, %scan3A_108 = %scan3A_33#7) -> (vector<16xf32>, vector<16xf32>, vector<16xf32>, vector<16xf32>, vector<16xf32>, vector<16xf32>, vector<16xf32>, vector<16xf32>)  : i32 {
      %get3A = arith.index_cast %scan3A_100 : i32 to index
      %get3A_109 = arith.constant 0 : index
      %get3A_110 = tpu.vector_load %arg8[%get3A, %get3A_109] {strides = array<i32>} : memref<16x128xf32, #tpu.memory_space<vmem>>, vector<1x16xf32>,
      %get3A_111 = vector.shape_cast %get3A_110 : vector<1x16xf32> to vector<16xf32>
      %get3A_112 = arith.index_cast %scan3A_100 : i32 to index
      %get3A_113 = arith.constant 16 : index
      %get3A_114 = tpu.vector_load %arg8[%get3A_112, %get3A_113] {strides = array<i32>} : memref<16x128xf32, #tpu.memory_space<vmem>>, vector<1x16xf32>,
      %get3A_115 = vector.shape_cast %get3A_114 : vector<1x16xf32> to vector<16xf32>
      %get3A_116 = arith.index_cast %scan3A_100 : i32 to index
      %get3A_117 = arith.constant 32 : index
      %get3A_118 = tpu.vector_load %arg8[%get3A_116, %get3A_117] {strides = array<i32>} : memref<16x128xf32, #tpu.memory_space<vmem>>, vector<1x16xf32>,
      %get3A_119 = vector.shape_cast %get3A_118 : vector<1x16xf32> to vector<16xf32>
      %get3A_120 = arith.index_cast %scan3A_100 : i32 to index
      %get3A_121 = arith.constant 48 : index
      %get3A_122 = tpu.vector_load %arg8[%get3A_120, %get3A_121] {strides = array<i32>} : memref<16x128xf32, #tpu.memory_space<vmem>>, vector<1x16xf32>,
      %get3A_123 = vector.shape_cast %get3A_122 : vector<1x16xf32> to vector<16xf32>
      %get3A_124 = arith.index_cast %scan3A_100 : i32 to index
      %get3A_125 = arith.constant 64 : index
      %get3A_126 = tpu.vector_load %arg8[%get3A_124, %get3A_125] {strides = array<i32>} : memref<16x128xf32, #tpu.memory_space<vmem>>, vector<1x16xf32>,
      %get3A_127 = vector.shape_cast %get3A_126 : vector<1x16xf32> to vector<16xf32>
      %get3A_128 = arith.index_cast %scan3A_100 : i32 to index
      %get3A_129 = arith.constant 80 : index
      %get3A_130 = tpu.vector_load %arg8[%get3A_128, %get3A_129] {strides = array<i32>} : memref<16x128xf32, #tpu.memory_space<vmem>>, vector<1x16xf32>,
      %get3A_131 = vector.shape_cast %get3A_130 : vector<1x16xf32> to vector<16xf32>
      %get3A_132 = arith.index_cast %scan3A_100 : i32 to index
      %get3A_133 = arith.constant 96 : index
      %get3A_134 = tpu.vector_load %arg8[%get3A_132, %get3A_133] {strides = array<i32>} : memref<16x128xf32, #tpu.memory_space<vmem>>, vector<1x16xf32>,
      %get3A_135 = vector.shape_cast %get3A_134 : vector<1x16xf32> to vector<16xf32>
      %get3A_136 = arith.index_cast %scan3A_100 : i32 to index
      %get3A_137 = arith.constant 112 : index
      %get3A_138 = tpu.vector_load %arg8[%get3A_136, %get3A_137] {strides = array<i32>} : memref<16x128xf32, #tpu.memory_space<vmem>>, vector<1x16xf32>,
      %get3A_139 = vector.shape_cast %get3A_138 : vector<1x16xf32> to vector<16xf32>
      %mul3A_140 = arith.mulf %get3A_111, %get3A_111 : vector<16xf32>
      %add3A_141 = arith.addf %scan3A_101, %mul3A_140 : vector<16xf32>
      %mul3A_142 = arith.mulf %get3A_115, %get3A_115 : vector<16xf32>
      %add3A_143 = arith.addf %scan3A_102, %mul3A_142 : vector<16xf32>
      %mul3A_144 = arith.mulf %get3A_119, %get3A_119 : vector<16xf32>
      %add3A_145 = arith.addf %scan3A_103, %mul3A_144 : vector<16xf32>
      %mul3A_146 = arith.mulf %get3A_123, %get3A_123 : vector<16xf32>
      %add3A_147 = arith.addf %scan3A_104, %mul3A_146 : vector<16xf32>
      %mul3A_148 = arith.mulf %get3A_127, %get3A_127 : vector<16xf32>
      %add3A_149 = arith.addf %scan3A_105, %mul3A_148 : vector<16xf32>
      %mul3A_150 = arith.mulf %get3A_131, %get3A_131 : vector<16xf32>
      %add3A_151 = arith.addf %scan3A_106, %mul3A_150 : vector<16xf32>
      %mul3A_152 = arith.mulf %get3A_135, %get3A_135 : vector<16xf32>
      %add3A_153 = arith.addf %scan3A_107, %mul3A_152 : vector<16xf32>
      %mul3A_154 = arith.mulf %get3A_139, %get3A_139 : vector<16xf32>
      %add3A_155 = arith.addf %scan3A_108, %mul3A_154 : vector<16xf32>
      scf.yield %add3A_141, %add3A_143, %add3A_145, %add3A_147, %add3A_149, %add3A_151, %add3A_153, %add3A_155 : vector<16xf32>, vector<16xf32>, vector<16xf32>, vector<16xf32>, vector<16xf32>, vector<16xf32>, vector<16xf32>, vector<16xf32>
    }
    %scan3A_42 = arith.constant 16 : i32
    %swap3A = arith.constant 0 : index
    %swap3A_43 = tpu.vector_load %arg11[%swap3A] {strides = array<i32>} : memref<128xf32, #tpu.memory_space<vmem>>, vector<16xf32>,
    %swap3A_44 = vector.shape_cast %swap3A_43 : vector<16xf32> to vector<16xf32>
    %swap3A_45 = vector.shape_cast %scan3A_41#0 : vector<16xf32> to vector<16xf32>
    tpu.vector_store %arg11[%swap3A], %swap3A_45 {strides = array<i32>} : memref<128xf32, #tpu.memory_space<vmem>>, vector<16xf32>,
    %swap3A_46 = arith.constant 16 : index
    %swap3A_47 = tpu.vector_load %arg11[%swap3A_46] {strides = array<i32>} : memref<128xf32, #tpu.memory_space<vmem>>, vector<16xf32>,
    %swap3A_48 = vector.shape_cast %swap3A_47 : vector<16xf32> to vector<16xf32>
    %swap3A_49 = vector.shape_cast %scan3A_41#1 : vector<16xf32> to vector<16xf32>
    tpu.vector_store %arg11[%swap3A_46], %swap3A_49 {strides = array<i32>} : memref<128xf32, #tpu.memory_space<vmem>>, vector<16xf32>,
    %swap3A_50 = arith.constant 32 : index
    %swap3A_51 = tpu.vector_load %arg11[%swap3A_50] {strides = array<i32>} : memref<128xf32, #tpu.memory_space<vmem>>, vector<16xf32>,
    %swap3A_52 = vector.shape_cast %swap3A_51 : vector<16xf32> to vector<16xf32>
    %swap3A_53 = vector.shape_cast %scan3A_41#2 : vector<16xf32> to vector<16xf32>
    tpu.vector_store %arg11[%swap3A_50], %swap3A_53 {strides = array<i32>} : memref<128xf32, #tpu.memory_space<vmem>>, vector<16xf32>,
    %swap3A_54 = arith.constant 48 : index
    %swap3A_55 = tpu.vector_load %arg11[%swap3A_54] {strides = array<i32>} : memref<128xf32, #tpu.memory_space<vmem>>, vector<16xf32>,
    %swap3A_56 = vector.shape_cast %swap3A_55 : vector<16xf32> to vector<16xf32>
    %swap3A_57 = vector.shape_cast %scan3A_41#3 : vector<16xf32> to vector<16xf32>
    tpu.vector_store %arg11[%swap3A_54], %swap3A_57 {strides = array<i32>} : memref<128xf32, #tpu.memory_space<vmem>>, vector<16xf32>,
    %swap3A_58 = arith.constant 64 : index
    %swap3A_59 = tpu.vector_load %arg11[%swap3A_58] {strides = array<i32>} : memref<128xf32, #tpu.memory_space<vmem>>, vector<16xf32>,
    %swap3A_60 = vector.shape_cast %swap3A_59 : vector<16xf32> to vector<16xf32>
    %swap3A_61 = vector.shape_cast %scan3A_41#4 : vector<16xf32> to vector<16xf32>
    tpu.vector_store %arg11[%swap3A_58], %swap3A_61 {strides = array<i32>} : memref<128xf32, #tpu.memory_space<vmem>>, vector<16xf32>,
    %swap3A_62 = arith.constant 80 : index
    %swap3A_63 = tpu.vector_load %arg11[%swap3A_62] {strides = array<i32>} : memref<128xf32, #tpu.memory_space<vmem>>, vector<16xf32>,
    %swap3A_64 = vector.shape_cast %swap3A_63 : vector<16xf32> to vector<16xf32>
    %swap3A_65 = vector.shape_cast %scan3A_41#5 : vector<16xf32> to vector<16xf32>
    tpu.vector_store %arg11[%swap3A_62], %swap3A_65 {strides = array<i32>} : memref<128xf32, #tpu.memory_space<vmem>>, vector<16xf32>,
    %swap3A_66 = arith.constant 96 : index
    %swap3A_67 = tpu.vector_load %arg11[%swap3A_66] {strides = array<i32>} : memref<128xf32, #tpu.memory_space<vmem>>, vector<16xf32>,
    %swap3A_68 = vector.shape_cast %swap3A_67 : vector<16xf32> to vector<16xf32>
    %swap3A_69 = vector.shape_cast %scan3A_41#6 : vector<16xf32> to vector<16xf32>
    tpu.vector_store %arg11[%swap3A_66], %swap3A_69 {strides = array<i32>} : memref<128xf32, #tpu.memory_space<vmem>>, vector<16xf32>,
    %swap3A_70 = arith.constant 112 : index
    %swap3A_71 = tpu.vector_load %arg11[%swap3A_70] {strides = array<i32>} : memref<128xf32, #tpu.memory_space<vmem>>, vector<16xf32>,
    %swap3A_72 = vector.shape_cast %swap3A_71 : vector<16xf32> to vector<16xf32>
    %swap3A_73 = vector.shape_cast %scan3A_41#7 : vector<16xf32> to vector<16xf32>
    tpu.vector_store %arg11[%swap3A_70], %swap3A_73 {strides = array<i32>} : memref<128xf32, #tpu.memory_space<vmem>>, vector<16xf32>,
    %mul3A_74 = arith.constant 16 : i32
    %mul3A_75 = arith.muli %arg0, %mul3A_74 : i32
    %add3A_76 = arith.addi %mul3A_75, %arg1 : i32
    %mul3A_77 = arith.constant 128 : i32
    %mul3A_78 = arith.muli %add3A_76, %mul3A_77 : i32
    "tpu.region"() ({
      %run_scoped3A = tpu.sem_alloc : memref<!tpu.dma_semaphore, #tpu.memory_space<semaphore_mem>>
      %dma_start3A = tpu.memref_slice %arg5[%mul3A_78] : memref<4096xf32, #tpu.memory_space<hbm>> -> memref<128xf32, #tpu.memory_space<hbm>>
      %dma_start3A_100 = tpu.memref_slice %arg5[%mul3A_78] : memref<4096xf32, #tpu.memory_space<hbm>> -> memref<128xf32, #tpu.memory_space<hbm>>
      tpu.enqueue_dma source(%arg11 : memref<128xf32, #tpu.memory_space<vmem>>) target(%dma_start3A_100 : memref<128xf32, #tpu.memory_space<hbm>>) target_semaphore(%run_scoped3A : memref<!tpu.dma_semaphore, #tpu.memory_space<semaphore_mem>>)
      %dma_wait3A = tpu.memref_slice %arg5[%mul3A_78] : memref<4096xf32, #tpu.memory_space<hbm>> -> memref<128xf32, #tpu.memory_space<hbm>>
      %dma_wait3A_101 = tpu.memref_slice %arg5[%mul3A_78] : memref<4096xf32, #tpu.memory_space<hbm>> -> memref<128xf32, #tpu.memory_space<hbm>>
      tpu.wait_dma2 semaphore(%run_scoped3A : memref<!tpu.dma_semaphore, #tpu.memory_space<semaphore_mem>>) src(%arg11 : memref<128xf32, #tpu.memory_space<vmem>>) dst(%dma_wait3A_101 : memref<128xf32, #tpu.memory_space<hbm>>)
      tpu.yield
    }) : () -> ()
    %barrier3A_79 = arith.constant 0 : index
    tpu.barrier barrier_id(%barrier3A_79)
    %mul3A_80 = arith.constant 640 : i32
    %mul3A_81 = arith.muli %arg1, %mul3A_80 : i32
    %add3A_82 = arith.constant 0 : i32
    %add3A_83 = arith.addi %mul3A_81, %add3A_82 : i32
    "tpu.region"() ({
      %run_scoped3A = tpu.sem_alloc : memref<!tpu.dma_semaphore, #tpu.memory_space<semaphore_mem>>
      %dma_start3A = arith.constant 0 : i32
      %dma_start3A_100 = tpu.memref_slice %arg12[%add3A_83, %dma_start3A] : memref<10240x128xf32, #tpu.memory_space<vmem_shared>> -> memref<128x128xf32, #tpu.memory_space<vmem_shared>>
      %dma_start3A_101 = arith.constant 0 : i32
      %dma_start3A_102 = tpu.memref_slice %arg12[%add3A_83, %dma_start3A_101] : memref<10240x128xf32, #tpu.memory_space<vmem_shared>> -> memref<128x128xf32, #tpu.memory_space<vmem_shared>>
      tpu.enqueue_dma source(%dma_start3A_102 : memref<128x128xf32, #tpu.memory_space<vmem_shared>>) target(%arg10 : memref<128x128xf32, #tpu.memory_space<vmem>>) target_semaphore(%run_scoped3A : memref<!tpu.dma_semaphore, #tpu.memory_space<semaphore_mem>>)
      %dma_wait3A = arith.constant 0 : i32
      %dma_wait3A_103 = tpu.memref_slice %arg12[%add3A_83, %dma_wait3A] : memref<10240x128xf32, #tpu.memory_space<vmem_shared>> -> memref<128x128xf32, #tpu.memory_space<vmem_shared>>
      %dma_wait3A_104 = arith.constant 0 : i32
      %dma_wait3A_105 = tpu.memref_slice %arg12[%add3A_83, %dma_wait3A_104] : memref<10240x128xf32, #tpu.memory_space<vmem_shared>> -> memref<128x128xf32, #tpu.memory_space<vmem_shared>>
      tpu.wait_dma2 semaphore(%run_scoped3A : memref<!tpu.dma_semaphore, #tpu.memory_space<semaphore_mem>>) src(%dma_wait3A_105 : memref<128x128xf32, #tpu.memory_space<vmem_shared>>) dst(%arg10 : memref<128x128xf32, #tpu.memory_space<vmem>>)
      tpu.yield
    }) : () -> ()
    "tpu.region"() ({
      %run_scoped3A = tpu.sem_alloc : memref<!tpu.dma_semaphore, #tpu.memory_space<semaphore_mem>>
      %dma_start3A = arith.constant 0 : i32
      %dma_start3A_100 = tpu.memref_slice %arg4[%arg0, %add3A_83, %dma_start3A] : memref<2x10240x128xf32, #tpu.memory_space<hbm>> -> memref<1x128x128xf32, #tpu.memory_space<hbm>>
      %dma_start3A_101 = tpu.memref_squeeze %dma_start3A_100 : memref<1x128x128xf32, #tpu.memory_space<hbm>> -> memref<128x128xf32, #tpu.memory_space<hbm>>
      %dma_start3A_102 = arith.constant 0 : i32
      %dma_start3A_103 = tpu.memref_slice %arg4[%arg0, %add3A_83, %dma_start3A_102] : memref<2x10240x128xf32, #tpu.memory_space<hbm>> -> memref<1x128x128xf32, #tpu.memory_space<hbm>>
      %dma_start3A_104 = tpu.memref_squeeze %dma_start3A_103 : memref<1x128x128xf32, #tpu.memory_space<hbm>> -> memref<128x128xf32, #tpu.memory_space<hbm>>
      tpu.enqueue_dma source(%arg10 : memref<128x128xf32, #tpu.memory_space<vmem>>) target(%dma_start3A_104 : memref<128x128xf32, #tpu.memory_space<hbm>>) target_semaphore(%run_scoped3A : memref<!tpu.dma_semaphore, #tpu.memory_space<semaphore_mem>>)
      %dma_wait3A = arith.constant 0 : i32
      %dma_wait3A_105 = tpu.memref_slice %arg4[%arg0, %add3A_83, %dma_wait3A] : memref<2x10240x128xf32, #tpu.memory_space<hbm>> -> memref<1x128x128xf32, #tpu.memory_space<hbm>>
      %dma_wait3A_106 = tpu.memref_squeeze %dma_wait3A_105 : memref<1x128x128xf32, #tpu.memory_space<hbm>> -> memref<128x128xf32, #tpu.memory_space<hbm>>
      %dma_wait3A_107 = arith.constant 0 : i32
      %dma_wait3A_108 = tpu.memref_slice %arg4[%arg0, %add3A_83, %dma_wait3A_107] : memref<2x10240x128xf32, #tpu.memory_space<hbm>> -> memref<1x128x128xf32, #tpu.memory_space<hbm>>
      %dma_wait3A_109 = tpu.memref_squeeze %dma_wait3A_108 : memref<1x128x128xf32, #tpu.memory_space<hbm>> -> memref<128x128xf32, #tpu.memory_space<hbm>>
      tpu.wait_dma2 semaphore(%run_scoped3A : memref<!tpu.dma_semaphore, #tpu.memory_space<semaphore_mem>>) src(%arg10 : memref<128x128xf32, #tpu.memory_space<vmem>>) dst(%dma_wait3A_109 : memref<128x128xf32, #tpu.memory_space<hbm>>)
      tpu.yield
    }) : () -> ()
    %mul3A_84 = arith.constant 640 : i32
    %mul3A_85 = arith.muli %arg1, %mul3A_84 : i32
    %add3A_86 = arith.constant 128 : i32
    %add3A_87 = arith.addi %mul3A_85, %add3A_86 : i32
    "tpu.region"() ({
      %run_scoped3A = tpu.sem_alloc : memref<!tpu.dma_semaphore, #tpu.memory_space<semaphore_mem>>
      %dma_start3A = arith.constant 0 : i32
      %dma_start3A_100 = tpu.memref_slice %arg12[%add3A_87, %dma_start3A] : memref<10240x128xf32, #tpu.memory_space<vmem_shared>> -> memref<128x128xf32, #tpu.memory_space<vmem_shared>>
      %dma_start3A_101 = arith.constant 0 : i32
      %dma_start3A_102 = tpu.memref_slice %arg12[%add3A_87, %dma_start3A_101] : memref<10240x128xf32, #tpu.memory_space<vmem_shared>> -> memref<128x128xf32, #tpu.memory_space<vmem_shared>>
      tpu.enqueue_dma source(%dma_start3A_102 : memref<128x128xf32, #tpu.memory_space<vmem_shared>>) target(%arg10 : memref<128x128xf32, #tpu.memory_space<vmem>>) target_semaphore(%run_scoped3A : memref<!tpu.dma_semaphore, #tpu.memory_space<semaphore_mem>>)
      %dma_wait3A = arith.constant 0 : i32
      %dma_wait3A_103 = tpu.memref_slice %arg12[%add3A_87, %dma_wait3A] : memref<10240x128xf32, #tpu.memory_space<vmem_shared>> -> memref<128x128xf32, #tpu.memory_space<vmem_shared>>
      %dma_wait3A_104 = arith.constant 0 : i32
      %dma_wait3A_105 = tpu.memref_slice %arg12[%add3A_87, %dma_wait3A_104] : memref<10240x128xf32, #tpu.memory_space<vmem_shared>> -> memref<128x128xf32, #tpu.memory_space<vmem_shared>>
      tpu.wait_dma2 semaphore(%run_scoped3A : memref<!tpu.dma_semaphore, #tpu.memory_space<semaphore_mem>>) src(%dma_wait3A_105 : memref<128x128xf32, #tpu.memory_space<vmem_shared>>) dst(%arg10 : memref<128x128xf32, #tpu.memory_space<vmem>>)
      tpu.yield
    }) : () -> ()
    "tpu.region"() ({
      %run_scoped3A = tpu.sem_alloc : memref<!tpu.dma_semaphore, #tpu.memory_space<semaphore_mem>>
      %dma_start3A = arith.constant 0 : i32
      %dma_start3A_100 = tpu.memref_slice %arg4[%arg0, %add3A_87, %dma_start3A] : memref<2x10240x128xf32, #tpu.memory_space<hbm>> -> memref<1x128x128xf32, #tpu.memory_space<hbm>>
      %dma_start3A_101 = tpu.memref_squeeze %dma_start3A_100 : memref<1x128x128xf32, #tpu.memory_space<hbm>> -> memref<128x128xf32, #tpu.memory_space<hbm>>
      %dma_start3A_102 = arith.constant 0 : i32
      %dma_start3A_103 = tpu.memref_slice %arg4[%arg0, %add3A_87, %dma_start3A_102] : memref<2x10240x128xf32, #tpu.memory_space<hbm>> -> memref<1x128x128xf32, #tpu.memory_space<hbm>>
      %dma_start3A_104 = tpu.memref_squeeze %dma_start3A_103 : memref<1x128x128xf32, #tpu.memory_space<hbm>> -> memref<128x128xf32, #tpu.memory_space<hbm>>
      tpu.enqueue_dma source(%arg10 : memref<128x128xf32, #tpu.memory_space<vmem>>) target(%dma_start3A_104 : memref<128x128xf32, #tpu.memory_space<hbm>>) target_semaphore(%run_scoped3A : memref<!tpu.dma_semaphore, #tpu.memory_space<semaphore_mem>>)
      %dma_wait3A = arith.constant 0 : i32
      %dma_wait3A_105 = tpu.memref_slice %arg4[%arg0, %add3A_87, %dma_wait3A] : memref<2x10240x128xf32, #tpu.memory_space<hbm>> -> memref<1x128x128xf32, #tpu.memory_space<hbm>>
      %dma_wait3A_106 = tpu.memref_squeeze %dma_wait3A_105 : memref<1x128x128xf32, #tpu.memory_space<hbm>> -> memref<128x128xf32, #tpu.memory_space<hbm>>
      %dma_wait3A_107 = arith.constant 0 : i32
      %dma_wait3A_108 = tpu.memref_slice %arg4[%arg0, %add3A_87, %dma_wait3A_107] : memref<2x10240x128xf32, #tpu.memory_space<hbm>> -> memref<1x128x128xf32, #tpu.memory_space<hbm>>
      %dma_wait3A_109 = tpu.memref_squeeze %dma_wait3A_108 : memref<1x128x128xf32, #tpu.memory_space<hbm>> -> memref<128x128xf32, #tpu.memory_space<hbm>>
      tpu.wait_dma2 semaphore(%run_scoped3A : memref<!tpu.dma_semaphore, #tpu.memory_space<semaphore_mem>>) src(%arg10 : memref<128x128xf32, #tpu.memory_space<vmem>>) dst(%dma_wait3A_109 : memref<128x128xf32, #tpu.memory_space<hbm>>)
      tpu.yield
    }) : () -> ()
    %mul3A_88 = arith.constant 640 : i32
    %mul3A_89 = arith.muli %arg1, %mul3A_88 : i32
    %add3A_90 = arith.constant 256 : i32
    %add3A_91 = arith.addi %mul3A_89, %add3A_90 : i32
    "tpu.region"() ({
      %run_scoped3A = tpu.sem_alloc : memref<!tpu.dma_semaphore, #tpu.memory_space<semaphore_mem>>
      %dma_start3A = arith.constant 0 : i32
      %dma_start3A_100 = tpu.memref_slice %arg12[%add3A_91, %dma_start3A] : memref<10240x128xf32, #tpu.memory_space<vmem_shared>> -> memref<128x128xf32, #tpu.memory_space<vmem_shared>>
      %dma_start3A_101 = arith.constant 0 : i32
      %dma_start3A_102 = tpu.memref_slice %arg12[%add3A_91, %dma_start3A_101] : memref<10240x128xf32, #tpu.memory_space<vmem_shared>> -> memref<128x128xf32, #tpu.memory_space<vmem_shared>>
      tpu.enqueue_dma source(%dma_start3A_102 : memref<128x128xf32, #tpu.memory_space<vmem_shared>>) target(%arg10 : memref<128x128xf32, #tpu.memory_space<vmem>>) target_semaphore(%run_scoped3A : memref<!tpu.dma_semaphore, #tpu.memory_space<semaphore_mem>>)
      %dma_wait3A = arith.constant 0 : i32
      %dma_wait3A_103 = tpu.memref_slice %arg12[%add3A_91, %dma_wait3A] : memref<10240x128xf32, #tpu.memory_space<vmem_shared>> -> memref<128x128xf32, #tpu.memory_space<vmem_shared>>
      %dma_wait3A_104 = arith.constant 0 : i32
      %dma_wait3A_105 = tpu.memref_slice %arg12[%add3A_91, %dma_wait3A_104] : memref<10240x128xf32, #tpu.memory_space<vmem_shared>> -> memref<128x128xf32, #tpu.memory_space<vmem_shared>>
      tpu.wait_dma2 semaphore(%run_scoped3A : memref<!tpu.dma_semaphore, #tpu.memory_space<semaphore_mem>>) src(%dma_wait3A_105 : memref<128x128xf32, #tpu.memory_space<vmem_shared>>) dst(%arg10 : memref<128x128xf32, #tpu.memory_space<vmem>>)
      tpu.yield
    }) : () -> ()
    "tpu.region"() ({
      %run_scoped3A = tpu.sem_alloc : memref<!tpu.dma_semaphore, #tpu.memory_space<semaphore_mem>>
      %dma_start3A = arith.constant 0 : i32
      %dma_start3A_100 = tpu.memref_slice %arg4[%arg0, %add3A_91, %dma_start3A] : memref<2x10240x128xf32, #tpu.memory_space<hbm>> -> memref<1x128x128xf32, #tpu.memory_space<hbm>>
      %dma_start3A_101 = tpu.memref_squeeze %dma_start3A_100 : memref<1x128x128xf32, #tpu.memory_space<hbm>> -> memref<128x128xf32, #tpu.memory_space<hbm>>
      %dma_start3A_102 = arith.constant 0 : i32
      %dma_start3A_103 = tpu.memref_slice %arg4[%arg0, %add3A_91, %dma_start3A_102] : memref<2x10240x128xf32, #tpu.memory_space<hbm>> -> memref<1x128x128xf32, #tpu.memory_space<hbm>>
      %dma_start3A_104 = tpu.memref_squeeze %dma_start3A_103 : memref<1x128x128xf32, #tpu.memory_space<hbm>> -> memref<128x128xf32, #tpu.memory_space<hbm>>
      tpu.enqueue_dma source(%arg10 : memref<128x128xf32, #tpu.memory_space<vmem>>) target(%dma_start3A_104 : memref<128x128xf32, #tpu.memory_space<hbm>>) target_semaphore(%run_scoped3A : memref<!tpu.dma_semaphore, #tpu.memory_space<semaphore_mem>>)
      %dma_wait3A = arith.constant 0 : i32
      %dma_wait3A_105 = tpu.memref_slice %arg4[%arg0, %add3A_91, %dma_wait3A] : memref<2x10240x128xf32, #tpu.memory_space<hbm>> -> memref<1x128x128xf32, #tpu.memory_space<hbm>>
      %dma_wait3A_106 = tpu.memref_squeeze %dma_wait3A_105 : memref<1x128x128xf32, #tpu.memory_space<hbm>> -> memref<128x128xf32, #tpu.memory_space<hbm>>
      %dma_wait3A_107 = arith.constant 0 : i32
      %dma_wait3A_108 = tpu.memref_slice %arg4[%arg0, %add3A_91, %dma_wait3A_107] : memref<2x10240x128xf32, #tpu.memory_space<hbm>> -> memref<1x128x128xf32, #tpu.memory_space<hbm>>
      %dma_wait3A_109 = tpu.memref_squeeze %dma_wait3A_108 : memref<1x128x128xf32, #tpu.memory_space<hbm>> -> memref<128x128xf32, #tpu.memory_space<hbm>>
      tpu.wait_dma2 semaphore(%run_scoped3A : memref<!tpu.dma_semaphore, #tpu.memory_space<semaphore_mem>>) src(%arg10 : memref<128x128xf32, #tpu.memory_space<vmem>>) dst(%dma_wait3A_109 : memref<128x128xf32, #tpu.memory_space<hbm>>)
      tpu.yield
    }) : () -> ()
    %mul3A_92 = arith.constant 640 : i32
    %mul3A_93 = arith.muli %arg1, %mul3A_92 : i32
    %add3A_94 = arith.constant 384 : i32
    %add3A_95 = arith.addi %mul3A_93, %add3A_94 : i32
    "tpu.region"() ({
      %run_scoped3A = tpu.sem_alloc : memref<!tpu.dma_semaphore, #tpu.memory_space<semaphore_mem>>
      %dma_start3A = arith.constant 0 : i32
      %dma_start3A_100 = tpu.memref_slice %arg12[%add3A_95, %dma_start3A] : memref<10240x128xf32, #tpu.memory_space<vmem_shared>> -> memref<128x128xf32, #tpu.memory_space<vmem_shared>>
      %dma_start3A_101 = arith.constant 0 : i32
      %dma_start3A_102 = tpu.memref_slice %arg12[%add3A_95, %dma_start3A_101] : memref<10240x128xf32, #tpu.memory_space<vmem_shared>> -> memref<128x128xf32, #tpu.memory_space<vmem_shared>>
      tpu.enqueue_dma source(%dma_start3A_102 : memref<128x128xf32, #tpu.memory_space<vmem_shared>>) target(%arg10 : memref<128x128xf32, #tpu.memory_space<vmem>>) target_semaphore(%run_scoped3A : memref<!tpu.dma_semaphore, #tpu.memory_space<semaphore_mem>>)
      %dma_wait3A = arith.constant 0 : i32
      %dma_wait3A_103 = tpu.memref_slice %arg12[%add3A_95, %dma_wait3A] : memref<10240x128xf32, #tpu.memory_space<vmem_shared>> -> memref<128x128xf32, #tpu.memory_space<vmem_shared>>
      %dma_wait3A_104 = arith.constant 0 : i32
      %dma_wait3A_105 = tpu.memref_slice %arg12[%add3A_95, %dma_wait3A_104] : memref<10240x128xf32, #tpu.memory_space<vmem_shared>> -> memref<128x128xf32, #tpu.memory_space<vmem_shared>>
      tpu.wait_dma2 semaphore(%run_scoped3A : memref<!tpu.dma_semaphore, #tpu.memory_space<semaphore_mem>>) src(%dma_wait3A_105 : memref<128x128xf32, #tpu.memory_space<vmem_shared>>) dst(%arg10 : memref<128x128xf32, #tpu.memory_space<vmem>>)
      tpu.yield
    }) : () -> ()
    "tpu.region"() ({
      %run_scoped3A = tpu.sem_alloc : memref<!tpu.dma_semaphore, #tpu.memory_space<semaphore_mem>>
      %dma_start3A = arith.constant 0 : i32
      %dma_start3A_100 = tpu.memref_slice %arg4[%arg0, %add3A_95, %dma_start3A] : memref<2x10240x128xf32, #tpu.memory_space<hbm>> -> memref<1x128x128xf32, #tpu.memory_space<hbm>>
      %dma_start3A_101 = tpu.memref_squeeze %dma_start3A_100 : memref<1x128x128xf32, #tpu.memory_space<hbm>> -> memref<128x128xf32, #tpu.memory_space<hbm>>
      %dma_start3A_102 = arith.constant 0 : i32
      %dma_start3A_103 = tpu.memref_slice %arg4[%arg0, %add3A_95, %dma_start3A_102] : memref<2x10240x128xf32, #tpu.memory_space<hbm>> -> memref<1x128x128xf32, #tpu.memory_space<hbm>>
      %dma_start3A_104 = tpu.memref_squeeze %dma_start3A_103 : memref<1x128x128xf32, #tpu.memory_space<hbm>> -> memref<128x128xf32, #tpu.memory_space<hbm>>
      tpu.enqueue_dma source(%arg10 : memref<128x128xf32, #tpu.memory_space<vmem>>) target(%dma_start3A_104 : memref<128x128xf32, #tpu.memory_space<hbm>>) target_semaphore(%run_scoped3A : memref<!tpu.dma_semaphore, #tpu.memory_space<semaphore_mem>>)
      %dma_wait3A = arith.constant 0 : i32
      %dma_wait3A_105 = tpu.memref_slice %arg4[%arg0, %add3A_95, %dma_wait3A] : memref<2x10240x128xf32, #tpu.memory_space<hbm>> -> memref<1x128x128xf32, #tpu.memory_space<hbm>>
      %dma_wait3A_106 = tpu.memref_squeeze %dma_wait3A_105 : memref<1x128x128xf32, #tpu.memory_space<hbm>> -> memref<128x128xf32, #tpu.memory_space<hbm>>
      %dma_wait3A_107 = arith.constant 0 : i32
      %dma_wait3A_108 = tpu.memref_slice %arg4[%arg0, %add3A_95, %dma_wait3A_107] : memref<2x10240x128xf32, #tpu.memory_space<hbm>> -> memref<1x128x128xf32, #tpu.memory_space<hbm>>
      %dma_wait3A_109 = tpu.memref_squeeze %dma_wait3A_108 : memref<1x128x128xf32, #tpu.memory_space<hbm>> -> memref<128x128xf32, #tpu.memory_space<hbm>>
      tpu.wait_dma2 semaphore(%run_scoped3A : memref<!tpu.dma_semaphore, #tpu.memory_space<semaphore_mem>>) src(%arg10 : memref<128x128xf32, #tpu.memory_space<vmem>>) dst(%dma_wait3A_109 : memref<128x128xf32, #tpu.memory_space<hbm>>)
      tpu.yield
    }) : () -> ()
    %mul3A_96 = arith.constant 640 : i32
    %mul3A_97 = arith.muli %arg1, %mul3A_96 : i32
    %add3A_98 = arith.constant 512 : i32
    %add3A_99 = arith.addi %mul3A_97, %add3A_98 : i32
    "tpu.region"() ({
      %run_scoped3A = tpu.sem_alloc : memref<!tpu.dma_semaphore, #tpu.memory_space<semaphore_mem>>
      %dma_start3A = arith.constant 0 : i32
      %dma_start3A_100 = tpu.memref_slice %arg12[%add3A_99, %dma_start3A] : memref<10240x128xf32, #tpu.memory_space<vmem_shared>> -> memref<128x128xf32, #tpu.memory_space<vmem_shared>>
      %dma_start3A_101 = arith.constant 0 : i32
      %dma_start3A_102 = tpu.memref_slice %arg12[%add3A_99, %dma_start3A_101] : memref<10240x128xf32, #tpu.memory_space<vmem_shared>> -> memref<128x128xf32, #tpu.memory_space<vmem_shared>>
      tpu.enqueue_dma source(%dma_start3A_102 : memref<128x128xf32, #tpu.memory_space<vmem_shared>>) target(%arg10 : memref<128x128xf32, #tpu.memory_space<vmem>>) target_semaphore(%run_scoped3A : memref<!tpu.dma_semaphore, #tpu.memory_space<semaphore_mem>>)
      %dma_wait3A = arith.constant 0 : i32
      %dma_wait3A_103 = tpu.memref_slice %arg12[%add3A_99, %dma_wait3A] : memref<10240x128xf32, #tpu.memory_space<vmem_shared>> -> memref<128x128xf32, #tpu.memory_space<vmem_shared>>
      %dma_wait3A_104 = arith.constant 0 : i32
      %dma_wait3A_105 = tpu.memref_slice %arg12[%add3A_99, %dma_wait3A_104] : memref<10240x128xf32, #tpu.memory_space<vmem_shared>> -> memref<128x128xf32, #tpu.memory_space<vmem_shared>>
      tpu.wait_dma2 semaphore(%run_scoped3A : memref<!tpu.dma_semaphore, #tpu.memory_space<semaphore_mem>>) src(%dma_wait3A_105 : memref<128x128xf32, #tpu.memory_space<vmem_shared>>) dst(%arg10 : memref<128x128xf32, #tpu.memory_space<vmem>>)
      tpu.yield
    }) : () -> ()
    "tpu.region"() ({
      %run_scoped3A = tpu.sem_alloc : memref<!tpu.dma_semaphore, #tpu.memory_space<semaphore_mem>>
      %dma_start3A = arith.constant 0 : i32
      %dma_start3A_100 = tpu.memref_slice %arg4[%arg0, %add3A_99, %dma_start3A] : memref<2x10240x128xf32, #tpu.memory_space<hbm>> -> memref<1x128x128xf32, #tpu.memory_space<hbm>>
      %dma_start3A_101 = tpu.memref_squeeze %dma_start3A_100 : memref<1x128x128xf32, #tpu.memory_space<hbm>> -> memref<128x128xf32, #tpu.memory_space<hbm>>
      %dma_start3A_102 = arith.constant 0 : i32
      %dma_start3A_103 = tpu.memref_slice %arg4[%arg0, %add3A_99, %dma_start3A_102] : memref<2x10240x128xf32, #tpu.memory_space<hbm>> -> memref<1x128x128xf32, #tpu.memory_space<hbm>>
      %dma_start3A_104 = tpu.memref_squeeze %dma_start3A_103 : memref<1x128x128xf32, #tpu.memory_space<hbm>> -> memref<128x128xf32, #tpu.memory_space<hbm>>
      tpu.enqueue_dma source(%arg10 : memref<128x128xf32, #tpu.memory_space<vmem>>) target(%dma_start3A_104 : memref<128x128xf32, #tpu.memory_space<hbm>>) target_semaphore(%run_scoped3A : memref<!tpu.dma_semaphore, #tpu.memory_space<semaphore_mem>>)
      %dma_wait3A = arith.constant 0 : i32
      %dma_wait3A_105 = tpu.memref_slice %arg4[%arg0, %add3A_99, %dma_wait3A] : memref<2x10240x128xf32, #tpu.memory_space<hbm>> -> memref<1x128x128xf32, #tpu.memory_space<hbm>>
      %dma_wait3A_106 = tpu.memref_squeeze %dma_wait3A_105 : memref<1x128x128xf32, #tpu.memory_space<hbm>> -> memref<128x128xf32, #tpu.memory_space<hbm>>
      %dma_wait3A_107 = arith.constant 0 : i32
      %dma_wait3A_108 = tpu.memref_slice %arg4[%arg0, %add3A_99, %dma_wait3A_107] : memref<2x10240x128xf32, #tpu.memory_space<hbm>> -> memref<1x128x128xf32, #tpu.memory_space<hbm>>
      %dma_wait3A_109 = tpu.memref_squeeze %dma_wait3A_108 : memref<1x128x128xf32, #tpu.memory_space<hbm>> -> memref<128x128xf32, #tpu.memory_space<hbm>>
      tpu.wait_dma2 semaphore(%run_scoped3A : memref<!tpu.dma_semaphore, #tpu.memory_space<semaphore_mem>>) src(%arg10 : memref<128x128xf32, #tpu.memory_space<vmem>>) dst(%dma_wait3A_109 : memref<128x128xf32, #tpu.memory_space<hbm>>)
      tpu.yield
    }) : () -> ()
    return
  }
}

module attributes {stable_mosaic.version = 14 : i64} {
  func.func @_node_body(%arg0: memref<10000x128xf32, #tpu.memory_space<vmem>>, %arg1: memref<10000x128xf32, #tpu.memory_space<vmem>>, %arg2: memref<10000x128xf32, #tpu.memory_space<vmem>>, %arg3: memref<128x256xf32, #tpu.memory_space<vmem>>, %arg4: memref<128x256xf32, #tpu.memory_space<vmem>>, %arg5: memref<1x256xf32, #tpu.memory_space<vmem>>, %arg6: memref<256x128xf32, #tpu.memory_space<vmem>>, %arg7: memref<1x128xf32, #tpu.memory_space<vmem>>, %arg8: memref<1x128xf32, #tpu.memory_space<vmem>>, %arg9: memref<1x128xf32, #tpu.memory_space<vmem>>, %arg10: memref<1x128xf32, #tpu.memory_space<vmem>>, %arg11: memref<1x128xf32, #tpu.memory_space<vmem>>, %arg12: memref<10000x128xf32, #tpu.memory_space<vmem>>, %arg13: memref<1x128xf32, #tpu.memory_space<vmem>>) attributes {dimension_semantics = [], scalar_prefetch = 0 : i64, scratch_operands = 0 : i64, tpu.core_type = #tpu.core_type<tc>} {
    %get3A = arith.constant 0 : index
    %get3A_0 = arith.constant 0 : index
    %get3A_1 = vector.load %arg0[%get3A, %get3A_0] : memref<10000x128xf32, #tpu.memory_space<vmem>>, vector<10000x128xf32>
    %get3A_2 = arith.constant 0 : index
    %get3A_3 = arith.constant 0 : index
    %get3A_4 = vector.load %arg1[%get3A_2, %get3A_3] : memref<10000x128xf32, #tpu.memory_space<vmem>>, vector<10000x128xf32>
    %get3A_5 = arith.constant 0 : index
    %get3A_6 = arith.constant 0 : index
    %get3A_7 = vector.load %arg2[%get3A_5, %get3A_6] : memref<10000x128xf32, #tpu.memory_space<vmem>>, vector<10000x128xf32>
    %add3A = arith.addf %get3A_4, %get3A_7 : vector<10000x128xf32>
    %reduce_sum3A = arith.constant dense<0.000000e+00> : vector<128xf32>
    %reduce_sum3A_8 = vector.multi_reduction <add>, %add3A, %reduce_sum3A [0] : vector<10000x128xf32> to vector<128xf32>
    %broadcast_in_dim3A = vector.shape_cast %reduce_sum3A_8 : vector<128xf32> to vector<1x128xf32>
    %swap3A = arith.constant 0 : index
    %swap3A_9 = arith.constant 0 : index
    %swap3A_10 = vector.load %arg13[%swap3A, %swap3A_9] : memref<1x128xf32, #tpu.memory_space<vmem>>, vector<1x128xf32>
    tpu.vector_store %arg13[%swap3A, %swap3A_9], %broadcast_in_dim3A {strides = array<i32>} : memref<1x128xf32, #tpu.memory_space<vmem>>, vector<1x128xf32>,
    %reduce_sum3A_11 = arith.constant dense<0.000000e+00> : vector<128xf32>
    %reduce_sum3A_12 = vector.multi_reduction <add>, %get3A_1, %reduce_sum3A_11 [0] : vector<10000x128xf32> to vector<128xf32>
    %broadcast_in_dim3A_13 = vector.shape_cast %reduce_sum3A_12 : vector<128xf32> to vector<1x128xf32>
    %div3A = arith.constant 1.000000e+04 : f32
    %div3A_14 = vector.broadcast %div3A : f32 to vector<1x128xf32>
    %div3A_15 = arith.divf %broadcast_in_dim3A_13, %div3A_14 : vector<1x128xf32>
    %mul3A = arith.mulf %get3A_1, %get3A_1 : vector<10000x128xf32>
    %reduce_sum3A_16 = arith.constant dense<0.000000e+00> : vector<128xf32>
    %reduce_sum3A_17 = vector.multi_reduction <add>, %mul3A, %reduce_sum3A_16 [0] : vector<10000x128xf32> to vector<128xf32>
    %broadcast_in_dim3A_18 = vector.shape_cast %reduce_sum3A_17 : vector<128xf32> to vector<1x128xf32>
    %div3A_19 = arith.constant 1.000000e+04 : f32
    %div3A_20 = vector.broadcast %div3A_19 : f32 to vector<1x128xf32>
    %div3A_21 = arith.divf %broadcast_in_dim3A_18, %div3A_20 : vector<1x128xf32>
    %mul3A_22 = arith.mulf %div3A_15, %div3A_15 : vector<1x128xf32>
    %sub3A = arith.subf %div3A_21, %mul3A_22 : vector<1x128xf32>
    %reduce_sum3A_23 = arith.constant dense<0.000000e+00> : vector<128xf32>
    %reduce_sum3A_24 = vector.multi_reduction <add>, %add3A, %reduce_sum3A_23 [0] : vector<10000x128xf32> to vector<128xf32>
    %broadcast_in_dim3A_25 = vector.shape_cast %reduce_sum3A_24 : vector<128xf32> to vector<1x128xf32>
    %div3A_26 = arith.constant 1.000000e+04 : f32
    %div3A_27 = vector.broadcast %div3A_26 : f32 to vector<1x128xf32>
    %div3A_28 = arith.divf %broadcast_in_dim3A_25, %div3A_27 : vector<1x128xf32>
    %mul3A_29 = arith.mulf %add3A, %add3A : vector<10000x128xf32>
    %reduce_sum3A_30 = arith.constant dense<0.000000e+00> : vector<128xf32>
    %reduce_sum3A_31 = vector.multi_reduction <add>, %mul3A_29, %reduce_sum3A_30 [0] : vector<10000x128xf32> to vector<128xf32>
    %broadcast_in_dim3A_32 = vector.shape_cast %reduce_sum3A_31 : vector<128xf32> to vector<1x128xf32>
    %div3A_33 = arith.constant 1.000000e+04 : f32
    %div3A_34 = vector.broadcast %div3A_33 : f32 to vector<1x128xf32>
    %div3A_35 = arith.divf %broadcast_in_dim3A_32, %div3A_34 : vector<1x128xf32>
    %mul3A_36 = arith.mulf %div3A_28, %div3A_28 : vector<1x128xf32>
    %sub3A_37 = arith.subf %div3A_35, %mul3A_36 : vector<1x128xf32>
    %sub3A_38 = vector.broadcast %div3A_15 : vector<1x128xf32> to vector<10000x128xf32>
    %sub3A_39 = arith.subf %get3A_1, %sub3A_38 : vector<10000x128xf32>
    %add3A_40 = arith.constant 9.99999974E-6 : f32
    %add3A_41 = vector.broadcast %add3A_40 : f32 to vector<1x128xf32>
    %add3A_42 = arith.addf %sub3A, %add3A_41 : vector<1x128xf32>
    %sqrt3A = math.sqrt %add3A_42 : vector<1x128xf32>
    %div3A_43 = vector.broadcast %sqrt3A : vector<1x128xf32> to vector<10000x128xf32>
    %div3A_44 = arith.divf %sub3A_39, %div3A_43 : vector<10000x128xf32>
    %get3A_45 = arith.constant 0 : index
    %get3A_46 = arith.constant 0 : index
    %get3A_47 = vector.load %arg8[%get3A_45, %get3A_46] : memref<1x128xf32, #tpu.memory_space<vmem>>, vector<1x128xf32>
    %mul3A_48 = vector.broadcast %get3A_47 : vector<1x128xf32> to vector<10000x128xf32>
    %mul3A_49 = arith.mulf %div3A_44, %mul3A_48 : vector<10000x128xf32>
    %get3A_50 = arith.constant 0 : index
    %get3A_51 = arith.constant 0 : index
    %get3A_52 = vector.load %arg10[%get3A_50, %get3A_51] : memref<1x128xf32, #tpu.memory_space<vmem>>, vector<1x128xf32>
    %add3A_53 = vector.broadcast %get3A_52 : vector<1x128xf32> to vector<10000x128xf32>
    %add3A_54 = arith.addf %mul3A_49, %add3A_53 : vector<10000x128xf32>
    %sub3A_55 = vector.broadcast %div3A_28 : vector<1x128xf32> to vector<10000x128xf32>
    %sub3A_56 = arith.subf %add3A, %sub3A_55 : vector<10000x128xf32>
    %add3A_57 = arith.constant 9.99999974E-6 : f32
    %add3A_58 = vector.broadcast %add3A_57 : f32 to vector<1x128xf32>
    %add3A_59 = arith.addf %sub3A_37, %add3A_58 : vector<1x128xf32>
    %sqrt3A_60 = math.sqrt %add3A_59 : vector<1x128xf32>
    %div3A_61 = vector.broadcast %sqrt3A_60 : vector<1x128xf32> to vector<10000x128xf32>
    %div3A_62 = arith.divf %sub3A_56, %div3A_61 : vector<10000x128xf32>
    %get3A_63 = arith.constant 0 : index
    %get3A_64 = arith.constant 0 : index
    %get3A_65 = vector.load %arg9[%get3A_63, %get3A_64] : memref<1x128xf32, #tpu.memory_space<vmem>>, vector<1x128xf32>
    %mul3A_66 = vector.broadcast %get3A_65 : vector<1x128xf32> to vector<10000x128xf32>
    %mul3A_67 = arith.mulf %div3A_62, %mul3A_66 : vector<10000x128xf32>
    %get3A_68 = arith.constant 0 : index
    %get3A_69 = arith.constant 0 : index
    %get3A_70 = vector.load %arg11[%get3A_68, %get3A_69] : memref<1x128xf32, #tpu.memory_space<vmem>>, vector<1x128xf32>
    %add3A_71 = vector.broadcast %get3A_70 : vector<1x128xf32> to vector<10000x128xf32>
    %add3A_72 = arith.addf %mul3A_67, %add3A_71 : vector<10000x128xf32>
    %get3A_73 = arith.constant 0 : index
    %get3A_74 = arith.constant 0 : index
    %get3A_75 = vector.load %arg3[%get3A_73, %get3A_74] : memref<128x256xf32, #tpu.memory_space<vmem>>, vector<128x256xf32>
    %dot_general3A = arith.constant dense<0.000000e+00> : vector<10000x256xf32>
    %dot_general3A_76 = tpu.matmul %add3A_54, %get3A_75, %dot_general3A {dimension_numbers = #tpu.dot_dimension_numbers<[1], [0], [0], [1], [0, 0, 1, 1], [], []>, transpose_lhs_hint = false} : vector<10000x128xf32>, vector<128x256xf32>, vector<10000x256xf32> -> vector<10000x256xf32>
    %get3A_77 = arith.constant 0 : index
    %get3A_78 = arith.constant 0 : index
    %get3A_79 = vector.load %arg4[%get3A_77, %get3A_78] : memref<128x256xf32, #tpu.memory_space<vmem>>, vector<128x256xf32>
    %dot_general3A_80 = arith.constant dense<0.000000e+00> : vector<10000x256xf32>
    %dot_general3A_81 = tpu.matmul %add3A_72, %get3A_79, %dot_general3A_80 {dimension_numbers = #tpu.dot_dimension_numbers<[1], [0], [0], [1], [0, 0, 1, 1], [], []>, transpose_lhs_hint = false} : vector<10000x128xf32>, vector<128x256xf32>, vector<10000x256xf32> -> vector<10000x256xf32>
    %add3A_82 = arith.addf %dot_general3A_76, %dot_general3A_81 : vector<10000x256xf32>
    %get3A_83 = arith.constant 0 : index
    %get3A_84 = arith.constant 0 : index
    %get3A_85 = vector.load %arg5[%get3A_83, %get3A_84] : memref<1x256xf32, #tpu.memory_space<vmem>>, vector<1x256xf32>
    %add3A_86 = vector.broadcast %get3A_85 : vector<1x256xf32> to vector<10000x256xf32>
    %add3A_87 = arith.addf %add3A_82, %add3A_86 : vector<10000x256xf32>
    %mul3A_88 = arith.constant 5.000000e-01 : f32
    %mul3A_89 = vector.broadcast %mul3A_88 : f32 to vector<10000x256xf32>
    %mul3A_90 = arith.mulf %mul3A_89, %add3A_87 : vector<10000x256xf32>
    %mul3A_91 = arith.constant 0.707106769 : f32
    %mul3A_92 = vector.broadcast %mul3A_91 : f32 to vector<10000x256xf32>
    %mul3A_93 = arith.mulf %add3A_87, %mul3A_92 : vector<10000x256xf32>
    %erf3A = math.erf %mul3A_93 : vector<10000x256xf32>
    %add3A_94 = arith.constant 1.000000e+00 : f32
    %add3A_95 = vector.broadcast %add3A_94 : f32 to vector<10000x256xf32>
    %add3A_96 = arith.addf %add3A_95, %erf3A : vector<10000x256xf32>
    %mul3A_97 = arith.mulf %mul3A_90, %add3A_96 : vector<10000x256xf32>
    %get3A_98 = arith.constant 0 : index
    %get3A_99 = arith.constant 0 : index
    %get3A_100 = vector.load %arg6[%get3A_98, %get3A_99] : memref<256x128xf32, #tpu.memory_space<vmem>>, vector<256x128xf32>
    %dot_general3A_101 = arith.constant dense<0.000000e+00> : vector<10000x128xf32>
    %dot_general3A_102 = tpu.matmul %mul3A_97, %get3A_100, %dot_general3A_101 {dimension_numbers = #tpu.dot_dimension_numbers<[1], [0], [0], [1], [0, 0, 1, 1], [], []>, transpose_lhs_hint = false} : vector<10000x256xf32>, vector<256x128xf32>, vector<10000x128xf32> -> vector<10000x128xf32>
    %get3A_103 = arith.constant 0 : index
    %get3A_104 = arith.constant 0 : index
    %get3A_105 = vector.load %arg7[%get3A_103, %get3A_104] : memref<1x128xf32, #tpu.memory_space<vmem>>, vector<1x128xf32>
    %add3A_106 = vector.broadcast %get3A_105 : vector<1x128xf32> to vector<10000x128xf32>
    %add3A_107 = arith.addf %dot_general3A_102, %add3A_106 : vector<10000x128xf32>
    %add3A_108 = arith.addf %add3A_107, %get3A_1 : vector<10000x128xf32>
    %swap3A_109 = arith.constant 0 : index
    %swap3A_110 = arith.constant 0 : index
    %swap3A_111 = vector.load %arg12[%swap3A_109, %swap3A_110] : memref<10000x128xf32, #tpu.memory_space<vmem>>, vector<10000x128xf32>
    tpu.vector_store %arg12[%swap3A_109, %swap3A_110], %add3A_108 {strides = array<i32>} : memref<10000x128xf32, #tpu.memory_space<vmem>>, vector<10000x128xf32>,
    return
  }
}

module attributes {stable_mosaic.version = 14 : i64} {
  func.func @_edge_body(%arg0: i32, %arg1: memref<1280x128xf32, #tpu.memory_space<vmem>>, %arg2: memref<1280x128xf32, #tpu.memory_space<vmem>>, %arg3: memref<1280x128xf32, #tpu.memory_space<vmem>>, %arg4: memref<2x16x4x128xf32, #tpu.memory_space<vmem>>, %arg5: memref<2x16x128xf32, #tpu.memory_space<vmem>>, %arg6: memref<1x128xf32, #tpu.memory_space<vmem>>, %arg7: memref<1x384xf32, #tpu.memory_space<vmem>>, %arg8: memref<1x384xf32, #tpu.memory_space<vmem>>, %arg9: memref<128x256xbf16, #tpu.memory_space<vmem>>, %arg10: memref<128x256xbf16, #tpu.memory_space<vmem>>, %arg11: memref<128x256xbf16, #tpu.memory_space<vmem>>, %arg12: memref<1x256xf32, #tpu.memory_space<vmem>>, %arg13: memref<256x128xbf16, #tpu.memory_space<vmem>>, %arg14: memref<1x128xf32, #tpu.memory_space<vmem>>, %arg15: memref<1280x128xf32, #tpu.memory_space<vmem>>) attributes {dimension_semantics = [#tpu.dimension_semantics<arbitrary>], iteration_bounds = array<i64: 250>, scalar_prefetch = 0 : i64, scratch_operands = 0 : i64, tpu.core_type = #tpu.core_type<tc>, window_params = [{transform_indices = @transform_0, window_bounds = array<i64: 1280, 128>}, {transform_indices = @transform_1, window_bounds = array<i64: 1280, 128>}, {transform_indices = @transform_2, window_bounds = array<i64: 1280, 128>}, {pipeline_mode = #tpu.pipeline_mode<synchronous>, transform_indices = @transform_3, window_bounds = array<i64: 2, 16, 4, 128>}, {pipeline_mode = #tpu.pipeline_mode<synchronous>, transform_indices = @transform_4, window_bounds = array<i64: 2, 16, 128>}, {pipeline_mode = #tpu.pipeline_mode<synchronous>, transform_indices = @transform_5, window_bounds = array<i64: 1, 128>}, {pipeline_mode = #tpu.pipeline_mode<synchronous>, transform_indices = @transform_6, window_bounds = array<i64: 1, 384>}, {pipeline_mode = #tpu.pipeline_mode<synchronous>, transform_indices = @transform_7, window_bounds = array<i64: 1, 384>}, {pipeline_mode = #tpu.pipeline_mode<synchronous>, transform_indices = @transform_8, window_bounds = array<i64: 128, 256>}, {pipeline_mode = #tpu.pipeline_mode<synchronous>, transform_indices = @transform_9, window_bounds = array<i64: 128, 256>}, {pipeline_mode = #tpu.pipeline_mode<synchronous>, transform_indices = @transform_10, window_bounds = array<i64: 128, 256>}, {pipeline_mode = #tpu.pipeline_mode<synchronous>, transform_indices = @transform_11, window_bounds = array<i64: 1, 256>}, {pipeline_mode = #tpu.pipeline_mode<synchronous>, transform_indices = @transform_12, window_bounds = array<i64: 256, 128>}, {pipeline_mode = #tpu.pipeline_mode<synchronous>, transform_indices = @transform_13, window_bounds = array<i64: 1, 128>}, {transform_indices = @transform_14, window_bounds = array<i64: 1280, 128>}]} {
    %get3A = arith.constant 0 : index
    %get3A_0 = arith.constant 0 : index
    %get3A_1 = arith.constant 0 : index
    %get3A_2 = arith.constant 0 : index
    %get3A_3 = vector.load %arg4[%get3A, %get3A_0, %get3A_1, %get3A_2] : memref<2x16x4x128xf32, #tpu.memory_space<vmem>>, vector<2x16x4x128xf32>
    %reshape3A = vector.shape_cast %get3A_3 : vector<2x16x4x128xf32> to vector<32x512xf32>
    %reduce_sum3A = arith.constant dense<0.000000e+00> : vector<512xf32>
    %reduce_sum3A_4 = vector.multi_reduction <add>, %reshape3A, %reduce_sum3A [0] : vector<32x512xf32> to vector<512xf32>
    %broadcast_in_dim3A = vector.shape_cast %reduce_sum3A_4 : vector<512xf32> to vector<1x512xf32>
    %slice3A = vector.extract_strided_slice %broadcast_in_dim3A {offsets = [0, 0], sizes = [1, 128], strides = [1, 1]} : vector<1x512xf32> to vector<1x128xf32>
    %slice3A_5 = vector.extract_strided_slice %broadcast_in_dim3A {offsets = [0, 128], sizes = [1, 128], strides = [1, 1]} : vector<1x512xf32> to vector<1x128xf32>
    %slice3A_6 = vector.extract_strided_slice %broadcast_in_dim3A {offsets = [0, 256], sizes = [1, 128], strides = [1, 1]} : vector<1x512xf32> to vector<1x128xf32>
    %slice3A_7 = vector.extract_strided_slice %broadcast_in_dim3A {offsets = [0, 384], sizes = [1, 128], strides = [1, 1]} : vector<1x512xf32> to vector<1x128xf32>
    %get3A_8 = arith.constant 0 : index
    %get3A_9 = arith.constant 0 : index
    %get3A_10 = vector.load %arg6[%get3A_8, %get3A_9] : memref<1x128xf32, #tpu.memory_space<vmem>>, vector<1x128xf32>
    %get3A_11 = arith.constant 0 : index
    %get3A_12 = arith.constant 0 : index
    %get3A_13 = arith.constant 0 : index
    %get3A_14 = vector.load %arg5[%get3A_11, %get3A_12, %get3A_13] : memref<2x16x128xf32, #tpu.memory_space<vmem>>, vector<2x16x128xf32>
    %reshape3A_15 = vector.shape_cast %get3A_14 : vector<2x16x128xf32> to vector<32x128xf32>
    %reduce_sum3A_16 = arith.constant dense<0.000000e+00> : vector<128xf32>
    %reduce_sum3A_17 = vector.multi_reduction <add>, %reshape3A_15, %reduce_sum3A_16 [0] : vector<32x128xf32> to vector<128xf32>
    %broadcast_in_dim3A_18 = vector.shape_cast %reduce_sum3A_17 : vector<128xf32> to vector<1x128xf32>
    %mul3A = arith.constant 3.125000e-06 : f32
    %mul3A_19 = vector.broadcast %mul3A : f32 to vector<1x128xf32>
    %mul3A_20 = arith.mulf %slice3A, %mul3A_19 : vector<1x128xf32>
    %mul3A_21 = arith.constant 3.125000e-06 : f32
    %mul3A_22 = vector.broadcast %mul3A_21 : f32 to vector<1x128xf32>
    %mul3A_23 = arith.mulf %slice3A_6, %mul3A_22 : vector<1x128xf32>
    %mul3A_24 = arith.constant 3.125000e-06 : f32
    %mul3A_25 = vector.broadcast %mul3A_24 : f32 to vector<1x128xf32>
    %mul3A_26 = arith.mulf %get3A_10, %mul3A_25 : vector<1x128xf32>
    %mul3A_27 = arith.constant 3.125000e-06 : f32
    %mul3A_28 = vector.broadcast %mul3A_27 : f32 to vector<1x128xf32>
    %mul3A_29 = arith.mulf %slice3A_5, %mul3A_28 : vector<1x128xf32>
    %mul3A_30 = arith.mulf %mul3A_20, %mul3A_20 : vector<1x128xf32>
    %sub3A = arith.subf %mul3A_29, %mul3A_30 : vector<1x128xf32>
    %add3A = arith.constant 9.99999974E-6 : f32
    %add3A_31 = vector.broadcast %add3A : f32 to vector<1x128xf32>
    %add3A_32 = arith.addf %sub3A, %add3A_31 : vector<1x128xf32>
    %sqrt3A = math.sqrt %add3A_32 : vector<1x128xf32>
    %div3A = arith.constant 1.000000e+00 : f32
    %div3A_33 = vector.broadcast %div3A : f32 to vector<1x128xf32>
    %div3A_34 = arith.divf %div3A_33, %sqrt3A : vector<1x128xf32>
    %mul3A_35 = arith.constant 3.125000e-06 : f32
    %mul3A_36 = vector.broadcast %mul3A_35 : f32 to vector<1x128xf32>
    %mul3A_37 = arith.mulf %slice3A_7, %mul3A_36 : vector<1x128xf32>
    %mul3A_38 = arith.mulf %mul3A_23, %mul3A_23 : vector<1x128xf32>
    %sub3A_39 = arith.subf %mul3A_37, %mul3A_38 : vector<1x128xf32>
    %add3A_40 = arith.constant 9.99999974E-6 : f32
    %add3A_41 = vector.broadcast %add3A_40 : f32 to vector<1x128xf32>
    %add3A_42 = arith.addf %sub3A_39, %add3A_41 : vector<1x128xf32>
    %sqrt3A_43 = math.sqrt %add3A_42 : vector<1x128xf32>
    %div3A_44 = arith.constant 1.000000e+00 : f32
    %div3A_45 = vector.broadcast %div3A_44 : f32 to vector<1x128xf32>
    %div3A_46 = arith.divf %div3A_45, %sqrt3A_43 : vector<1x128xf32>
    %mul3A_47 = arith.constant 3.125000e-06 : f32
    %mul3A_48 = vector.broadcast %mul3A_47 : f32 to vector<1x128xf32>
    %mul3A_49 = arith.mulf %broadcast_in_dim3A_18, %mul3A_48 : vector<1x128xf32>
    %mul3A_50 = arith.mulf %mul3A_26, %mul3A_26 : vector<1x128xf32>
    %sub3A_51 = arith.subf %mul3A_49, %mul3A_50 : vector<1x128xf32>
    %add3A_52 = arith.constant 9.99999974E-6 : f32
    %add3A_53 = vector.broadcast %add3A_52 : f32 to vector<1x128xf32>
    %add3A_54 = arith.addf %sub3A_51, %add3A_53 : vector<1x128xf32>
    %sqrt3A_55 = math.sqrt %add3A_54 : vector<1x128xf32>
    %div3A_56 = arith.constant 1.000000e+00 : f32
    %div3A_57 = vector.broadcast %div3A_56 : f32 to vector<1x128xf32>
    %div3A_58 = arith.divf %div3A_57, %sqrt3A_55 : vector<1x128xf32>
    %get3A_59 = arith.constant 0 : index
    %get3A_60 = arith.constant 0 : index
    %get3A_61 = vector.load %arg7[%get3A_59, %get3A_60] : memref<1x384xf32, #tpu.memory_space<vmem>>, vector<1x384xf32>
    %get3A_62 = arith.constant 0 : index
    %get3A_63 = arith.constant 0 : index
    %get3A_64 = vector.load %arg8[%get3A_62, %get3A_63] : memref<1x384xf32, #tpu.memory_space<vmem>>, vector<1x384xf32>
    %get3A_65 = arith.constant 0 : index
    %get3A_66 = arith.constant 0 : index
    %get3A_67 = vector.load %arg3[%get3A_65, %get3A_66] : memref<1280x128xf32, #tpu.memory_space<vmem>>, vector<1280x128xf32>
    %get3A_68 = arith.constant 0 : index
    %get3A_69 = arith.constant 0 : index
    %get3A_70 = vector.load %arg1[%get3A_68, %get3A_69] : memref<1280x128xf32, #tpu.memory_space<vmem>>, vector<1280x128xf32>
    %sub3A_71 = vector.broadcast %mul3A_20 : vector<1x128xf32> to vector<1280x128xf32>
    %sub3A_72 = arith.subf %get3A_70, %sub3A_71 : vector<1280x128xf32>
    %mul3A_73 = vector.broadcast %div3A_34 : vector<1x128xf32> to vector<1280x128xf32>
    %mul3A_74 = arith.mulf %sub3A_72, %mul3A_73 : vector<1280x128xf32>
    %slice3A_75 = vector.extract_strided_slice %get3A_61 {offsets = [0, 0], sizes = [1, 128], strides = [1, 1]} : vector<1x384xf32> to vector<1x128xf32>
    %mul3A_76 = vector.broadcast %slice3A_75 : vector<1x128xf32> to vector<1280x128xf32>
    %mul3A_77 = arith.mulf %mul3A_74, %mul3A_76 : vector<1280x128xf32>
    %slice3A_78 = vector.extract_strided_slice %get3A_64 {offsets = [0, 0], sizes = [1, 128], strides = [1, 1]} : vector<1x384xf32> to vector<1x128xf32>
    %add3A_79 = vector.broadcast %slice3A_78 : vector<1x128xf32> to vector<1280x128xf32>
    %add3A_80 = arith.addf %mul3A_77, %add3A_79 : vector<1280x128xf32>
    %convert_element_type3A = arith.truncf %add3A_80 : vector<1280x128xf32> to vector<1280x128xbf16>
    %get3A_81 = arith.constant 0 : index
    %get3A_82 = arith.constant 0 : index
    %get3A_83 = vector.load %arg2[%get3A_81, %get3A_82] : memref<1280x128xf32, #tpu.memory_space<vmem>>, vector<1280x128xf32>
    %sub3A_84 = vector.broadcast %mul3A_23 : vector<1x128xf32> to vector<1280x128xf32>
    %sub3A_85 = arith.subf %get3A_83, %sub3A_84 : vector<1280x128xf32>
    %mul3A_86 = vector.broadcast %div3A_46 : vector<1x128xf32> to vector<1280x128xf32>
    %mul3A_87 = arith.mulf %sub3A_85, %mul3A_86 : vector<1280x128xf32>
    %slice3A_88 = vector.extract_strided_slice %get3A_61 {offsets = [0, 128], sizes = [1, 128], strides = [1, 1]} : vector<1x384xf32> to vector<1x128xf32>
    %mul3A_89 = vector.broadcast %slice3A_88 : vector<1x128xf32> to vector<1280x128xf32>
    %mul3A_90 = arith.mulf %mul3A_87, %mul3A_89 : vector<1280x128xf32>
    %slice3A_91 = vector.extract_strided_slice %get3A_64 {offsets = [0, 128], sizes = [1, 128], strides = [1, 1]} : vector<1x384xf32> to vector<1x128xf32>
    %add3A_92 = vector.broadcast %slice3A_91 : vector<1x128xf32> to vector<1280x128xf32>
    %add3A_93 = arith.addf %mul3A_90, %add3A_92 : vector<1280x128xf32>
    %convert_element_type3A_94 = arith.truncf %add3A_93 : vector<1280x128xf32> to vector<1280x128xbf16>
    %sub3A_95 = vector.broadcast %mul3A_26 : vector<1x128xf32> to vector<1280x128xf32>
    %sub3A_96 = arith.subf %get3A_67, %sub3A_95 : vector<1280x128xf32>
    %mul3A_97 = vector.broadcast %div3A_58 : vector<1x128xf32> to vector<1280x128xf32>
    %mul3A_98 = arith.mulf %sub3A_96, %mul3A_97 : vector<1280x128xf32>
    %slice3A_99 = vector.extract_strided_slice %get3A_61 {offsets = [0, 256], sizes = [1, 128], strides = [1, 1]} : vector<1x384xf32> to vector<1x128xf32>
    %mul3A_100 = vector.broadcast %slice3A_99 : vector<1x128xf32> to vector<1280x128xf32>
    %mul3A_101 = arith.mulf %mul3A_98, %mul3A_100 : vector<1280x128xf32>
    %slice3A_102 = vector.extract_strided_slice %get3A_64 {offsets = [0, 256], sizes = [1, 128], strides = [1, 1]} : vector<1x384xf32> to vector<1x128xf32>
    %add3A_103 = vector.broadcast %slice3A_102 : vector<1x128xf32> to vector<1280x128xf32>
    %add3A_104 = arith.addf %mul3A_101, %add3A_103 : vector<1280x128xf32>
    %convert_element_type3A_105 = arith.truncf %add3A_104 : vector<1280x128xf32> to vector<1280x128xbf16>
    %get3A_106 = arith.constant 0 : index
    %get3A_107 = arith.constant 0 : index
    %get3A_108 = vector.load %arg9[%get3A_106, %get3A_107] : memref<128x256xbf16, #tpu.memory_space<vmem>>, vector<128x256xbf16>
    %dot_general3A = arith.constant dense<0.000000e+00> : vector<1280x256xf32>
    %dot_general3A_109 = tpu.matmul %convert_element_type3A, %get3A_108, %dot_general3A {dimension_numbers = #tpu.dot_dimension_numbers<[1], [0], [0], [1], [0, 0, 1, 1], [], []>, transpose_lhs_hint = false} : vector<1280x128xbf16>, vector<128x256xbf16>, vector<1280x256xf32> -> vector<1280x256xf32>
    %get3A_110 = arith.constant 0 : index
    %get3A_111 = arith.constant 0 : index
    %get3A_112 = vector.load %arg10[%get3A_110, %get3A_111] : memref<128x256xbf16, #tpu.memory_space<vmem>>, vector<128x256xbf16>
    %dot_general3A_113 = arith.constant dense<0.000000e+00> : vector<1280x256xf32>
    %dot_general3A_114 = tpu.matmul %convert_element_type3A_94, %get3A_112, %dot_general3A_113 {dimension_numbers = #tpu.dot_dimension_numbers<[1], [0], [0], [1], [0, 0, 1, 1], [], []>, transpose_lhs_hint = false} : vector<1280x128xbf16>, vector<128x256xbf16>, vector<1280x256xf32> -> vector<1280x256xf32>
    %add3A_115 = arith.addf %dot_general3A_109, %dot_general3A_114 : vector<1280x256xf32>
    %get3A_116 = arith.constant 0 : index
    %get3A_117 = arith.constant 0 : index
    %get3A_118 = vector.load %arg11[%get3A_116, %get3A_117] : memref<128x256xbf16, #tpu.memory_space<vmem>>, vector<128x256xbf16>
    %dot_general3A_119 = arith.constant dense<0.000000e+00> : vector<1280x256xf32>
    %dot_general3A_120 = tpu.matmul %convert_element_type3A_105, %get3A_118, %dot_general3A_119 {dimension_numbers = #tpu.dot_dimension_numbers<[1], [0], [0], [1], [0, 0, 1, 1], [], []>, transpose_lhs_hint = false} : vector<1280x128xbf16>, vector<128x256xbf16>, vector<1280x256xf32> -> vector<1280x256xf32>
    %add3A_121 = arith.addf %add3A_115, %dot_general3A_120 : vector<1280x256xf32>
    %get3A_122 = arith.constant 0 : index
    %get3A_123 = arith.constant 0 : index
    %get3A_124 = vector.load %arg12[%get3A_122, %get3A_123] : memref<1x256xf32, #tpu.memory_space<vmem>>, vector<1x256xf32>
    %add3A_125 = vector.broadcast %get3A_124 : vector<1x256xf32> to vector<1280x256xf32>
    %add3A_126 = arith.addf %add3A_121, %add3A_125 : vector<1280x256xf32>
    %mul3A_127 = arith.constant 5.000000e-01 : f32
    %mul3A_128 = vector.broadcast %mul3A_127 : f32 to vector<1280x256xf32>
    %mul3A_129 = arith.mulf %mul3A_128, %add3A_126 : vector<1280x256xf32>
    %mul3A_130 = arith.constant 0.707106769 : f32
    %mul3A_131 = vector.broadcast %mul3A_130 : f32 to vector<1280x256xf32>
    %mul3A_132 = arith.mulf %add3A_126, %mul3A_131 : vector<1280x256xf32>
    %erf3A = math.erf %mul3A_132 : vector<1280x256xf32>
    %add3A_133 = arith.constant 1.000000e+00 : f32
    %add3A_134 = vector.broadcast %add3A_133 : f32 to vector<1280x256xf32>
    %add3A_135 = arith.addf %add3A_134, %erf3A : vector<1280x256xf32>
    %mul3A_136 = arith.mulf %mul3A_129, %add3A_135 : vector<1280x256xf32>
    %convert_element_type3A_137 = arith.truncf %mul3A_136 : vector<1280x256xf32> to vector<1280x256xbf16>
    %get3A_138 = arith.constant 0 : index
    %get3A_139 = arith.constant 0 : index
    %get3A_140 = vector.load %arg13[%get3A_138, %get3A_139] : memref<256x128xbf16, #tpu.memory_space<vmem>>, vector<256x128xbf16>
    %dot_general3A_141 = arith.constant dense<0.000000e+00> : vector<1280x128xf32>
    %dot_general3A_142 = tpu.matmul %convert_element_type3A_137, %get3A_140, %dot_general3A_141 {dimension_numbers = #tpu.dot_dimension_numbers<[1], [0], [0], [1], [0, 0, 1, 1], [], []>, transpose_lhs_hint = false} : vector<1280x256xbf16>, vector<256x128xbf16>, vector<1280x128xf32> -> vector<1280x128xf32>
    %get3A_143 = arith.constant 0 : index
    %get3A_144 = arith.constant 0 : index
    %get3A_145 = vector.load %arg14[%get3A_143, %get3A_144] : memref<1x128xf32, #tpu.memory_space<vmem>>, vector<1x128xf32>
    %add3A_146 = vector.broadcast %get3A_145 : vector<1x128xf32> to vector<1280x128xf32>
    %add3A_147 = arith.addf %dot_general3A_142, %add3A_146 : vector<1280x128xf32>
    %add3A_148 = arith.addf %add3A_147, %get3A_67 : vector<1280x128xf32>
    %swap3A = arith.constant 0 : index
    %swap3A_149 = arith.constant 0 : index
    %swap3A_150 = vector.load %arg15[%swap3A, %swap3A_149] : memref<1280x128xf32, #tpu.memory_space<vmem>>, vector<1280x128xf32>
    tpu.vector_store %arg15[%swap3A, %swap3A_149], %add3A_148 {strides = array<i32>} : memref<1280x128xf32, #tpu.memory_space<vmem>>, vector<1280x128xf32>,
    return
  }
  func.func @transform_0(%arg0: i32) -> (i32, i32) {
    %c0_i32 = arith.constant 0 : i32
    %c0_i32_0 = arith.constant 0 : i32
    return %arg0, %c0_i32 : i32, i32
  }
  func.func @transform_1(%arg0: i32) -> (i32, i32) {
    %c0_i32 = arith.constant 0 : i32
    %c0_i32_0 = arith.constant 0 : i32
    return %arg0, %c0_i32 : i32, i32
  }
  func.func @transform_2(%arg0: i32) -> (i32, i32) {
    %c0_i32 = arith.constant 0 : i32
    %c0_i32_0 = arith.constant 0 : i32
    return %arg0, %c0_i32 : i32, i32
  }
  func.func @transform_3(%arg0: i32) -> (i32, i32, i32, i32) {
    %c0_i32 = arith.constant 0 : i32
    %c0_i32_0 = arith.constant 0 : i32
    %c0_i32_1 = arith.constant 0 : i32
    %c0_i32_2 = arith.constant 0 : i32
    %c0_i32_3 = arith.constant 0 : i32
    return %c0_i32, %c0_i32_0, %c0_i32_1, %c0_i32_2 : i32, i32, i32, i32
  }
  func.func @transform_4(%arg0: i32) -> (i32, i32, i32) {
    %c0_i32 = arith.constant 0 : i32
    %c0_i32_0 = arith.constant 0 : i32
    %c0_i32_1 = arith.constant 0 : i32
    %c0_i32_2 = arith.constant 0 : i32
    return %c0_i32, %c0_i32_0, %c0_i32_1 : i32, i32, i32
  }
  func.func @transform_5(%arg0: i32) -> (i32, i32) {
    %c0_i32 = arith.constant 0 : i32
    %c0_i32_0 = arith.constant 0 : i32
    %c0_i32_1 = arith.constant 0 : i32
    return %c0_i32, %c0_i32_0 : i32, i32
  }
  func.func @transform_6(%arg0: i32) -> (i32, i32) {
    %c0_i32 = arith.constant 0 : i32
    %c0_i32_0 = arith.constant 0 : i32
    %c0_i32_1 = arith.constant 0 : i32
    return %c0_i32, %c0_i32_0 : i32, i32
  }
  func.func @transform_7(%arg0: i32) -> (i32, i32) {
    %c0_i32 = arith.constant 0 : i32
    %c0_i32_0 = arith.constant 0 : i32
    %c0_i32_1 = arith.constant 0 : i32
    return %c0_i32, %c0_i32_0 : i32, i32
  }
  func.func @transform_8(%arg0: i32) -> (i32, i32) {
    %c0_i32 = arith.constant 0 : i32
    %c0_i32_0 = arith.constant 0 : i32
    %c0_i32_1 = arith.constant 0 : i32
    return %c0_i32, %c0_i32_0 : i32, i32
  }
  func.func @transform_9(%arg0: i32) -> (i32, i32) {
    %c0_i32 = arith.constant 0 : i32
    %c0_i32_0 = arith.constant 0 : i32
    %c0_i32_1 = arith.constant 0 : i32
    return %c0_i32, %c0_i32_0 : i32, i32
  }
  func.func @transform_10(%arg0: i32) -> (i32, i32) {
    %c0_i32 = arith.constant 0 : i32
    %c0_i32_0 = arith.constant 0 : i32
    %c0_i32_1 = arith.constant 0 : i32
    return %c0_i32, %c0_i32_0 : i32, i32
  }
  func.func @transform_11(%arg0: i32) -> (i32, i32) {
    %c0_i32 = arith.constant 0 : i32
    %c0_i32_0 = arith.constant 0 : i32
    %c0_i32_1 = arith.constant 0 : i32
    return %c0_i32, %c0_i32_0 : i32, i32
  }
  func.func @transform_12(%arg0: i32) -> (i32, i32) {
    %c0_i32 = arith.constant 0 : i32
    %c0_i32_0 = arith.constant 0 : i32
    %c0_i32_1 = arith.constant 0 : i32
    return %c0_i32, %c0_i32_0 : i32, i32
  }
  func.func @transform_13(%arg0: i32) -> (i32, i32) {
    %c0_i32 = arith.constant 0 : i32
    %c0_i32_0 = arith.constant 0 : i32
    %c0_i32_1 = arith.constant 0 : i32
    return %c0_i32, %c0_i32_0 : i32, i32
  }
  func.func @transform_14(%arg0: i32) -> (i32, i32) {
    %c0_i32 = arith.constant 0 : i32
    %c0_i32_0 = arith.constant 0 : i32
    return %arg0, %c0_i32 : i32, i32
  }
}

</mosaic_0001>

<sc_bundles>
// kernel: kernel.6.cloned.1.call-start
scs
__scs_entry_jumppad:
0x0: {  	(pc) =	sbr.rel $0x88, $3  }
0x1: {  	(tag) =	ssettag $0x0;
	lr =	simm.s32 $0x1  }
0x2: {  	[smem:$0x3F92] =	sst lr;
	_ =	strace $0xD0000000  }
0x3: {  	_ = 	snop  }
0x4: {  	_ = 	snop  }
0x5: {  	_ = 	snop  }
0x6: {  	_ = 	snop  }
0x7: {  	_ = 	snop  }
__scs_overlays_trampoline_lowered:
0x8: {  	[smem:$0x3FA1] =	sst s0  }
0x9: {  	[smem:$0x3FA2] =	sst s1  }
0xa: {  	[smem:$0x3FA3] =	sst s2  }
0xb: {  	[smem:$0x3FA4] =	sst s3  }
0xc: {  	[smem:$0x3FA5] =	sst s4  }
0xd: {  	[smem:$0x3FA6] =	sst s5  }
0xe: {  	[smem:$0x3FA7] =	sst s6  }
0xf: {  	[smem:$0x3FA8] =	sst s7  }
0x10: {  	[smem:$0x3FA9] =	sst s8  }
0x11: {  	[smem:$0x3FAA] =	sst s9;
	s0 =	simm.s32 @!p0 $0x0  }
0x12: {  	s1 =	sld [smem:$0x3F90];
	s0 =	simm.s32 @p0 $0x1  }
0x13: {  	[smem:$0x3FAB] =	sst s0;
	s0 =	simm.s32 @!p1 $0x0  }
0x14: {  	s2 =	sld [smem:$0x3F8F];
	s0 =	simm.s32 @p1 $0x1  }
0x15: {  	[smem:$0x3FAC] =	sst s0;
	s0 =	simm.s32 @!p2 $0x0  }
0x16: {  	s3 =	sld [smem:$0x3FDB];
	s0 =	simm.s32 @p2 $0x1  }
0x17: {  	s4 =	simm.s32 $0x1BF5;
	[smem:$0x3FAE] =	sst s0  }
0x18: {  	s0 =	sld [smem:$0x3F91];
	_ =	swait.ge [sflag:s4], $0x0  }
0x19: {  	s7 =	sld [smem:$0x3F92]  }
0x1a: {  	s8 =	sadd.s32 $0xFFFFE003, lr  }
0x1b: {  	s9 =	sadd.s32 $0xFFFFFEF7, lr;
	s5 =	simm.s32 $0xFFFFFFFF;
	p2 =	slt.u32 s8, $0xFFFFF086  }
0x1c: {  	p1 =	slt.u32 s9, $0xF7A;
	s5 =	simm.s32 @!p2 $0x0  }
0x1d: {  	s5 =	simm.s32 @p1 $0x1;
	p0 =	seq.s32 s7, s2  }
0x1e: {  	s7 =	smul.u32 @!p0 $0xF7A, s2;
	p2 =	seq.s32 @!p0 s5, $0x0  }
0x1f: {  	s9 =	smul.u32 $0xF7A, s1;
	s8 =	simm.s32 @!p0 $0x1BF5;
	p2 =	por !p2, p0  }
0x20: {  	[sflag:s8] =	ssyncset.s32 @!p0 $0xFFFFF086;
	s6 =	sadd.s32 @!p0 s3, s7;
	s7 =	simm.s32 @!p0 $0x108  }
0x21: {  	s3 =	sadd.s32 s3, s9;
	s6 =	sadd.s32 @!p0 $0x88, s6;
	s7 =	simm.s32 @p2 $0x1082  }
0x22: {  	[simem:s7], [sflag:s8] =	dma.local @!p0 [hbm:s6], $0xF7A  }
0x23: {  	s9 =	sor.u32 $0xD0000000, s2;
	s6 =	simm.s32 $0x108;
	_ =	swait.ge @!p0 [sflag:s8], $0x0  }
0x24: {  	s3 =	sadd.s32 $0x88, s3;
	s6 =	simm.s32 @!p1 $0x1082;
	[sflag:s4] =	ssyncset.s32 $0xFFFFF086  }
0x25: {  	[simem:s6], [sflag:s4] =	dma.local [hbm:s3], $0xF7A  }
0x26: {  	[smem:$0x3F92] =	sst s1;
	(tag) =	ssettag s2;
	_ =	strace s9  }
0x27: {  	s1 =	sld [smem:$0x3FA2]  }
0x28: {  	s2 =	sld [smem:$0x3FA3]  }
0x29: {  	s4 =	sld [smem:$0x3FA5]  }
0x2a: {  	p0 =	seq.s32 s5, $0x0;
	s5 =	sld [smem:$0x3FA6]  }
0x2b: {  	s6 =	sld [smem:$0x3FA7]  }
0x2c: {  	s7 =	sld [smem:$0x3FA8]  }
0x2d: {  	s3 =	simm.s32 $0x108;
	s8 =	sld [smem:$0x3FA9]  }
0x2e: {  	s3 =	simm.s32 @!p0 $0x1082;
	s9 =	sld [smem:$0x3FAA]  }
0x2f: {  	lr =	sadd.s32 s0, s3;
	s0 =	sld [smem:$0x3FA1]  }
0x30: {  	s3 =	sld [smem:$0x3FA4]  }
0x31: {  	[smem:$0x3FAD] =	sst s10  }
0x32: {  	s10 =	sld [smem:$0x3FAB];
	_ =	sdelay $0x3  }
0x33: {  	p0 =	seq.s32 s10, $0x1;
	s10 =	sld [smem:$0x3FAD];
	_ =	sdelay $0x3  }
0x34: {  	[smem:$0x3FAD] =	sst s10  }
0x35: {  	s10 =	sld [smem:$0x3FAC];
	_ =	sdelay $0x3  }
0x36: {  	p1 =	seq.s32 s10, $0x1;
	s10 =	sld [smem:$0x3FAD];
	_ =	sdelay $0x3  }
0x37: {  	[smem:$0x3FAD] =	sst s10  }
0x38: {  	s10 =	sld [smem:$0x3FAE]  }
0x39: {  	_ = 	snop;
	(pc) =	sbr.ind lr, $3  }
0x3a: {  	_ = 	snop  }
0x3b: {  	_ = 	snop  }
0x3c: {  	p2 =	seq.s32 s10, $0x1;
	s10 =	sld [smem:$0x3FAD]  }
0x3d: {  	_ =	shalt  }
0x3e: {  	_ =	shalt  }
0x3f: {  	_ =	shalt  }
0x40: {  	_ =	shalt  }
0x41: {  	_ =	shalt  }
0x42: {  	_ =	shalt  }
0x43: {  	_ =	shalt  }
0x44: {  	_ =	shalt  }
0x45: {  	_ =	shalt  }
0x46: {  	_ =	shalt  }
0x47: {  	_ =	shalt  }
0x48: {  	_ =	shalt  }
0x49: {  	_ =	shalt  }
0x4a: {  	_ =	shalt  }
0x4b: {  	_ =	shalt  }
0x4c: {  	_ =	shalt  }
0x4d: {  	_ =	shalt  }
0x4e: {  	_ =	shalt  }
0x4f: {  	_ =	shalt  }
0x50: {  	_ =	shalt  }
0x51: {  	_ =	shalt  }
0x52: {  	_ =	shalt  }
0x53: {  	_ =	shalt  }
0x54: {  	_ =	shalt  }
0x55: {  	_ =	shalt  }
0x56: {  	_ =	shalt  }
0x57: {  	_ =	shalt  }
0x58: {  	_ =	shalt  }
0x59: {  	_ =	shalt  }
0x5a: {  	_ =	shalt  }
0x5b: {  	_ =	shalt  }
0x5c: {  	_ =	shalt  }
0x5d: {  	_ =	shalt  }
0x5e: {  	_ =	shalt  }
0x5f: {  	_ =	shalt  }
0x60: {  	_ =	shalt  }
0x61: {  	_ =	shalt  }
0x62: {  	_ =	shalt  }
0x63: {  	_ =	shalt  }
0x64: {  	_ =	shalt  }
0x65: {  	_ =	shalt  }
0x66: {  	_ =	shalt  }
0x67: {  	_ =	shalt  }
0x68: {  	_ =	shalt  }
0x69: {  	_ =	shalt  }
0x6a: {  	_ =	shalt  }
0x6b: {  	_ =	shalt  }
0x6c: {  	_ =	shalt  }
0x6d: {  	_ =	shalt  }
0x6e: {  	_ =	shalt  }
0x6f: {  	_ =	shalt  }
0x70: {  	_ =	shalt  }
0x71: {  	_ =	shalt  }
0x72: {  	_ =	shalt  }
0x73: {  	_ =	shalt  }
0x74: {  	_ =	shalt  }
0x75: {  	_ =	shalt  }
0x76: {  	_ =	shalt  }
0x77: {  	_ =	shalt  }
0x78: {  	_ =	shalt  }
0x79: {  	_ =	shalt  }
0x7a: {  	_ =	shalt  }
0x7b: {  	_ =	shalt  }
0x7c: {  	_ =	shalt  }
0x7d: {  	_ =	shalt  }
0x7e: {  	_ =	shalt  }
0x7f: {  	_ =	shalt  }
0x80: {  	_ =	shalt  }
0x81: {  	_ =	shalt  }
0x82: {  	_ =	shalt  }
0x83: {  	_ =	shalt  }
0x84: {  	_ =	shalt  }
0x85: {  	_ =	shalt  }
0x86: {  	_ =	shalt  }
0x87: {  	_ =	shalt  }
.Lfunc_end0:
.L_simem_size_0:
called_computation_lowered:
.L_overlay_start_0:
0x88: {  	s2 =	sld [smem:$0x3FD9]  }
0x89: {  	s3 =	sld [smem:$0x3FFE];
	_ =	sdelay $0x1  }
0x8a: {  	s1 =	srdreg.scid  }
0x8b: {  	s0 =	sand.u32 $0x1, s1  }
0x8c: {  	s14 =	sshll.u32 s0, $0xA;
	s2 =	sadd.s32 s3, s2  }
0x8d: {  	s2 =	sadd.s32 s2, s14  }
0x8e: {  	[smem:$0x3FB9] =	sst s2  }
0x8f: {  	_ = 	snop  }
0x90: {  	s2 =	sld [smem:$0x3FD0];
	_ =	sdelay $0x2  }
0x91: {  	s4 =	simm.s32 $0xA;
	s5 =	simm.s32 $0x10;
	s15 =	sld [smem:$0x3FC8]  }
0x92: {  	[smem:s5], [sflag:s4] =	dma.local [hbm:s2], $0x1  }
0x93: {  	_ =	swait.eq [sflag:s4], $0x1  }
0x94: {  	[sflag:s4] =	ssyncset.done $0x0  }
0x95: {  	[sflag:s4] =	ssyncadd.s32 $0xFFFFFFFF  }
0x96: {  	s16 =	sld [smem:$0x11];
	(tm) =	ssettm $0x1  }
0x97: {  	s17 =	sld [smem:$0x3FFB];
	_ =	sdelay $0x3  }
0x98: {  	_ =	strace s17  }
0x99: {  	s4 =	sld [smem:$0x3FFC];
	_ =	sdelay $0x3  }
0x9a: {  	_ =	strace s4  }
0x9b: {  	s4 =	sld [smem:$0x3FFD];
	_ =	sdelay $0x3  }
0x9c: {  	_ =	strace s4  }
0x9d: {  	_ =	strace $0x8FFFFFFF  }
0x9e: {  	s18 =	sld [smem:$0x3FDB];
	_ =	sdelay $0x1  }
0x9f: {  	s19 =	simm.s32 $_scs_section_size  }
0xa0: {  	s6 =	simm.s32 $_size__tile_overlayer_lowered;
	s7 =	simm.s32 $_tile_overlayer_lowered  }
0xa1: {  	s22 =	simm.s32 $0x1BFF;
	s21 =	sshll.u32 s7, $0x1;
	s4 =	sadd.s32 s19, s18  }
0xa2: {  	s8 =	simm.s32 $0x0;
	s20 =	sshll.u32 s6, $0x1;
	s6 =	sadd.s32 s21, s4  }
0xa3: {  	[timem:s8], [sflag:s22] =	dma.local [hbm:s6], s20  }
0xa4: {  	_ =	swait.ge [sflag:s22], s20  }
0xa5: {  	s5 =	ssub.s32 $0x0, s20;
	[sflag:s22] =	ssyncset.done $0x0  }
0xa6: {  	[sflag:s22] =	ssyncadd.s32 s5;
	_ =	sdelay $0x1  }
0xa7: {  	s23 =	simm.s32 $0x1B8B  }
0xa8: {  	_ =	swait.ge [sflag:s23], $0x1  }
0xa9: {  	[sflag:s23] =	ssyncset.done $0x0  }
0xaa: {  	s25 =	simm.s32 $0x1B8E;
	s24 =	sld [smem:$0x3FFE];
	[sflag:s23] =	ssyncadd.s32 $0xFFFFFFFF  }
0xab: {  	s26 =	simm.s32 $execute0_lowered;
	[smem:$0x3FD2] =	sst s25  }
0xac: {  	s6 =	sshll.u32 s26, $0x1;
	_ =	strace $0x80000046;
	[dreg:$0x1] =	wrdreg $0xFFFFFFFF  }
0xad: {  	s28 =	simm.s32 $_size_execute0_lowered;
	s4 =	sadd.s32 s4, s6;
	[dreg:$0x0] =	wrdreg $0x0  }
0xae: {  	s6 =	sshll.u32 s28, $0x1;
	[dreg:$0x2] =	wrdreg s4  }
0xaf: {  	[dreg:$0x3] =	wrdreg s6  }
0xb0: {  	[dreg:$0x4] =	wrdreg $0xC0  }
0xb1: {  	_ =	task [dreg:s8], $0x5FFFF  }
0xb2: {  	[dreg:$0x1] =	wrdreg $0xFFFFFFFF  }
0xb3: {  	[dreg:$0x0] =	wrdreg $0x60  }
0xb4: {  	[dreg:$0x2] =	wrdreg s15  }
0xb5: {  	[dreg:$0x3] =	wrdreg s24  }
0xb6: {  	[dreg:$0x4] =	wrdreg s16  }
0xb7: {  	[dreg:$0x5] =	wrdreg $0x89800  }
0xb8: {  	[dreg:$0x6] =	wrdreg $0x9  }
0xb9: {  	_ =	task.clear_ibuf [dreg:s8], $0x7FFFF;
	_ =	strace $0x90000046  }
0xba: {  	s29 =	simm.s32 $0x9;
	_ =	strace $0x80000048  }
0xbb: {  	_ =	swait.ge [sflag:s29], $0x1  }
0xbc: {  	[sflag:s29] =	ssyncadd.s32 $0xFFFFFFFF  }
0xbd: {  	_ =	strace $0x90000048  }
0xbe: {  	_ =	sfence  }
0xbf: {  	s30 =	sld [smem:$0x0];
	_ =	sdelay $0x2  }
0xc0: {  	s31 =	sshll.u32 s1, $0xD;
	s1 =	sshrl.u32 s1, $0x2  }
0xc1: {  	s3 =	sand.u32 $0x4000, s31;
	s1 =	sadd.s32 s1, s30  }
0xc2: {  	s0 =	sor.u32 s3, s0;
	s1 =	sshll.u32 s1, $0x11  }
0xc3: {  	s0 =	sor.u32 s1, s0  }
0xc4: {  	s0 =	sadd.s32 $0x8F2B, s0  }
0xc5: {  	[sflag:s0] =	ssyncadd.remote.s32 $0x1  }
0xc6: {  	_ =	sfence.sel $0xFFFF  }
0xc7: {  	[dreg:$0x0] =	wrdreg $0xFFFFFFFF;
	(pc) =	sbr.abs _section_cstart, $3  }
0xc8: {  	[dreg:$0x1] =	wrdreg $0xFFFFFFFF  }
0xc9: {  	_ =	task.clear_ibuf [dreg:s8], $0x2FFFF;
	_ =	strace $0x9FFFFFFF  }
0xca: {  	(tm) =	ssettm $0x7FFFFFFF  }
0xcb: {  	_ =	shalt  }
tec
execute0_lowered:
.L_overlay_start_1:
0x0: {  	(tag) =	ssettag $0x1  }
0x1: {  	s1 =	rddreg [dreg:$0x0]  }
0x2: {  	s0 =	rddreg [dreg:$0x1]  }
0x3: {  	s4 =	rddreg [dreg:$0x2]  }
0x4: {  	s2 =	rddreg [dreg:$0x3];
	s3 =	simm.s32 $0x0  }
0x5: {  	s6 =	srdreg.scid;
	s9 =	stileid.u32;
	s30 =	simm.s32 $0x0  }
0x6: {  	s31 =	simm.s32 $0x0;
	s29 =	simm.s32 $0x0;
	[smem:$0x7FF] =	sst s3  }
0x7: {  	s5 =	sadd.s32 $0xCE00, s0;
	s14 =	sand.u32 $0x1, s6;
	s8 =	smul.u32 $0x50000, s9  }
0x8: {  	s20 =	sshll.u32 s9, $0x4;
	s15 =	smul.u32 $0x14000, s9;
	s22 =	sshll.u32 s9, $0x1  }
0x9: {  	_ =	strace $0x80000047;
	s7 =	ssub.s32 $0x2, s14;
	s0 =	sadd.s32 s20, s0  }
0xa: {  	s24 =	sor.u32 s14, s22;
	s22 =	smul.u32 $0x140000, s14;
	s14 =	sshll.u32 s14, $0x8  }
0xb: {  	s21 =	sshrl.u32 s7, $0x1;
	s23 =	sshrl.u32 s8, $0x2;
	s16 =	sadd.s32 $0x4000, s15  }
0xc: {  	s17 =	sadd.s32 $0x8000, s15;
	s8 =	smul.u32 $0x2710, s24;
	s18 =	sadd.s32 $0xC000, s15  }
0xd: {  	s19 =	sadd.s32 $0x10000, s15;
	s0 =	sadd.s32 s14, s0;
	s24 =	simm.s32 $0x80  }
0xe: {  	s20 =	ssub.s32 s7, s21;
	s6 =	sadd.s32 s23, s2;
	s7 =	sadd.s32 s16, s2  }
0xf: {  	s9 =	sadd.s32 s17, s2;
	s10 =	sadd.s32 s18, s2;
	s11 =	sadd.s32 s19, s2  }
0x10: {  	s15 =	sadd.s32 s15, s22;
	s16 =	sadd.s32 s22, s16;
	s14 =	sadd.s32 $0x16C00, s0  }
0x11: {  	s26 =	sadd.s32 s22, s17;
	s18 =	sadd.s32 s22, s18;
	s19 =	sadd.s32 s22, s19  }
0x12: {  	s22 =	simm.s32 $0x1;
	s23 =	simm.s32 $0x4000;
	s12 =	sadd.s32 $0x2700, s8  }
0x13: {  	s25 =	sshrl.u32 s15, $0x3;
	s16 =	sshrl.u32 s16, $0x3;
	s0 =	sshrl.u32 s26, $0x3  }
0x14: {  	s28 =	sshrl.u32 s18, $0x3;
	s19 =	sshrl.u32 s19, $0x3;
	s20 =	smax.u32 s20, $0x1  }
0x15: {  	s26 =	simm.s32 $0x4080;
	s13 =	sshrl.u32 s12, $0x3;
	s21 =	sshll.u32 s12, $0x4  }
0x16: {  	s15 =	sadd.s32 s4, s25;
	s16 =	sadd.s32 s4, s16;
	s17 =	sadd.s32 s4, s0  }
0x17: {  	s18 =	sadd.s32 s4, s28;
	s19 =	sadd.s32 s4, s19;
	s25 =	simm.s32 $0x4880  }
0x18: {  	v0 =	vimm.f32 $0.0e+00;
	s12 =	sadd.s32 s5, s13;
	s13 =	sadd.s32 s1, s21;
	s21 =	simm.s32 $0x4900  }
.LBB2_1:
0x19: {  	s0 =	simm.s32 $0x0;
	s4 =	simm.s32 $0x200  }
.LBB2_2:
0x1a: {  	p0 =	sne.s32 s4, $0xFE00;
	[tilespmem:s0+$0x4970] =	vst v0  }
0x1b: {  	[tilespmem:s0+$0x4900] =	vst v0  }
0x1c: {  	[tilespmem:s0+$0x4910] =	vst v0  }
.Ltmp0:
0x1d: {  	[tilespmem:s0+$0x4920] =	vst v0;
	(pc) =	sbr.rel @p0 .LBB2_2-.Ltmp0, $4  }
0x1e: {  	[tilespmem:s0+$0x4930] =	vst v0  }
0x1f: {  	[tilespmem:s0+$0x4940] =	vst v0  }
0x20: {  	[tilespmem:s0+$0x4950] =	vst v0  }
0x21: {  	[tilespmem:s0+$0x4960] =	vst v0;
	s0 =	sshra.s32 s4, $0x2;
	s4 =	sadd.s32 $0x200, s4  }
0x22: {  	[tilespmem:s0+$0x4970] =	vst v0  }
0x23: {  	[tilespmem:s0+$0x4900] =	vst v0  }
0x24: {  	[tilespmem:s0+$0x4910] =	vst v0  }
0x25: {  	[tilespmem:s0+$0x4920] =	vst v0  }
0x26: {  	[tilespmem:s0+$0x4930] =	vst v0  }
0x27: {  	[tilespmem:s0+$0x4940] =	vst v0  }
0x28: {  	[tilespmem:s0+$0x4950] =	vst v0  }
0x29: {  	[tilespmem:s0+$0x4960] =	vst v0  }
0x2a: {  	[spmem:s6] =	stream.linear.scatter [tilespmem:s21], [sflag:$0x1], $0x4000, $0x38;
	[tilespmem:$0x1C980] =	vst v63  }
0x2b: {  	_ =	swait.ge [sflag:s22], $0x4000  }
0x2c: {  	[sflag:s22] =	ssyncset.done $0x0  }
0x2d: {  	[sflag:s22] =	ssyncadd.s32 $0xFFFFC000  }
0x2e: {  	[spmem:s7] =	stream.linear.scatter [tilespmem:s21], [sflag:$0x1], $0x4000, $0x38;
	[tilespmem:$0x1C980] =	vst v63  }
0x2f: {  	_ =	swait.ge [sflag:s22], $0x4000  }
0x30: {  	[sflag:s22] =	ssyncset.done $0x0  }
0x31: {  	[sflag:s22] =	ssyncadd.s32 $0xFFFFC000  }
0x32: {  	[spmem:s9] =	stream.linear.scatter [tilespmem:s21], [sflag:$0x1], $0x4000, $0x38;
	[tilespmem:$0x1C980] =	vst v63  }
0x33: {  	_ =	swait.ge [sflag:s22], $0x4000  }
0x34: {  	[sflag:s22] =	ssyncset.done $0x0  }
0x35: {  	[sflag:s22] =	ssyncadd.s32 $0xFFFFC000  }
0x36: {  	[spmem:s10] =	stream.linear.scatter [tilespmem:s21], [sflag:$0x1], $0x4000, $0x38;
	[tilespmem:$0x1C980] =	vst v63  }
0x37: {  	_ =	swait.ge [sflag:s22], $0x4000  }
0x38: {  	[sflag:s22] =	ssyncset.done $0x0  }
0x39: {  	[sflag:s22] =	ssyncadd.s32 $0xFFFFC000  }
0x3a: {  	[spmem:s11] =	stream.linear.scatter [tilespmem:s21], [sflag:$0x1], $0x4000, $0x38;
	[tilespmem:$0x1C980] =	vst v63  }
0x3b: {  	_ =	swait.ge [sflag:s22], $0x4000  }
0x3c: {  	v1 =	vimm.f32 $0.0e+00;
	v8 =	vimm.f32 $0.0e+00;
	[sflag:s22] =	ssyncset.done $0x0  }
0x3d: {  	v2 =	vimm.f32 $0.0e+00;
	v3 =	vimm.f32 $0.0e+00;
	v4 =	vimm.f32 $0.0e+00;
	[sflag:s22] =	ssyncadd.s32 $0xFFFFC000  }
0x3e: {  	v5 =	vimm.f32 $0.0e+00;
	v6 =	vimm.f32 $0.0e+00;
	v7 =	vimm.f32 $0.0e+00;
	s0 =	simm.s32 $0x0;
	[bflag:$0x0] =	sbarrier.arrive $0xFFFF  }
.LBB2_4:
0x3f: {  	s4 =	sshll.u32 s0, $0x7  }
0x40: {  	s4 =	sadd.s32 s8, s4  }
0x41: {  	s28 =	sshrl.u32 s4, $0x3  }
0x42: {  	s28 =	sadd.s32 s5, s28  }
0x43: {  	[tilespmem:s23], [sflag:$0x1] =	stream.linear.gather [hbm4b:s28+s31], $0x80, $0x38;
	[tilespmem:$0x1C980] =	vst v63  }
0x44: {  	_ =	swait.ge [sflag:s22], $0x80  }
0x45: {  	s4 =	sshll.u32 s4, $0x4;
	[sflag:s22] =	ssyncset.done $0x0  }
0x46: {  	s4 =	sadd.s32 s1, s4;
	[sflag:s22] =	ssyncadd.s32 $0xFFFFFF80  }
0x47: {  	[tilespmem:s31], [sflag:$0x1] =	stream.linear.gather [hbm4b:s4+s31], $0x4000, $0x38;
	[tilespmem:$0x1C980] =	vst v63  }
0x48: {  	_ =	swait.ge [sflag:s22], $0x4000  }
0x49: {  	[sflag:s22] =	ssyncset.done $0x0  }
0x4a: {  	[sflag:s22] =	ssyncadd.s32 $0xFFFFC000  }
0x4b: {  	[spmem:s2] =	stream.indirect.scatter.add.f32 [tilespmem:s31], [sflag:$0x1], $0x80, s23, s24, $0xb8;
	[tilespmem:$0x1C980] =	vst v63  }
0x4c: {  	_ =	swait.ge [sflag:s22], $0x4000  }
0x4d: {  	[sflag:s22] =	ssyncset.done $0x0  }
0x4e: {  	[sflag:s22] =	ssyncadd.s32 $0xFFFFC000  }
0x4f: {  	v9 =	vld [tilespmem:s29+$0x70]  }
0x50: {  	v11 =	vld [tilespmem:s29+$0x0]  }
0x51: {  	v15 =	vld [tilespmem:s29+$0x10]  }
0x52: {  	v13 =	vld [tilespmem:s29+$0x20]  }
0x53: {  	v12 =	vld [tilespmem:s29+$0x30]  }
0x54: {  	v10 =	vld [tilespmem:s29+$0x40];
	v16 =	vmul.f32 v9, v9  }
0x55: {  	v9 =	vld [tilespmem:s29+$0x50];
	v14 =	vmul.f32 v11, v11  }
0x56: {  	s28 =	simm.s32 $0x400;
	s4 =	simm.s32 $0x80;
	v11 =	vld [tilespmem:s29+$0x60];
	v15 =	vmul.f32 v15, v15;
	v8 =	vadd.f32 v16, v8  }
.LBB2_5:
0x57: {  	p0 =	sne.s32 s28, $0xFE00;
	v16 =	vld [tilespmem:s4+$0x70];
	v7 =	vadd.f32 v14, v7;
	v13 =	vmul.f32 v13, v13  }
0x58: {  	v14 =	vld [tilespmem:s4+$0x0];
	v6 =	vadd.f32 v15, v6;
	v12 =	vmul.f32 v12, v12  }
0x59: {  	v15 =	vld [tilespmem:s4+$0x10];
	v5 =	vadd.f32 v13, v5;
	v10 =	vmul.f32 v10, v10  }
.Ltmp1:
0x5a: {  	v13 =	vld [tilespmem:s4+$0x20];
	v4 =	vadd.f32 v12, v4;
	v9 =	vmul.f32 v9, v9;
	(pc) =	sbr.rel @p0 .LBB2_5-.Ltmp1, $4  }
0x5b: {  	v12 =	vld [tilespmem:s4+$0x30];
	v3 =	vadd.f32 v10, v3;
	v11 =	vmul.f32 v11, v11  }
0x5c: {  	v10 =	vld [tilespmem:s4+$0x40];
	v16 =	vmul.f32 v16, v16;
	v2 =	vadd.f32 v9, v2  }
0x5d: {  	v9 =	vld [tilespmem:s4+$0x50];
	v14 =	vmul.f32 v14, v14;
	v1 =	vadd.f32 v11, v1  }
0x5e: {  	v11 =	vld [tilespmem:s4+$0x60];
	s4 =	sshra.s32 s28, $0x2;
	s28 =	sadd.s32 $0x200, s28;
	v15 =	vmul.f32 v15, v15;
	v8 =	vadd.f32 v16, v8  }
0x5f: {  	v16 =	vld [tilespmem:s4+$0x70]  }
0x60: {  	v17 =	vld [tilespmem:s4+$0x0]  }
0x61: {  	v18 =	vld [tilespmem:s4+$0x10]  }
0x62: {  	v19 =	vld [tilespmem:s4+$0x20]  }
0x63: {  	v13 =	vmul.f32 v13, v13;
	v62 =	vld [tilespmem:s4+$0x60]  }
0x64: {  	v20 =	vld [tilespmem:s4+$0x30];
	v7 =	vadd.f32 v14, v7;
	v12 =	vmul.f32 v12, v12  }
0x65: {  	v60 =	vld [tilespmem:s4+$0x40];
	v6 =	vadd.f32 v15, v6;
	v5 =	vadd.f32 v13, v5;
	v10 =	vmul.f32 v10, v10  }
0x66: {  	v61 =	vld [tilespmem:s4+$0x50];
	v4 =	vadd.f32 v12, v4;
	v9 =	vmul.f32 v9, v9;
	v11 =	vmul.f32 v11, v11  }
0x67: {  	s0 =	sadd.s32 $0x1, s0;
	v3 =	vadd.f32 v10, v3;
	v10 =	vmul.f32 v16, v16;
	v63 =	vmul.f32 v17, v17  }
0x68: {  	p0 =	sne.s32 s0, $0x4E;
	v2 =	vadd.f32 v9, v2;
	v9 =	vmul.f32 v18, v18;
	v12 =	vmul.f32 v62, v62  }
.Ltmp2:
0x69: {  	v1 =	vadd.f32 v11, v1;
	v8 =	vadd.f32 v10, v8;
	v10 =	vmul.f32 v19, v19;
	(pc) =	sbr.rel @p0 .LBB2_4-.Ltmp2, $4  }
0x6a: {  	v11 =	vmul.f32 v60, v60;
	v7 =	vadd.f32 v63, v7;
	v6 =	vadd.f32 v9, v6  }
0x6b: {  	v9 =	vmul.f32 v20, v20;
	v5 =	vadd.f32 v10, v5;
	v10 =	vmul.f32 v61, v61  }
0x6c: {  	v3 =	vadd.f32 v11, v3;
	v1 =	vadd.f32 v12, v1  }
0x6d: {  	v4 =	vadd.f32 v9, v4;
	v2 =	vadd.f32 v10, v2  }
0x6e: {  	s0 =	simm.s32 $0x0  }
0x6f: {  	[tilespmem:s25], [sflag:$0x1] =	stream.linear.gather [hbm4b:s12+s0], $0x10, $0x38;
	[tilespmem:$0x1C980] =	vst v63  }
0x70: {  	_ =	swait.ge [sflag:s22], $0x10  }
0x71: {  	[sflag:s22] =	ssyncset.done $0x0  }
0x72: {  	[sflag:s22] =	ssyncadd.s32 $0xFFFFFFF0  }
0x73: {  	[tilespmem:s26], [sflag:$0x1] =	stream.linear.gather [hbm4b:s13+s0], $0x800, $0x38;
	[tilespmem:$0x1C980] =	vst v63  }
0x74: {  	_ =	swait.ge [sflag:s22], $0x800  }
0x75: {  	[sflag:s22] =	ssyncset.done $0x0  }
0x76: {  	s28 =	simm.s32 $0x10;
	[sflag:s22] =	ssyncadd.s32 $0xFFFFF800  }
0x77: {  	[spmem:s2] =	stream.indirect.scatter.add.f32 [tilespmem:s26], [sflag:$0x1], $0x80, s25, s28, $0xb8;
	[tilespmem:$0x1C980] =	vst v63  }
0x78: {  	_ =	swait.ge [sflag:s22], $0x800  }
0x79: {  	[sflag:s22] =	ssyncset.done $0x0  }
0x7a: {  	s28 =	simm.s32 $0x0;
	[sflag:s22] =	ssyncadd.s32 $0xFFFFF800  }
0x7b: {  	v9 =	vld [tilespmem:s28+$0x40F0]  }
0x7c: {  	v10 =	vld [tilespmem:s28+$0x4080]  }
0x7d: {  	v15 =	vld [tilespmem:s28+$0x4090]  }
0x7e: {  	v12 =	vld [tilespmem:s28+$0x40A0]  }
0x7f: {  	v13 =	vld [tilespmem:s28+$0x40B0]  }
0x80: {  	v11 =	vld [tilespmem:s28+$0x40C0];
	v16 =	vmul.f32 v9, v9  }
0x81: {  	v9 =	vld [tilespmem:s28+$0x40D0];
	v14 =	vmul.f32 v10, v10  }
0x82: {  	s4 =	simm.s32 $0x400;
	s0 =	simm.s32 $0x80;
	v10 =	vld [tilespmem:s28+$0x40E0];
	v15 =	vmul.f32 v15, v15;
	v8 =	vadd.f32 v16, v8  }
.LBB2_8:
0x83: {  	p0 =	sne.s32 s4, $0x1E00;
	v16 =	vld [tilespmem:s0+$0x40F0];
	v7 =	vadd.f32 v14, v7;
	v12 =	vmul.f32 v12, v12  }
0x84: {  	v14 =	vld [tilespmem:s0+$0x4080];
	v6 =	vadd.f32 v15, v6;
	v13 =	vmul.f32 v13, v13  }
0x85: {  	v15 =	vld [tilespmem:s0+$0x4090];
	v5 =	vadd.f32 v12, v5;
	v11 =	vmul.f32 v11, v11  }
.Ltmp3:
0x86: {  	v12 =	vld [tilespmem:s0+$0x40A0];
	v4 =	vadd.f32 v13, v4;
	v9 =	vmul.f32 v9, v9;
	(pc) =	sbr.rel @p0 .LBB2_8-.Ltmp3, $4  }
0x87: {  	v13 =	vld [tilespmem:s0+$0x40B0];
	v3 =	vadd.f32 v11, v3;
	v10 =	vmul.f32 v10, v10  }
0x88: {  	v11 =	vld [tilespmem:s0+$0x40C0];
	v16 =	vmul.f32 v16, v16;
	v2 =	vadd.f32 v9, v2  }
0x89: {  	v9 =	vld [tilespmem:s0+$0x40D0];
	v14 =	vmul.f32 v14, v14;
	v1 =	vadd.f32 v10, v1  }
0x8a: {  	v10 =	vld [tilespmem:s0+$0x40E0];
	s0 =	sshra.s32 s4, $0x2;
	s4 =	sadd.s32 $0x200, s4;
	v15 =	vmul.f32 v15, v15;
	v8 =	vadd.f32 v16, v8  }
0x8b: {  	v16 =	vld [tilespmem:s0+$0x4080]  }
0x8c: {  	v17 =	vld [tilespmem:s0+$0x4090]  }
0x8d: {  	v18 =	vld [tilespmem:s0+$0x40A0]  }
0x8e: {  	v19 =	vld [tilespmem:s0+$0x40B0]  }
0x8f: {  	v7 =	vadd.f32 v14, v7;
	v12 =	vmul.f32 v12, v12;
	v54 =	vld [tilespmem:s0+$0x40C0];
	v13 =	vmul.f32 v13, v13  }
0x90: {  	v55 =	vld [tilespmem:s0+$0x40D0];
	v6 =	vadd.f32 v15, v6;
	v11 =	vmul.f32 v11, v11;
	v16 =	vmul.f32 v16, v16  }
0x91: {  	v56 =	vld [tilespmem:s0+$0x40E0];
	v5 =	vadd.f32 v12, v5;
	v4 =	vadd.f32 v13, v4;
	v57 =	vmul.f32 v17, v17  }
0x92: {  	v58 =	vld [tilespmem:s0+$0x40F0];
	v9 =	vmul.f32 v9, v9;
	v59 =	vmul.f32 v18, v18;
	v7 =	vadd.f32 v16, v7  }
0x93: {  	v3 =	vadd.f32 v11, v3;
	v60 =	vmul.f32 v19, v19;
	v6 =	vadd.f32 v57, v6  }
0x94: {  	v10 =	vmul.f32 v10, v10;
	v14 =	vmul.f32 v54, v54;
	v5 =	vadd.f32 v59, v5;
	[tilespmem:$0x8900] =	vst v7  }
0x95: {  	v2 =	vadd.f32 v9, v2;
	v61 =	vmul.f32 v55, v55;
	v4 =	vadd.f32 v60, v4;
	[tilespmem:$0x8910] =	vst v6  }
0x96: {  	v62 =	vmul.f32 v56, v56;
	v1 =	vadd.f32 v10, v1;
	v3 =	vadd.f32 v14, v3;
	[tilespmem:$0x8920] =	vst v5  }
0x97: {  	v63 =	vmul.f32 v58, v58;
	v2 =	vadd.f32 v61, v2;
	[tilespmem:$0x8930] =	vst v4  }
0x98: {  	v1 =	vadd.f32 v62, v1;
	[tilespmem:$0x8940] =	vst v3  }
0x99: {  	v3 =	vadd.f32 v63, v8;
	[tilespmem:$0x8950] =	vst v2  }
0x9a: {  	[tilespmem:$0x8960] =	vst v1  }
0x9b: {  	s28 =	simm.s32 $0x8900;
	[tilespmem:$0x8970] =	vst v3  }
0x9c: {  	[hbm4b:s14+s3] =	stream.linear.scatter [tilespmem:s28], [sflag:$0x1], $0x80, $0x38;
	[tilespmem:$0x1C980] =	vst v63  }
0x9d: {  	_ =	swait.ge [sflag:s22], $0x80  }
0x9e: {  	[sflag:s22] =	ssyncset.done $0x0  }
0x9f: {  	[sflag:s22] =	ssyncadd.s32 $0xFFFFFF80  }
0xa0: {  	[bflag:$0x0] =	sbarrier.arrive $0xFFFF  }
0xa1: {  	[tilespmem:s21], [sflag:$0x1] =	stream.linear.gather [spmem:s6], $0x4000, $0x38;
	[tilespmem:$0x1C980] =	vst v63  }
0xa2: {  	_ =	swait.ge [sflag:s22], $0x4000  }
0xa3: {  	[sflag:s22] =	ssyncset.done $0x0  }
0xa4: {  	[sflag:s22] =	ssyncadd.s32 $0xFFFFC000  }
0xa5: {  	[hbm4b:s15+s3] =	stream.linear.scatter [tilespmem:s21], [sflag:$0x1], $0x4000, $0x38;
	[tilespmem:$0x1C980] =	vst v63  }
0xa6: {  	_ =	swait.ge [sflag:s22], $0x4000  }
0xa7: {  	[sflag:s22] =	ssyncset.done $0x0  }
0xa8: {  	[sflag:s22] =	ssyncadd.s32 $0xFFFFC000  }
0xa9: {  	[tilespmem:s21], [sflag:$0x1] =	stream.linear.gather [spmem:s7], $0x4000, $0x38;
	[tilespmem:$0x1C980] =	vst v63  }
0xaa: {  	_ =	swait.ge [sflag:s22], $0x4000  }
0xab: {  	[sflag:s22] =	ssyncset.done $0x0  }
0xac: {  	[sflag:s22] =	ssyncadd.s32 $0xFFFFC000  }
0xad: {  	[hbm4b:s16+s3] =	stream.linear.scatter [tilespmem:s21], [sflag:$0x1], $0x4000, $0x38;
	[tilespmem:$0x1C980] =	vst v63  }
0xae: {  	_ =	swait.ge [sflag:s22], $0x4000  }
0xaf: {  	[sflag:s22] =	ssyncset.done $0x0  }
0xb0: {  	[sflag:s22] =	ssyncadd.s32 $0xFFFFC000  }
0xb1: {  	[tilespmem:s21], [sflag:$0x1] =	stream.linear.gather [spmem:s9], $0x4000, $0x38;
	[tilespmem:$0x1C980] =	vst v63  }
0xb2: {  	_ =	swait.ge [sflag:s22], $0x4000  }
0xb3: {  	[sflag:s22] =	ssyncset.done $0x0  }
0xb4: {  	[sflag:s22] =	ssyncadd.s32 $0xFFFFC000  }
0xb5: {  	[hbm4b:s17+s3] =	stream.linear.scatter [tilespmem:s21], [sflag:$0x1], $0x4000, $0x38;
	[tilespmem:$0x1C980] =	vst v63  }
0xb6: {  	_ =	swait.ge [sflag:s22], $0x4000  }
0xb7: {  	[sflag:s22] =	ssyncset.done $0x0  }
0xb8: {  	[sflag:s22] =	ssyncadd.s32 $0xFFFFC000  }
0xb9: {  	[tilespmem:s21], [sflag:$0x1] =	stream.linear.gather [spmem:s10], $0x4000, $0x38;
	[tilespmem:$0x1C980] =	vst v63  }
0xba: {  	_ =	swait.ge [sflag:s22], $0x4000  }
0xbb: {  	[sflag:s22] =	ssyncset.done $0x0  }
0xbc: {  	[sflag:s22] =	ssyncadd.s32 $0xFFFFC000  }
0xbd: {  	[hbm4b:s18+s3] =	stream.linear.scatter [tilespmem:s21], [sflag:$0x1], $0x4000, $0x38;
	[tilespmem:$0x1C980] =	vst v63  }
0xbe: {  	_ =	swait.ge [sflag:s22], $0x4000  }
0xbf: {  	[sflag:s22] =	ssyncset.done $0x0  }
0xc0: {  	[sflag:s22] =	ssyncadd.s32 $0xFFFFC000  }
0xc1: {  	[tilespmem:s21], [sflag:$0x1] =	stream.linear.gather [spmem:s11], $0x4000, $0x38;
	[tilespmem:$0x1C980] =	vst v63  }
0xc2: {  	s30 =	sadd.s32 $0x1, s30;
	_ =	swait.ge [sflag:s22], $0x4000  }
0xc3: {  	p0 =	sne.s32 s30, s20;
	[sflag:s22] =	ssyncset.done $0x0  }
.Ltmp4:
0xc4: {  	[sflag:s22] =	ssyncadd.s32 $0xFFFFC000;
	(pc) =	sbr.rel @p0 .LBB2_1-.Ltmp4, $4  }
0xc5: {  	[hbm4b:s19+s3] =	stream.linear.scatter [tilespmem:s21], [sflag:$0x1], $0x4000, $0x38;
	[tilespmem:$0x1C980] =	vst v63  }
0xc6: {  	_ =	swait.ge [sflag:s22], $0x4000  }
0xc7: {  	[sflag:s22] =	ssyncset.done $0x0  }
0xc8: {  	[sflag:s22] =	ssyncadd.s32 $0xFFFFC000  }
0xc9: {  	_ =	sfence.sel $0x180000  }
0xca: {  	[bflag:$0x0] =	sbarrier.arrive $0xFFFF  }
0xcb: {  	_ =	strace $0x90000047  }
0xcc: {  	s0 =	stileid.u32;
	[bflag:$0x2] =	sbarrier.arrive $0xFFFF  }
0xcd: {  	p0 =	sne.s32 s0, $0x0;
	s0 =	rddreg [dreg:$0x4]  }
0xce: {  	s0 =	sadd.s32 @!p0 $0x100000, s0  }
0xcf: {  	[sflag:s0] =	ssyncadd.tile.s32 @!p0 $0x1;
	_ =	shalt  }
.Lfunc_end2:
_tile_overlayer_lowered:
.L_overlay_start_2:
0xd0: {  	(tag) =	ssettag $0x2  }
0xd1: {  	s0 =	rddreg [dreg:$0x0];
	s2 =	stileid.u32  }
0xd2: {  	s1 =	rddreg [dreg:$0x1];
	p0 =	sne.s32 s2, $0x0  }
0xd3: {  	s3 =	rddreg [dreg:$0x2];
	[bflag:$0x3] =	sbarrier.arrive $0xFFFF;
	s2 =	simm.s32 @!p0 $0x1C01  }
0xd4: {  	[timem:s3], [sflag:s2] =	dma.local @!p0 [hbm:s0], s1  }
0xd5: {  	s0 =	simm.s32 @!p0 $0x1  }
0xd6: {  	_ =	swait.ge @!p0 [sflag:s0], s1  }
0xd7: {  	s1 =	ssub.s32 @!p0 $0x0, s1;
	[sflag:s0] =	ssyncset.done @!p0 $0x0  }
0xd8: {  	[sflag:s0] =	ssyncadd.s32 @!p0 s1  }
0xd9: {  	[bflag:$0x3] =	sbarrier.arrive $0xFFFF  }
0xda: {  	_ =	shalt  }

// kernel: kernel.9.cloned.1.call-start
scs
__scs_entry_jumppad:
0x0: {  	(pc) =	sbr.rel $0x88, $3  }
0x1: {  	(tag) =	ssettag $0x0;
	lr =	simm.s32 $0x1  }
0x2: {  	[smem:$0x3F92] =	sst lr;
	_ =	strace $0xD0000000  }
0x3: {  	_ = 	snop  }
0x4: {  	_ = 	snop  }
0x5: {  	_ = 	snop  }
0x6: {  	_ = 	snop  }
0x7: {  	_ = 	snop  }
__scs_overlays_trampoline_lowered:
0x8: {  	[smem:$0x3FA1] =	sst s0  }
0x9: {  	[smem:$0x3FA2] =	sst s1  }
0xa: {  	[smem:$0x3FA3] =	sst s2  }
0xb: {  	[smem:$0x3FA4] =	sst s3  }
0xc: {  	[smem:$0x3FA5] =	sst s4  }
0xd: {  	[smem:$0x3FA6] =	sst s5  }
0xe: {  	[smem:$0x3FA7] =	sst s6  }
0xf: {  	[smem:$0x3FA8] =	sst s7  }
0x10: {  	[smem:$0x3FA9] =	sst s8  }
0x11: {  	[smem:$0x3FAA] =	sst s9;
	s0 =	simm.s32 @!p0 $0x0  }
0x12: {  	s1 =	sld [smem:$0x3F90];
	s0 =	simm.s32 @p0 $0x1  }
0x13: {  	[smem:$0x3FAB] =	sst s0;
	s0 =	simm.s32 @!p1 $0x0  }
0x14: {  	s2 =	sld [smem:$0x3F8F];
	s0 =	simm.s32 @p1 $0x1  }
0x15: {  	[smem:$0x3FAC] =	sst s0;
	s0 =	simm.s32 @!p2 $0x0  }
0x16: {  	s3 =	sld [smem:$0x3FDB];
	s0 =	simm.s32 @p2 $0x1  }
0x17: {  	s4 =	simm.s32 $0x1BF5;
	[smem:$0x3FAE] =	sst s0  }
0x18: {  	s0 =	sld [smem:$0x3F91];
	_ =	swait.ge [sflag:s4], $0x0  }
0x19: {  	s7 =	sld [smem:$0x3F92]  }
0x1a: {  	s8 =	sadd.s32 $0xFFFFE003, lr  }
0x1b: {  	s9 =	sadd.s32 $0xFFFFFEF7, lr;
	s5 =	simm.s32 $0xFFFFFFFF;
	p2 =	slt.u32 s8, $0xFFFFF086  }
0x1c: {  	p1 =	slt.u32 s9, $0xF7A;
	s5 =	simm.s32 @!p2 $0x0  }
0x1d: {  	s5 =	simm.s32 @p1 $0x1;
	p0 =	seq.s32 s7, s2  }
0x1e: {  	s7 =	smul.u32 @!p0 $0xF7A, s2;
	p2 =	seq.s32 @!p0 s5, $0x0  }
0x1f: {  	s9 =	smul.u32 $0xF7A, s1;
	s8 =	simm.s32 @!p0 $0x1BF5;
	p2 =	por !p2, p0  }
0x20: {  	[sflag:s8] =	ssyncset.s32 @!p0 $0xFFFFF086;
	s6 =	sadd.s32 @!p0 s3, s7;
	s7 =	simm.s32 @!p0 $0x108  }
0x21: {  	s3 =	sadd.s32 s3, s9;
	s6 =	sadd.s32 @!p0 $0x88, s6;
	s7 =	simm.s32 @p2 $0x1082  }
0x22: {  	[simem:s7], [sflag:s8] =	dma.local @!p0 [hbm:s6], $0xF7A  }
0x23: {  	s9 =	sor.u32 $0xD0000000, s2;
	s6 =	simm.s32 $0x108;
	_ =	swait.ge @!p0 [sflag:s8], $0x0  }
0x24: {  	s3 =	sadd.s32 $0x88, s3;
	s6 =	simm.s32 @!p1 $0x1082;
	[sflag:s4] =	ssyncset.s32 $0xFFFFF086  }
0x25: {  	[simem:s6], [sflag:s4] =	dma.local [hbm:s3], $0xF7A  }
0x26: {  	[smem:$0x3F92] =	sst s1;
	(tag) =	ssettag s2;
	_ =	strace s9  }
0x27: {  	s1 =	sld [smem:$0x3FA2]  }
0x28: {  	s2 =	sld [smem:$0x3FA3]  }
0x29: {  	s4 =	sld [smem:$0x3FA5]  }
0x2a: {  	p0 =	seq.s32 s5, $0x0;
	s5 =	sld [smem:$0x3FA6]  }
0x2b: {  	s6 =	sld [smem:$0x3FA7]  }
0x2c: {  	s7 =	sld [smem:$0x3FA8]  }
0x2d: {  	s3 =	simm.s32 $0x108;
	s8 =	sld [smem:$0x3FA9]  }
0x2e: {  	s3 =	simm.s32 @!p0 $0x1082;
	s9 =	sld [smem:$0x3FAA]  }
0x2f: {  	lr =	sadd.s32 s0, s3;
	s0 =	sld [smem:$0x3FA1]  }
0x30: {  	s3 =	sld [smem:$0x3FA4]  }
0x31: {  	[smem:$0x3FAD] =	sst s10  }
0x32: {  	s10 =	sld [smem:$0x3FAB];
	_ =	sdelay $0x3  }
0x33: {  	p0 =	seq.s32 s10, $0x1;
	s10 =	sld [smem:$0x3FAD];
	_ =	sdelay $0x3  }
0x34: {  	[smem:$0x3FAD] =	sst s10  }
0x35: {  	s10 =	sld [smem:$0x3FAC];
	_ =	sdelay $0x3  }
0x36: {  	p1 =	seq.s32 s10, $0x1;
	s10 =	sld [smem:$0x3FAD];
	_ =	sdelay $0x3  }
0x37: {  	[smem:$0x3FAD] =	sst s10  }
0x38: {  	s10 =	sld [smem:$0x3FAE]  }
0x39: {  	_ = 	snop;
	(pc) =	sbr.ind lr, $3  }
0x3a: {  	_ = 	snop  }
0x3b: {  	_ = 	snop  }
0x3c: {  	p2 =	seq.s32 s10, $0x1;
	s10 =	sld [smem:$0x3FAD]  }
0x3d: {  	_ =	shalt  }
0x3e: {  	_ =	shalt  }
0x3f: {  	_ =	shalt  }
0x40: {  	_ =	shalt  }
0x41: {  	_ =	shalt  }
0x42: {  	_ =	shalt  }
0x43: {  	_ =	shalt  }
0x44: {  	_ =	shalt  }
0x45: {  	_ =	shalt  }
0x46: {  	_ =	shalt  }
0x47: {  	_ =	shalt  }
0x48: {  	_ =	shalt  }
0x49: {  	_ =	shalt  }
0x4a: {  	_ =	shalt  }
0x4b: {  	_ =	shalt  }
0x4c: {  	_ =	shalt  }
0x4d: {  	_ =	shalt  }
0x4e: {  	_ =	shalt  }
0x4f: {  	_ =	shalt  }
0x50: {  	_ =	shalt  }
0x51: {  	_ =	shalt  }
0x52: {  	_ =	shalt  }
0x53: {  	_ =	shalt  }
0x54: {  	_ =	shalt  }
0x55: {  	_ =	shalt  }
0x56: {  	_ =	shalt  }
0x57: {  	_ =	shalt  }
0x58: {  	_ =	shalt  }
0x59: {  	_ =	shalt  }
0x5a: {  	_ =	shalt  }
0x5b: {  	_ =	shalt  }
0x5c: {  	_ =	shalt  }
0x5d: {  	_ =	shalt  }
0x5e: {  	_ =	shalt  }
0x5f: {  	_ =	shalt  }
0x60: {  	_ =	shalt  }
0x61: {  	_ =	shalt  }
0x62: {  	_ =	shalt  }
0x63: {  	_ =	shalt  }
0x64: {  	_ =	shalt  }
0x65: {  	_ =	shalt  }
0x66: {  	_ =	shalt  }
0x67: {  	_ =	shalt  }
0x68: {  	_ =	shalt  }
0x69: {  	_ =	shalt  }
0x6a: {  	_ =	shalt  }
0x6b: {  	_ =	shalt  }
0x6c: {  	_ =	shalt  }
0x6d: {  	_ =	shalt  }
0x6e: {  	_ =	shalt  }
0x6f: {  	_ =	shalt  }
0x70: {  	_ =	shalt  }
0x71: {  	_ =	shalt  }
0x72: {  	_ =	shalt  }
0x73: {  	_ =	shalt  }
0x74: {  	_ =	shalt  }
0x75: {  	_ =	shalt  }
0x76: {  	_ =	shalt  }
0x77: {  	_ =	shalt  }
0x78: {  	_ =	shalt  }
0x79: {  	_ =	shalt  }
0x7a: {  	_ =	shalt  }
0x7b: {  	_ =	shalt  }
0x7c: {  	_ =	shalt  }
0x7d: {  	_ =	shalt  }
0x7e: {  	_ =	shalt  }
0x7f: {  	_ =	shalt  }
0x80: {  	_ =	shalt  }
0x81: {  	_ =	shalt  }
0x82: {  	_ =	shalt  }
0x83: {  	_ =	shalt  }
0x84: {  	_ =	shalt  }
0x85: {  	_ =	shalt  }
0x86: {  	_ =	shalt  }
0x87: {  	_ =	shalt  }
.Lfunc_end0:
.L_simem_size_0:
called_computation.1_lowered:
.L_overlay_start_0:
0x88: {  	s2 =	sld [smem:$0x3FD9]  }
0x89: {  	s3 =	sld [smem:$0x3FFE];
	_ =	sdelay $0x1  }
0x8a: {  	s1 =	srdreg.scid  }
0x8b: {  	s0 =	sand.u32 $0x1, s1  }
0x8c: {  	s14 =	sshll.u32 s0, $0xA;
	s2 =	sadd.s32 s3, s2  }
0x8d: {  	s2 =	sadd.s32 s2, s14  }
0x8e: {  	[smem:$0x3FB9] =	sst s2  }
0x8f: {  	_ = 	snop  }
0x90: {  	s2 =	sld [smem:$0x3FD0];
	_ =	sdelay $0x2  }
0x91: {  	s15 =	simm.s32 $0xA;
	s4 =	simm.s32 $0x10  }
0x92: {  	[smem:s4], [sflag:s15] =	dma.local [hbm:s2], $0x1  }
0x93: {  	_ =	swait.eq [sflag:s15], $0x1  }
0x94: {  	[sflag:s15] =	ssyncset.done $0x0  }
0x95: {  	[sflag:s15] =	ssyncadd.s32 $0xFFFFFFFF  }
0x96: {  	s16 =	sld [smem:$0x11];
	(tm) =	ssettm $0x1  }
0x97: {  	s17 =	sld [smem:$0x3FFB];
	_ =	sdelay $0x3  }
0x98: {  	_ =	strace s17  }
0x99: {  	s3 =	sld [smem:$0x3FFC];
	_ =	sdelay $0x3  }
0x9a: {  	_ =	strace s3  }
0x9b: {  	s3 =	sld [smem:$0x3FFD];
	_ =	sdelay $0x3  }
0x9c: {  	_ =	strace s3  }
0x9d: {  	_ =	strace $0x8FFFFFFF  }
0x9e: {  	s18 =	sld [smem:$0x3FDB];
	_ =	sdelay $0x1  }
0x9f: {  	s19 =	simm.s32 $_scs_section_size  }
0xa0: {  	s5 =	simm.s32 $_size__tile_overlayer_lowered;
	s6 =	simm.s32 $_tile_overlayer_lowered  }
0xa1: {  	s22 =	simm.s32 $0x1BFF;
	s21 =	sshll.u32 s6, $0x1;
	s3 =	sadd.s32 s19, s18  }
0xa2: {  	s7 =	simm.s32 $0x0;
	s20 =	sshll.u32 s5, $0x1;
	s5 =	sadd.s32 s21, s3  }
0xa3: {  	[timem:s7], [sflag:s22] =	dma.local [hbm:s5], s20  }
0xa4: {  	_ =	swait.ge [sflag:s22], s20  }
0xa5: {  	s4 =	ssub.s32 $0x0, s20;
	[sflag:s22] =	ssyncset.done $0x0  }
0xa6: {  	[sflag:s22] =	ssyncadd.s32 s4;
	_ =	sdelay $0x1  }
0xa7: {  	s23 =	simm.s32 $0x1B8B  }
0xa8: {  	_ =	swait.ge [sflag:s23], $0x1  }
0xa9: {  	[sflag:s23] =	ssyncset.done $0x0  }
0xaa: {  	s25 =	simm.s32 $0x1B8E;
	s24 =	sld [smem:$0x3FFE];
	[sflag:s23] =	ssyncadd.s32 $0xFFFFFFFF  }
0xab: {  	s26 =	simm.s32 $execute0_lowered;
	[smem:$0x3FD2] =	sst s25  }
0xac: {  	s5 =	sshll.u32 s26, $0x1;
	_ =	strace $0x80000049;
	[dreg:$0x1] =	wrdreg $0xFFFFFFFF  }
0xad: {  	s28 =	simm.s32 $_size_execute0_lowered;
	s3 =	sadd.s32 s3, s5;
	[dreg:$0x0] =	wrdreg $0x0  }
0xae: {  	s5 =	sshll.u32 s28, $0x1;
	[dreg:$0x2] =	wrdreg s3  }
0xaf: {  	[dreg:$0x3] =	wrdreg s5  }
0xb0: {  	[dreg:$0x4] =	wrdreg $0xC0  }
0xb1: {  	_ =	task [dreg:s7], $0x5FFFF  }
0xb2: {  	[dreg:$0x1] =	wrdreg $0xFFFFFFFF  }
0xb3: {  	[dreg:$0x0] =	wrdreg $0x60  }
0xb4: {  	[dreg:$0x2] =	wrdreg s16  }
0xb5: {  	[dreg:$0x3] =	wrdreg s24  }
0xb6: {  	[dreg:$0x4] =	wrdreg $0x94000  }
0xb7: {  	[dreg:$0x5] =	wrdreg $0x9  }
0xb8: {  	_ =	task.clear_ibuf [dreg:s7], $0x6FFFF;
	_ =	strace $0x90000049  }
0xb9: {  	s29 =	simm.s32 $0x9;
	_ =	strace $0x8000004B  }
0xba: {  	_ =	swait.ge [sflag:s29], $0x1  }
0xbb: {  	[sflag:s29] =	ssyncadd.s32 $0xFFFFFFFF  }
0xbc: {  	_ =	strace $0x9000004B  }
0xbd: {  	_ =	sfence  }
0xbe: {  	s30 =	sld [smem:$0x0];
	_ =	sdelay $0x2  }
0xbf: {  	s31 =	sshll.u32 s1, $0xD;
	s1 =	sshrl.u32 s1, $0x2  }
0xc0: {  	s3 =	sand.u32 $0x4000, s31;
	s1 =	sadd.s32 s1, s30  }
0xc1: {  	s0 =	sor.u32 s3, s0;
	s1 =	sshll.u32 s1, $0x11  }
0xc2: {  	s0 =	sor.u32 s1, s0  }
0xc3: {  	s0 =	sadd.s32 $0x8F2B, s0  }
0xc4: {  	[sflag:s0] =	ssyncadd.remote.s32 $0x1  }
0xc5: {  	_ =	sfence.sel $0xFFFF  }
0xc6: {  	[dreg:$0x0] =	wrdreg $0xFFFFFFFF;
	(pc) =	sbr.abs _section_cstart, $3  }
0xc7: {  	[dreg:$0x1] =	wrdreg $0xFFFFFFFF  }
0xc8: {  	_ =	task.clear_ibuf [dreg:s7], $0x2FFFF;
	_ =	strace $0x9FFFFFFF  }
0xc9: {  	(tm) =	ssettm $0x7FFFFFFF  }
tec
execute0_lowered:
.L_overlay_start_1:
0x0: {  	(tag) =	ssettag $0x1  }
0x1: {  	s0 =	rddreg [dreg:$0x0]  }
0x2: {  	s2 =	rddreg [dreg:$0x1]  }
0x3: {  	s1 =	rddreg [dreg:$0x2];
	s19 =	simm.s32 $0x0;
	s14 =	stileid.u32  }
0x4: {  	s3 =	srdreg.scid;
	s28 =	simm.s32 $0x9080;
	s29 =	simm.s32 $0x80  }
0x5: {  	s30 =	simm.s32 $0x4000;
	s31 =	simm.s32 $0x9200;
	[smem:$0x7FF] =	sst s19  }
0x6: {  	s4 =	sadd.s32 $0x3000, s2;
	s5 =	sadd.s32 $0xCE00, s2;
	s6 =	sadd.s32 $0x17600, s2  }
0x7: {  	s7 =	sadd.s32 $0x4F9600, s2;
	s3 =	sand.u32 $0x1, s3;
	s8 =	smul.u32 $0x280, s14  }
0x8: {  	s9 =	sshll.u32 s14, $0x6;
	s11 =	smul.u32 $0x2800, s14;
	s13 =	sshll.u32 s14, $0x1  }
0x9: {  	s14 =	smul.u32 $0x50000, s14;
	_ =	strace $0x8000004A;
	s10 =	ssub.s32 $0x2, s3  }
0xa: {  	s2 =	sadd.s32 s9, s2;
	s15 =	sor.u32 s3, s13;
	s3 =	sshll.u32 s3, $0xA  }
0xb: {  	s12 =	sshrl.u32 s10, $0x1;
	s11 =	sadd.s32 s0, s11;
	s16 =	sshrl.u32 s14, $0x2  }
0xc: {  	s17 =	sadd.s32 $0x80, s8;
	s20 =	sadd.s32 $0x100, s8;
	s24 =	sadd.s32 $0x180, s8  }
0xd: {  	s13 =	smul.u32 $0x2710, s15;
	s8 =	sadd.s32 $0x200, s8;
	s9 =	ssub.s32 s10, s12  }
0xe: {  	[dreg:$0x4] =	wrdreg s11;
	s11 =	sadd.s32 s16, s1;
	s18 =	sshll.u32 s17, $0x4  }
0xf: {  	s21 =	sshll.u32 s17, $0x7;
	s22 =	sshll.u32 s20, $0x4;
	s25 =	sshll.u32 s20, $0x7  }
0x10: {  	s26 =	sshll.u32 s24, $0x4;
	s15 =	sshll.u32 s24, $0x7;
	s17 =	sshll.u32 s8, $0x4  }
0x11: {  	s8 =	sshll.u32 s8, $0x7;
	[dreg:$0x5] =	wrdreg s11;
	s11 =	sadd.s32 s0, s18  }
0x12: {  	s23 =	sadd.s32 s0, s22;
	s12 =	sadd.s32 s25, s1;
	s14 =	sadd.s32 s0, s26  }
0x13: {  	s10 =	sadd.s32 s15, s1;
	s16 =	sadd.s32 $0x2700, s13;
	[dreg:$0x6] =	wrdreg s11  }
0x14: {  	s0 =	sadd.s32 s0, s17;
	s20 =	sadd.s32 s8, s1;
	[dreg:$0x8] =	wrdreg s23  }
0x15: {  	s25 =	sadd.s32 s3, s2;
	s26 =	smax.u32 s9, $0x1;
	[dreg:$0x9] =	wrdreg s12  }
0x16: {  	s2 =	simm.s32 $0x9390;
	s3 =	simm.s32 $0x93A0;
	[dreg:$0xa] =	wrdreg s14  }
0x17: {  	s8 =	simm.s32 $0x9330;
	s9 =	simm.s32 $0x93B0;
	[dreg:$0xb] =	wrdreg s10  }
0x18: {  	s15 =	simm.s32 $0x9360;
	s17 =	simm.s32 $0x9370;
	[dreg:$0xc] =	wrdreg s0  }
0x19: {  	s11 =	sadd.s32 s21, s1;
	s18 =	sshrl.u32 s16, $0x3;
	[dreg:$0xd] =	wrdreg s20  }
0x1a: {  	s23 =	sshll.u32 s16, $0x4;
	[dreg:$0x13] =	wrdreg s26;
	s26 =	simm.s32 $0x9000  }
0x1b: {  	s10 =	simm.s32 $0x9340;
	[dreg:$0x7] =	wrdreg s11;
	s21 =	sadd.s32 s4, s18  }
0x1c: {  	s12 =	simm.s32 $0x9350;
	s22 =	sadd.s32 s5, s18;
	[dreg:$0xe] =	wrdreg s21  }
0x1d: {  	s14 =	simm.s32 $0x93D0;
	s24 =	sadd.s32 s6, s23;
	[dreg:$0xf] =	wrdreg s22  }
0x1e: {  	s16 =	simm.s32 $0x93E0;
	s0 =	sadd.s32 s7, s23;
	[dreg:$0x10] =	wrdreg s24  }
0x1f: {  	s11 =	simm.s32 $0x93C0;
	s18 =	simm.s32 $0x93F0;
	[dreg:$0x11] =	wrdreg s0  }
0x20: {  	s0 =	sadd.s32 $0x16E00, s25;
	s25 =	simm.s32 $0x1;
	s24 =	simm.s32 $0x9310  }
0x21: {  	v0 =	vimm.f32 $0.0e+00;
	s21 =	simm.s32 $0x0;
	[dreg:$0x12] =	wrdreg s0;
	s0 =	simm.s32 $0x9320  }
.LBB2_1:
0x22: {  	[dreg:$0x14] =	wrdreg s21  }
0x23: {  	s20 =	rddreg [dreg:$0x4]  }
0x24: {  	[tilespmem:s19], [sflag:$0x1] =	stream.linear.gather [hbm4b:s20+s19], $0x4000, $0x38;
	[tilespmem:$0x1D400] =	vst v63  }
0x25: {  	_ =	swait.ge [sflag:s25], $0x4000  }
0x26: {  	[sflag:s25] =	ssyncset.done $0x0  }
0x27: {  	s21 =	rddreg [dreg:$0x5];
	[sflag:s25] =	ssyncadd.s32 $0xFFFFC000  }
0x28: {  	[spmem:s21] =	stream.linear.scatter [tilespmem:s19], [sflag:$0x1], $0x4000, $0x38;
	[tilespmem:$0x1D400] =	vst v63  }
0x29: {  	_ =	swait.ge [sflag:s25], $0x4000  }
0x2a: {  	[sflag:s25] =	ssyncset.done $0x0  }
0x2b: {  	s22 =	rddreg [dreg:$0x6];
	[sflag:s25] =	ssyncadd.s32 $0xFFFFC000  }
0x2c: {  	[tilespmem:s19], [sflag:$0x1] =	stream.linear.gather [hbm4b:s22+s19], $0x4000, $0x38;
	[tilespmem:$0x1D400] =	vst v63  }
0x2d: {  	_ =	swait.ge [sflag:s25], $0x4000  }
0x2e: {  	[sflag:s25] =	ssyncset.done $0x0  }
0x2f: {  	s23 =	rddreg [dreg:$0x7];
	[sflag:s25] =	ssyncadd.s32 $0xFFFFC000  }
0x30: {  	[spmem:s23] =	stream.linear.scatter [tilespmem:s19], [sflag:$0x1], $0x4000, $0x38;
	[tilespmem:$0x1D400] =	vst v63  }
0x31: {  	_ =	swait.ge [sflag:s25], $0x4000  }
0x32: {  	[sflag:s25] =	ssyncset.done $0x0  }
0x33: {  	s21 =	rddreg [dreg:$0x8];
	[sflag:s25] =	ssyncadd.s32 $0xFFFFC000  }
0x34: {  	[tilespmem:s19], [sflag:$0x1] =	stream.linear.gather [hbm4b:s21+s19], $0x4000, $0x38;
	[tilespmem:$0x1D400] =	vst v63  }
0x35: {  	_ =	swait.ge [sflag:s25], $0x4000  }
0x36: {  	[sflag:s25] =	ssyncset.done $0x0  }
0x37: {  	s22 =	rddreg [dreg:$0x9];
	[sflag:s25] =	ssyncadd.s32 $0xFFFFC000  }
0x38: {  	[spmem:s22] =	stream.linear.scatter [tilespmem:s19], [sflag:$0x1], $0x4000, $0x38;
	[tilespmem:$0x1D400] =	vst v63  }
0x39: {  	_ =	swait.ge [sflag:s25], $0x4000  }
0x3a: {  	[sflag:s25] =	ssyncset.done $0x0  }
0x3b: {  	s23 =	rddreg [dreg:$0xa];
	[sflag:s25] =	ssyncadd.s32 $0xFFFFC000  }
0x3c: {  	[tilespmem:s19], [sflag:$0x1] =	stream.linear.gather [hbm4b:s23+s19], $0x4000, $0x38;
	[tilespmem:$0x1D400] =	vst v63  }
0x3d: {  	_ =	swait.ge [sflag:s25], $0x4000  }
0x3e: {  	[sflag:s25] =	ssyncset.done $0x0  }
0x3f: {  	s21 =	rddreg [dreg:$0xb];
	[sflag:s25] =	ssyncadd.s32 $0xFFFFC000  }
0x40: {  	[spmem:s21] =	stream.linear.scatter [tilespmem:s19], [sflag:$0x1], $0x4000, $0x38;
	[tilespmem:$0x1D400] =	vst v63  }
0x41: {  	_ =	swait.ge [sflag:s25], $0x4000  }
0x42: {  	[sflag:s25] =	ssyncset.done $0x0  }
0x43: {  	s22 =	rddreg [dreg:$0xc];
	[sflag:s25] =	ssyncadd.s32 $0xFFFFC000  }
0x44: {  	[tilespmem:s19], [sflag:$0x1] =	stream.linear.gather [hbm4b:s22+s19], $0x4000, $0x38;
	[tilespmem:$0x1D400] =	vst v63  }
0x45: {  	_ =	swait.ge [sflag:s25], $0x4000  }
0x46: {  	[sflag:s25] =	ssyncset.done $0x0  }
0x47: {  	s23 =	rddreg [dreg:$0xd];
	[sflag:s25] =	ssyncadd.s32 $0xFFFFC000  }
0x48: {  	[spmem:s23] =	stream.linear.scatter [tilespmem:s19], [sflag:$0x1], $0x4000, $0x38;
	[tilespmem:$0x1D400] =	vst v63  }
0x49: {  	_ =	swait.ge [sflag:s25], $0x4000  }
0x4a: {  	[sflag:s25] =	ssyncset.done $0x0  }
0x4b: {  	[sflag:s25] =	ssyncadd.s32 $0xFFFFC000  }
0x4c: {  	[bflag:$0x0] =	sbarrier.arrive $0xFFFF  }
0x4d: {  	[tilespmem:$0x9200] =	vst v0  }
0x4e: {  	[tilespmem:$0x9210] =	vst v0  }
0x4f: {  	[tilespmem:$0x9220] =	vst v0  }
0x50: {  	[tilespmem:$0x9230] =	vst v0  }
0x51: {  	[tilespmem:$0x9240] =	vst v0  }
0x52: {  	[tilespmem:$0x9250] =	vst v0  }
0x53: {  	[tilespmem:$0x9260] =	vst v0  }
0x54: {  	[tilespmem:$0x9270] =	vst v0  }
0x55: {  	[tilespmem:$0x9280] =	vst v0  }
0x56: {  	[tilespmem:$0x9290] =	vst v0  }
0x57: {  	[tilespmem:$0x92A0] =	vst v0  }
0x58: {  	[tilespmem:$0x92B0] =	vst v0  }
0x59: {  	[tilespmem:$0x92C0] =	vst v0  }
0x5a: {  	[tilespmem:$0x92D0] =	vst v0  }
0x5b: {  	[tilespmem:$0x92E0] =	vst v0  }
0x5c: {  	[tilespmem:$0x92F0] =	vst v0  }
0x5d: {  	[tilespmem:$0x9300] =	vst v0  }
0x5e: {  	[tilespmem:$0x9310] =	vst v0  }
0x5f: {  	[tilespmem:$0x9320] =	vst v0  }
0x60: {  	[tilespmem:$0x9330] =	vst v0  }
0x61: {  	[tilespmem:$0x9340] =	vst v0  }
0x62: {  	[tilespmem:$0x9350] =	vst v0  }
0x63: {  	[tilespmem:$0x9360] =	vst v0  }
0x64: {  	[tilespmem:$0x9370] =	vst v0  }
0x65: {  	[tilespmem:$0x9380] =	vst v0  }
0x66: {  	[tilespmem:$0x9390] =	vst v0  }
0x67: {  	[tilespmem:$0x93A0] =	vst v0  }
0x68: {  	[tilespmem:$0x93B0] =	vst v0  }
0x69: {  	[tilespmem:$0x93C0] =	vst v0  }
0x6a: {  	[tilespmem:$0x93D0] =	vst v0  }
0x6b: {  	[tilespmem:$0x93E0] =	vst v0  }
0x6c: {  	s19 =	simm.s32 $0x0;
	[tilespmem:$0x93F0] =	vst v0  }
.LBB2_2:
0x6d: {  	s20 =	sshll.u32 s19, $0x7  }
0x6e: {  	s20 =	sadd.s32 s13, s20  }
0x6f: {  	s21 =	sshrl.u32 s20, $0x3  }
0x70: {  	s23 =	simm.s32 $0x0;
	s22 =	sadd.s32 s4, s21  }
0x71: {  	[tilespmem:s26], [sflag:$0x1] =	stream.linear.gather [hbm4b:s22+s23], $0x80, $0x38;
	[tilespmem:$0x1D400] =	vst v63  }
0x72: {  	_ =	swait.ge [sflag:s25], $0x80  }
0x73: {  	[sflag:s25] =	ssyncset.done $0x0  }
0x74: {  	s21 =	sadd.s32 s5, s21;
	[sflag:s25] =	ssyncadd.s32 $0xFFFFFF80  }
0x75: {  	[tilespmem:s28], [sflag:$0x1] =	stream.linear.gather [hbm4b:s21+s23], $0x80, $0x38;
	[tilespmem:$0x1D400] =	vst v63  }
0x76: {  	_ =	swait.ge [sflag:s25], $0x80  }
0x77: {  	[sflag:s25] =	ssyncset.done $0x0  }
0x78: {  	[sflag:s25] =	ssyncadd.s32 $0xFFFFFF80  }
0x79: {  	[tilespmem:s23], [sflag:$0x1] =	stream.indirect.gather [spmem:s1], $0x80, s26, s29, $0xb8;
	[tilespmem:$0x1D400] =	vst v63  }
0x7a: {  	_ =	swait.ge [sflag:s25], $0x4000  }
0x7b: {  	[sflag:s25] =	ssyncset.done $0x0  }
0x7c: {  	[sflag:s25] =	ssyncadd.s32 $0xFFFFC000  }
0x7d: {  	[tilespmem:s30], [sflag:$0x1] =	stream.indirect.gather [spmem:s1], $0x80, s28, s29, $0xb8;
	[tilespmem:$0x1D400] =	vst v63  }
0x7e: {  	_ =	swait.ge [sflag:s25], $0x4000  }
0x7f: {  	s20 =	sshll.u32 s20, $0x4;
	[sflag:s25] =	ssyncset.done $0x0  }
0x80: {  	s22 =	sadd.s32 s6, s20;
	[sflag:s25] =	ssyncadd.s32 $0xFFFFC000  }
0x81: {  	[hbm4b:s22+s23] =	stream.linear.scatter [tilespmem:s23], [sflag:$0x1], $0x4000, $0x38;
	[tilespmem:$0x1D400] =	vst v63  }
0x82: {  	_ =	swait.ge [sflag:s25], $0x4000  }
0x83: {  	[sflag:s25] =	ssyncset.done $0x0  }
0x84: {  	s20 =	sadd.s32 s7, s20;
	[sflag:s25] =	ssyncadd.s32 $0xFFFFC000  }
0x85: {  	[hbm4b:s20+s23] =	stream.linear.scatter [tilespmem:s30], [sflag:$0x1], $0x4000, $0x38;
	[tilespmem:$0x1D400] =	vst v63  }
0x86: {  	_ =	swait.ge [sflag:s25], $0x4000  }
0x87: {  	[sflag:s25] =	ssyncset.done $0x0  }
0x88: {  	s23 =	simm.s32 $0x0;
	[sflag:s25] =	ssyncadd.s32 $0xFFFFC000  }
0x89: {  	v2 =	vld [tilespmem:s23+$0x70]  }
0x8a: {  	v3 =	vld [tilespmem:s23+$0x0]  }
0x8b: {  	v14 =	vimm.f32 $0.0e+00;
	v4 =	vld [tilespmem:s23+$0x10]  }
0x8c: {  	v20 =	vimm.f32 $0.0e+00;
	v9 =	vimm.f32 $0.0e+00;
	v19 =	vimm.f32 $0.0e+00  }
0x8d: {  	v7 =	vimm.f32 $0.0e+00;
	v18 =	vimm.f32 $0.0e+00;
	v5 =	vimm.f32 $0.0e+00;
	v21 =	vld [tilespmem:s23+$0x20]  }
0x8e: {  	v13 =	vimm.f32 $0.0e+00;
	v10 =	vimm.f32 $0.0e+00;
	v6 =	vimm.f32 $0.0e+00;
	v17 =	vld [tilespmem:s23+$0x30]  }
0x8f: {  	v15 =	vld [tilespmem:s23+$0x40];
	v1 =	vadd.f32 v2, v14;
	v2 =	vmul.f32 v2, v2;
	v16 =	vadd.f32 v3, v14  }
0x90: {  	v11 =	vld [tilespmem:s23+$0x50];
	v23 =	vmul.f32 v3, v3;
	v12 =	vadd.f32 v4, v14;
	v22 =	vmul.f32 v4, v4  }
0x91: {  	s21 =	simm.s32 $0x400;
	s20 =	simm.s32 $0x80;
	v8 =	vld [tilespmem:s23+$0x60];
	v3 =	vimm.f32 $0.0e+00;
	v4 =	vimm.f32 $0.0e+00;
	v2 =	vadd.f32 v2, v14  }
.LBB2_3:
0x92: {  	p0 =	sne.s32 s21, $0xFE00;
	v24 =	vld [tilespmem:s20+$0x70];
	v14 =	vadd.f32 v21, v14;
	v20 =	vadd.f32 v23, v20;
	v21 =	vmul.f32 v21, v21  }
0x93: {  	v23 =	vld [tilespmem:s20+$0x0];
	v9 =	vadd.f32 v17, v9;
	v19 =	vadd.f32 v22, v19;
	v17 =	vmul.f32 v17, v17  }
0x94: {  	v22 =	vld [tilespmem:s20+$0x10];
	v7 =	vadd.f32 v15, v7;
	v18 =	vadd.f32 v21, v18;
	v15 =	vmul.f32 v15, v15  }
.Ltmp0:
0x95: {  	v21 =	vld [tilespmem:s20+$0x20];
	v5 =	vadd.f32 v11, v5;
	v13 =	vadd.f32 v17, v13;
	v11 =	vmul.f32 v11, v11;
	(pc) =	sbr.rel @p0 .LBB2_3-.Ltmp0, $4  }
0x96: {  	v17 =	vld [tilespmem:s20+$0x30];
	v3 =	vadd.f32 v8, v3;
	v10 =	vadd.f32 v15, v10;
	v8 =	vmul.f32 v8, v8  }
0x97: {  	v15 =	vld [tilespmem:s20+$0x40];
	v1 =	vadd.f32 v24, v1;
	v24 =	vmul.f32 v24, v24;
	v6 =	vadd.f32 v11, v6  }
0x98: {  	v11 =	vld [tilespmem:s20+$0x50];
	v16 =	vadd.f32 v23, v16;
	v23 =	vmul.f32 v23, v23;
	v4 =	vadd.f32 v8, v4  }
0x99: {  	v8 =	vld [tilespmem:s20+$0x60];
	s20 =	sshra.s32 s21, $0x2;
	s21 =	sadd.s32 $0x200, s21;
	v12 =	vadd.f32 v22, v12;
	v22 =	vmul.f32 v22, v22;
	v2 =	vadd.f32 v24, v2  }
0x9a: {  	v24 =	vld [tilespmem:s20+$0x0]  }
0x9b: {  	v25 =	vld [tilespmem:s20+$0x70]  }
0x9c: {  	v26 =	vld [tilespmem:s20+$0x10]  }
0x9d: {  	v27 =	vld [tilespmem:s20+$0x20]  }
0x9e: {  	v28 =	vld [tilespmem:s20+$0x30]  }
0x9f: {  	v20 =	vadd.f32 v23, v20;
	v23 =	vld [tilespmem:s20+$0x40];
	v29 =	vmul.f32 v24, v24  }
0xa0: {  	v14 =	vadd.f32 v21, v14;
	v21 =	vmul.f32 v21, v21;
	v62 =	vld [tilespmem:s20+$0x50];
	v16 =	vadd.f32 v24, v16  }
0xa1: {  	v19 =	vadd.f32 v22, v19;
	v22 =	vld [tilespmem:s20+$0x60];
	v63 =	vmul.f32 v26, v26;
	v20 =	vadd.f32 v29, v20  }
0xa2: {  	s21 =	simm.s32 $0x9280;
	v18 =	vadd.f32 v21, v18;
	v12 =	vadd.f32 v26, v12;
	[tilespmem:s31+$0x0] =	vst.add.f32.msk $0xffff, v16  }
0xa3: {  	s22 =	simm.s32 $0x9210;
	v16 =	vadd.f32 v63, v19;
	v19 =	vmul.f32 v17, v17;
	[tilespmem:s21+$0x0] =	vst.add.f32.msk $0xffff, v20;
	v20 =	vmul.f32 v27, v27  }
0xa4: {  	s23 =	simm.s32 $0x9290;
	v9 =	vadd.f32 v17, v9;
	v14 =	vadd.f32 v27, v14;
	v17 =	vmul.f32 v28, v28;
	[tilespmem:s22+$0x0] =	vst.add.f32.msk $0xffff, v12  }
0xa5: {  	v13 =	vadd.f32 v19, v13;
	s21 =	simm.s32 $0x9220;
	v12 =	vmul.f32 v15, v15;
	v18 =	vadd.f32 v20, v18;
	[tilespmem:s23+$0x0] =	vst.add.f32.msk $0xffff, v16  }
0xa6: {  	v7 =	vadd.f32 v15, v7;
	v9 =	vadd.f32 v28, v9;
	v15 =	vmul.f32 v11, v11;
	s22 =	simm.s32 $0x92A0;
	[tilespmem:s21+$0x0] =	vst.add.f32.msk $0xffff, v14  }
0xa7: {  	v13 =	vadd.f32 v17, v13;
	s23 =	simm.s32 $0x9230;
	v10 =	vadd.f32 v12, v10;
	v12 =	vmul.f32 v23, v23;
	[tilespmem:s22+$0x0] =	vst.add.f32.msk $0xffff, v18  }
0xa8: {  	v5 =	vadd.f32 v11, v5;
	v7 =	vadd.f32 v23, v7;
	v11 =	vmul.f32 v8, v8;
	s21 =	simm.s32 $0x92B0;
	[tilespmem:s23+$0x0] =	vst.add.f32.msk $0xffff, v9  }
0xa9: {  	v6 =	vadd.f32 v15, v6;
	s22 =	simm.s32 $0x9240;
	v9 =	vmul.f32 v62, v62;
	v10 =	vadd.f32 v12, v10;
	[tilespmem:s21+$0x0] =	vst.add.f32.msk $0xffff, v13  }
0xaa: {  	v3 =	vadd.f32 v8, v3;
	v5 =	vadd.f32 v62, v5;
	s23 =	simm.s32 $0x92C0;
	[tilespmem:s22+$0x0] =	vst.add.f32.msk $0xffff, v7  }
0xab: {  	v4 =	vadd.f32 v11, v4;
	s21 =	simm.s32 $0x9250;
	v7 =	vmul.f32 v22, v22;
	v6 =	vadd.f32 v9, v6;
	[tilespmem:s23+$0x0] =	vst.add.f32.msk $0xffff, v10  }
0xac: {  	v3 =	vadd.f32 v22, v3;
	s22 =	simm.s32 $0x92D0;
	[tilespmem:s21+$0x0] =	vst.add.f32.msk $0xffff, v5  }
0xad: {  	s23 =	simm.s32 $0x9260;
	v5 =	vmul.f32 v25, v25;
	v4 =	vadd.f32 v7, v4;
	[tilespmem:s22+$0x0] =	vst.add.f32.msk $0xffff, v6  }
0xae: {  	v1 =	vadd.f32 v25, v1;
	s21 =	simm.s32 $0x92E0;
	[tilespmem:s23+$0x0] =	vst.add.f32.msk $0xffff, v3  }
0xaf: {  	s22 =	simm.s32 $0x9270;
	v2 =	vadd.f32 v5, v2;
	[tilespmem:s21+$0x0] =	vst.add.f32.msk $0xffff, v4  }
0xb0: {  	s23 =	simm.s32 $0x92F0;
	[tilespmem:s22+$0x0] =	vst.add.f32.msk $0xffff, v1  }
0xb1: {  	s22 =	simm.s32 $0x0;
	[tilespmem:s23+$0x0] =	vst.add.f32.msk $0xffff, v2  }
0xb2: {  	v2 =	vld [tilespmem:s22+$0x4070]  }
0xb3: {  	v3 =	vld [tilespmem:s22+$0x4000]  }
0xb4: {  	v19 =	vimm.f32 $0.0e+00;
	v4 =	vld [tilespmem:s22+$0x4010]  }
0xb5: {  	v20 =	vimm.f32 $0.0e+00;
	v14 =	vimm.f32 $0.0e+00;
	v18 =	vimm.f32 $0.0e+00  }
0xb6: {  	v13 =	vimm.f32 $0.0e+00;
	v9 =	vimm.f32 $0.0e+00;
	v10 =	vimm.f32 $0.0e+00;
	v21 =	vld [tilespmem:s22+$0x4020]  }
0xb7: {  	v7 =	vimm.f32 $0.0e+00;
	v6 =	vimm.f32 $0.0e+00;
	v5 =	vimm.f32 $0.0e+00;
	v17 =	vld [tilespmem:s22+$0x4030]  }
0xb8: {  	v15 =	vld [tilespmem:s22+$0x4040];
	v1 =	vadd.f32 v2, v14;
	v2 =	vmul.f32 v2, v2;
	v16 =	vadd.f32 v3, v14  }
0xb9: {  	v11 =	vld [tilespmem:s22+$0x4050];
	v23 =	vmul.f32 v3, v3;
	v12 =	vadd.f32 v4, v14;
	v22 =	vmul.f32 v4, v4  }
0xba: {  	s20 =	simm.s32 $0x80;
	s21 =	simm.s32 $0x400;
	v8 =	vld [tilespmem:s22+$0x4060];
	v3 =	vimm.f32 $0.0e+00;
	v4 =	vimm.f32 $0.0e+00;
	v2 =	vadd.f32 v2, v14  }
.LBB2_5:
0xbb: {  	p0 =	sne.s32 s21, $0xFE00;
	v24 =	vld [tilespmem:s20+$0x4070];
	v14 =	vadd.f32 v21, v14;
	v20 =	vadd.f32 v23, v20;
	v21 =	vmul.f32 v21, v21  }
0xbc: {  	v23 =	vld [tilespmem:s20+$0x4000];
	v9 =	vadd.f32 v17, v9;
	v19 =	vadd.f32 v22, v19;
	v17 =	vmul.f32 v17, v17  }
0xbd: {  	v22 =	vld [tilespmem:s20+$0x4010];
	v7 =	vadd.f32 v15, v7;
	v18 =	vadd.f32 v21, v18;
	v15 =	vmul.f32 v15, v15  }
.Ltmp1:
0xbe: {  	v21 =	vld [tilespmem:s20+$0x4020];
	v5 =	vadd.f32 v11, v5;
	v13 =	vadd.f32 v17, v13;
	v11 =	vmul.f32 v11, v11;
	(pc) =	sbr.rel @p0 .LBB2_5-.Ltmp1, $4  }
0xbf: {  	v17 =	vld [tilespmem:s20+$0x4030];
	v3 =	vadd.f32 v8, v3;
	v10 =	vadd.f32 v15, v10;
	v8 =	vmul.f32 v8, v8  }
0xc0: {  	v15 =	vld [tilespmem:s20+$0x4040];
	v1 =	vadd.f32 v24, v1;
	v24 =	vmul.f32 v24, v24;
	v6 =	vadd.f32 v11, v6  }
0xc1: {  	v11 =	vld [tilespmem:s20+$0x4050];
	v16 =	vadd.f32 v23, v16;
	v23 =	vmul.f32 v23, v23;
	v4 =	vadd.f32 v8, v4  }
0xc2: {  	v8 =	vld [tilespmem:s20+$0x4060];
	s20 =	sshra.s32 s21, $0x2;
	s21 =	sadd.s32 $0x200, s21;
	v12 =	vadd.f32 v22, v12;
	v22 =	vmul.f32 v22, v22;
	v2 =	vadd.f32 v24, v2  }
0xc3: {  	v24 =	vld [tilespmem:s20+$0x4000]  }
0xc4: {  	v25 =	vld [tilespmem:s20+$0x4070]  }
0xc5: {  	v26 =	vld [tilespmem:s20+$0x4010]  }
0xc6: {  	v27 =	vld [tilespmem:s20+$0x4020]  }
0xc7: {  	v28 =	vld [tilespmem:s20+$0x4030]  }
0xc8: {  	v20 =	vadd.f32 v23, v20;
	v48 =	vld [tilespmem:s20+$0x4040];
	v29 =	vmul.f32 v24, v24  }
0xc9: {  	v49 =	vmul.f32 v21, v21;
	v50 =	vld [tilespmem:s20+$0x4050];
	v16 =	vadd.f32 v24, v16  }
0xca: {  	v51 =	vld [tilespmem:s20+$0x4060];
	s22 =	simm.s32 $0x9300;
	v19 =	vadd.f32 v22, v19;
	v52 =	vmul.f32 v26, v26;
	v20 =	vadd.f32 v29, v20  }
0xcb: {  	v14 =	vadd.f32 v21, v14;
	s23 =	simm.s32 $0x9380;
	v54 =	vmul.f32 v17, v17;
	v12 =	vadd.f32 v26, v12;
	[tilespmem:s22+$0x0] =	vst.add.f32.msk $0xffff, v16  }
0xcc: {  	v18 =	vadd.f32 v49, v18;
	v55 =	vmul.f32 v27, v27;
	v53 =	vadd.f32 v52, v19;
	[tilespmem:s23+$0x0] =	vst.add.f32.msk $0xffff, v20  }
0xcd: {  	v9 =	vadd.f32 v17, v9;
	v56 =	vmul.f32 v15, v15;
	v14 =	vadd.f32 v27, v14;
	[tilespmem:s24+$0x0] =	vst.add.f32.msk $0xffff, v12  }
0xce: {  	v13 =	vadd.f32 v54, v13;
	v57 =	vmul.f32 v28, v28;
	v18 =	vadd.f32 v55, v18;
	[tilespmem:s2+$0x0] =	vst.add.f32.msk $0xffff, v53  }
0xcf: {  	v7 =	vadd.f32 v15, v7;
	v58 =	vmul.f32 v11, v11;
	v9 =	vadd.f32 v28, v9;
	[tilespmem:s0+$0x0] =	vst.add.f32.msk $0xffff, v14  }
0xd0: {  	v10 =	vadd.f32 v56, v10;
	v59 =	vmul.f32 v48, v48;
	v13 =	vadd.f32 v57, v13;
	[tilespmem:s3+$0x0] =	vst.add.f32.msk $0xffff, v18  }
0xd1: {  	v5 =	vadd.f32 v11, v5;
	v60 =	vmul.f32 v8, v8;
	v7 =	vadd.f32 v48, v7;
	[tilespmem:s8+$0x0] =	vst.add.f32.msk $0xffff, v9  }
0xd2: {  	v6 =	vadd.f32 v58, v6;
	v61 =	vmul.f32 v50, v50;
	v10 =	vadd.f32 v59, v10;
	[tilespmem:s9+$0x0] =	vst.add.f32.msk $0xffff, v13  }
0xd3: {  	v3 =	vadd.f32 v8, v3;
	v5 =	vadd.f32 v50, v5;
	[tilespmem:s10+$0x0] =	vst.add.f32.msk $0xffff, v7  }
0xd4: {  	s19 =	sadd.s32 $0x1, s19;
	v62 =	vmul.f32 v51, v51;
	v4 =	vadd.f32 v60, v4;
	v6 =	vadd.f32 v61, v6;
	[tilespmem:s11+$0x0] =	vst.add.f32.msk $0xffff, v10  }
0xd5: {  	p0 =	sne.s32 s19, $0x4E;
	v3 =	vadd.f32 v51, v3;
	[tilespmem:s12+$0x0] =	vst.add.f32.msk $0xffff, v5  }
.Ltmp2:
0xd6: {  	v63 =	vmul.f32 v25, v25;
	v4 =	vadd.f32 v62, v4;
	[tilespmem:s14+$0x0] =	vst.add.f32.msk $0xffff, v6;
	(pc) =	sbr.rel @p0 .LBB2_2-.Ltmp2, $4  }
0xd7: {  	v1 =	vadd.f32 v25, v1;
	[tilespmem:s15+$0x0] =	vst.add.f32.msk $0xffff, v3  }
0xd8: {  	v2 =	vadd.f32 v63, v2;
	[tilespmem:s16+$0x0] =	vst.add.f32.msk $0xffff, v4  }
0xd9: {  	[tilespmem:s17+$0x0] =	vst.add.f32.msk $0xffff, v1  }
0xda: {  	[tilespmem:s18+$0x0] =	vst.add.f32.msk $0xffff, v2  }
0xdb: {  	s19 =	simm.s32 $0x0;
	s20 =	rddreg [dreg:$0xe];
	s21 =	simm.s32 $0x9100  }
0xdc: {  	[tilespmem:s21], [sflag:$0x1] =	stream.linear.gather [hbm4b:s20+s19], $0x10, $0x38;
	[tilespmem:$0x1D400] =	vst v63  }
0xdd: {  	_ =	swait.ge [sflag:s25], $0x10  }
0xde: {  	[sflag:s25] =	ssyncset.done $0x0  }
0xdf: {  	s22 =	simm.s32 $0x9180;
	s23 =	rddreg [dreg:$0xf];
	[sflag:s25] =	ssyncadd.s32 $0xFFFFFFF0  }
0xe0: {  	[tilespmem:s22], [sflag:$0x1] =	stream.linear.gather [hbm4b:s23+s19], $0x10, $0x38;
	[tilespmem:$0x1D400] =	vst v63  }
0xe1: {  	_ =	swait.ge [sflag:s25], $0x10  }
0xe2: {  	[sflag:s25] =	ssyncset.done $0x0  }
0xe3: {  	s20 =	simm.s32 $0x10;
	s23 =	simm.s32 $0x8000;
	[sflag:s25] =	ssyncadd.s32 $0xFFFFFFF0  }
0xe4: {  	[tilespmem:s23], [sflag:$0x1] =	stream.indirect.gather [spmem:s1], $0x80, s21, s20, $0xb8;
	[tilespmem:$0x1D400] =	vst v63  }
0xe5: {  	_ =	swait.ge [sflag:s25], $0x800  }
0xe6: {  	[sflag:s25] =	ssyncset.done $0x0  }
0xe7: {  	s21 =	simm.s32 $0x8800;
	[sflag:s25] =	ssyncadd.s32 $0xFFFFF800  }
0xe8: {  	[tilespmem:s21], [sflag:$0x1] =	stream.indirect.gather [spmem:s1], $0x80, s22, s20, $0xb8;
	[tilespmem:$0x1D400] =	vst v63  }
0xe9: {  	_ =	swait.ge [sflag:s25], $0x800  }
0xea: {  	[sflag:s25] =	ssyncset.done $0x0  }
0xeb: {  	s22 =	rddreg [dreg:$0x10];
	[sflag:s25] =	ssyncadd.s32 $0xFFFFF800  }
0xec: {  	[hbm4b:s22+s19] =	stream.linear.scatter [tilespmem:s23], [sflag:$0x1], $0x800, $0x38;
	[tilespmem:$0x1D400] =	vst v63  }
0xed: {  	_ =	swait.ge [sflag:s25], $0x800  }
0xee: {  	[sflag:s25] =	ssyncset.done $0x0  }
0xef: {  	s22 =	rddreg [dreg:$0x11];
	[sflag:s25] =	ssyncadd.s32 $0xFFFFF800  }
0xf0: {  	[hbm4b:s22+s19] =	stream.linear.scatter [tilespmem:s21], [sflag:$0x1], $0x800, $0x38;
	[tilespmem:$0x1D400] =	vst v63  }
0xf1: {  	_ =	swait.ge [sflag:s25], $0x800  }
0xf2: {  	[sflag:s25] =	ssyncset.done $0x0  }
0xf3: {  	s23 =	simm.s32 $0x0;
	[sflag:s25] =	ssyncadd.s32 $0xFFFFF800  }
0xf4: {  	v2 =	vld [tilespmem:s23+$0x8070]  }
0xf5: {  	v3 =	vld [tilespmem:s23+$0x8000]  }
0xf6: {  	v14 =	vimm.f32 $0.0e+00;
	v4 =	vld [tilespmem:s23+$0x8010]  }
0xf7: {  	v20 =	vimm.f32 $0.0e+00;
	v9 =	vimm.f32 $0.0e+00;
	v19 =	vimm.f32 $0.0e+00  }
0xf8: {  	v7 =	vimm.f32 $0.0e+00;
	v18 =	vimm.f32 $0.0e+00;
	v5 =	vimm.f32 $0.0e+00;
	v21 =	vld [tilespmem:s23+$0x8020]  }
0xf9: {  	v13 =	vimm.f32 $0.0e+00;
	v10 =	vimm.f32 $0.0e+00;
	v6 =	vimm.f32 $0.0e+00;
	v17 =	vld [tilespmem:s23+$0x8030]  }
0xfa: {  	v15 =	vld [tilespmem:s23+$0x8040];
	v1 =	vadd.f32 v2, v14;
	v2 =	vmul.f32 v2, v2;
	v16 =	vadd.f32 v3, v14  }
0xfb: {  	v11 =	vld [tilespmem:s23+$0x8050];
	v23 =	vmul.f32 v3, v3;
	v12 =	vadd.f32 v4, v14;
	v22 =	vmul.f32 v4, v4  }
0xfc: {  	s20 =	simm.s32 $0x400;
	s19 =	simm.s32 $0x80;
	v8 =	vld [tilespmem:s23+$0x8060];
	v3 =	vimm.f32 $0.0e+00;
	v4 =	vimm.f32 $0.0e+00;
	v2 =	vadd.f32 v2, v14  }
.LBB2_8:
0xfd: {  	p0 =	sne.s32 s20, $0x1E00;
	v24 =	vld [tilespmem:s19+$0x8070];
	v14 =	vadd.f32 v21, v14;
	v20 =	vadd.f32 v23, v20;
	v21 =	vmul.f32 v21, v21  }
0xfe: {  	v23 =	vld [tilespmem:s19+$0x8000];
	v9 =	vadd.f32 v17, v9;
	v19 =	vadd.f32 v22, v19;
	v17 =	vmul.f32 v17, v17  }
0xff: {  	v22 =	vld [tilespmem:s19+$0x8010];
	v7 =	vadd.f32 v15, v7;
	v18 =	vadd.f32 v21, v18;
	v15 =	vmul.f32 v15, v15  }
.Ltmp3:
0x100: {  	v21 =	vld [tilespmem:s19+$0x8020];
	v5 =	vadd.f32 v11, v5;
	v13 =	vadd.f32 v17, v13;
	v11 =	vmul.f32 v11, v11;
	(pc) =	sbr.rel @p0 .LBB2_8-.Ltmp3, $4  }
0x101: {  	v17 =	vld [tilespmem:s19+$0x8030];
	v3 =	vadd.f32 v8, v3;
	v10 =	vadd.f32 v15, v10;
	v8 =	vmul.f32 v8, v8  }
0x102: {  	v15 =	vld [tilespmem:s19+$0x8040];
	v1 =	vadd.f32 v24, v1;
	v24 =	vmul.f32 v24, v24;
	v6 =	vadd.f32 v11, v6  }
0x103: {  	v11 =	vld [tilespmem:s19+$0x8050];
	v16 =	vadd.f32 v23, v16;
	v23 =	vmul.f32 v23, v23;
	v4 =	vadd.f32 v8, v4  }
0x104: {  	v8 =	vld [tilespmem:s19+$0x8060];
	s19 =	sshra.s32 s20, $0x2;
	s20 =	sadd.s32 $0x200, s20;
	v12 =	vadd.f32 v22, v12;
	v22 =	vmul.f32 v22, v22;
	v2 =	vadd.f32 v24, v2  }
0x105: {  	v24 =	vld [tilespmem:s19+$0x8000]  }
0x106: {  	v25 =	vld [tilespmem:s19+$0x8070]  }
0x107: {  	v26 =	vld [tilespmem:s19+$0x8010]  }
0x108: {  	v27 =	vld [tilespmem:s19+$0x8020]  }
0x109: {  	v28 =	vld [tilespmem:s19+$0x8030]  }
0x10a: {  	v20 =	vadd.f32 v23, v20;
	v23 =	vld [tilespmem:s19+$0x8040];
	v29 =	vmul.f32 v24, v24  }
0x10b: {  	v14 =	vadd.f32 v21, v14;
	v21 =	vmul.f32 v21, v21;
	v62 =	vld [tilespmem:s19+$0x8050];
	v16 =	vadd.f32 v24, v16  }
0x10c: {  	v19 =	vadd.f32 v22, v19;
	v22 =	vld [tilespmem:s19+$0x8060];
	v63 =	vmul.f32 v26, v26;
	v20 =	vadd.f32 v29, v20  }
0x10d: {  	s21 =	simm.s32 $0x9280;
	v18 =	vadd.f32 v21, v18;
	v12 =	vadd.f32 v26, v12;
	[tilespmem:s31+$0x0] =	vst.add.f32.msk $0xffff, v16  }
0x10e: {  	s22 =	simm.s32 $0x9210;
	v16 =	vadd.f32 v63, v19;
	v19 =	vmul.f32 v17, v17;
	[tilespmem:s21+$0x0] =	vst.add.f32.msk $0xffff, v20;
	v20 =	vmul.f32 v27, v27  }
0x10f: {  	s23 =	simm.s32 $0x9290;
	v9 =	vadd.f32 v17, v9;
	v14 =	vadd.f32 v27, v14;
	v17 =	vmul.f32 v28, v28;
	[tilespmem:s22+$0x0] =	vst.add.f32.msk $0xffff, v12  }
0x110: {  	s20 =	simm.s32 $0x9220;
	v13 =	vadd.f32 v19, v13;
	v12 =	vmul.f32 v15, v15;
	v18 =	vadd.f32 v20, v18;
	[tilespmem:s23+$0x0] =	vst.add.f32.msk $0xffff, v16  }
0x111: {  	v7 =	vadd.f32 v15, v7;
	v9 =	vadd.f32 v28, v9;
	s21 =	simm.s32 $0x92A0;
	v15 =	vmul.f32 v11, v11;
	[tilespmem:s20+$0x0] =	vst.add.f32.msk $0xffff, v14  }
0x112: {  	s22 =	simm.s32 $0x9230;
	v13 =	vadd.f32 v17, v13;
	v10 =	vadd.f32 v12, v10;
	v12 =	vmul.f32 v23, v23;
	[tilespmem:s21+$0x0] =	vst.add.f32.msk $0xffff, v18  }
0x113: {  	v5 =	vadd.f32 v11, v5;
	v7 =	vadd.f32 v23, v7;
	v11 =	vmul.f32 v8, v8;
	s23 =	simm.s32 $0x92B0;
	[tilespmem:s22+$0x0] =	vst.add.f32.msk $0xffff, v9  }
0x114: {  	v6 =	vadd.f32 v15, v6;
	s20 =	simm.s32 $0x9240;
	v9 =	vmul.f32 v62, v62;
	v10 =	vadd.f32 v12, v10;
	[tilespmem:s23+$0x0] =	vst.add.f32.msk $0xffff, v13  }
0x115: {  	v3 =	vadd.f32 v8, v3;
	v5 =	vadd.f32 v62, v5;
	s21 =	simm.s32 $0x92C0;
	[tilespmem:s20+$0x0] =	vst.add.f32.msk $0xffff, v7  }
0x116: {  	v4 =	vadd.f32 v11, v4;
	s22 =	simm.s32 $0x9250;
	v7 =	vmul.f32 v22, v22;
	v6 =	vadd.f32 v9, v6;
	[tilespmem:s21+$0x0] =	vst.add.f32.msk $0xffff, v10  }
0x117: {  	v3 =	vadd.f32 v22, v3;
	s23 =	simm.s32 $0x92D0;
	[tilespmem:s22+$0x0] =	vst.add.f32.msk $0xffff, v5  }
0x118: {  	s20 =	simm.s32 $0x9260;
	v5 =	vmul.f32 v25, v25;
	v4 =	vadd.f32 v7, v4;
	[tilespmem:s23+$0x0] =	vst.add.f32.msk $0xffff, v6  }
0x119: {  	v1 =	vadd.f32 v25, v1;
	s21 =	simm.s32 $0x92E0;
	[tilespmem:s20+$0x0] =	vst.add.f32.msk $0xffff, v3  }
0x11a: {  	s22 =	simm.s32 $0x9270;
	v2 =	vadd.f32 v5, v2;
	[tilespmem:s21+$0x0] =	vst.add.f32.msk $0xffff, v4  }
0x11b: {  	s23 =	simm.s32 $0x92F0;
	[tilespmem:s22+$0x0] =	vst.add.f32.msk $0xffff, v1  }
0x11c: {  	s21 =	simm.s32 $0x0;
	[tilespmem:s23+$0x0] =	vst.add.f32.msk $0xffff, v2  }
0x11d: {  	v2 =	vld [tilespmem:s21+$0x8870]  }
0x11e: {  	v3 =	vld [tilespmem:s21+$0x8800]  }
0x11f: {  	v19 =	vimm.f32 $0.0e+00;
	v4 =	vld [tilespmem:s21+$0x8810]  }
0x120: {  	v20 =	vimm.f32 $0.0e+00;
	v14 =	vimm.f32 $0.0e+00;
	v18 =	vimm.f32 $0.0e+00  }
0x121: {  	v13 =	vimm.f32 $0.0e+00;
	v9 =	vimm.f32 $0.0e+00;
	v10 =	vimm.f32 $0.0e+00;
	v21 =	vld [tilespmem:s21+$0x8820]  }
0x122: {  	v7 =	vimm.f32 $0.0e+00;
	v6 =	vimm.f32 $0.0e+00;
	v5 =	vimm.f32 $0.0e+00;
	v17 =	vld [tilespmem:s21+$0x8830]  }
0x123: {  	v15 =	vld [tilespmem:s21+$0x8840];
	v1 =	vadd.f32 v2, v14;
	v2 =	vmul.f32 v2, v2;
	v16 =	vadd.f32 v3, v14  }
0x124: {  	v11 =	vld [tilespmem:s21+$0x8850];
	v23 =	vmul.f32 v3, v3;
	v12 =	vadd.f32 v4, v14;
	v22 =	vmul.f32 v4, v4  }
0x125: {  	s19 =	simm.s32 $0x80;
	s20 =	simm.s32 $0x400;
	v8 =	vld [tilespmem:s21+$0x8860];
	v3 =	vimm.f32 $0.0e+00;
	v4 =	vimm.f32 $0.0e+00;
	v2 =	vadd.f32 v2, v14  }
.LBB2_10:
0x126: {  	p0 =	sne.s32 s20, $0x1E00;
	v24 =	vld [tilespmem:s19+$0x8870];
	v14 =	vadd.f32 v21, v14;
	v20 =	vadd.f32 v23, v20;
	v21 =	vmul.f32 v21, v21  }
0x127: {  	v23 =	vld [tilespmem:s19+$0x8800];
	v9 =	vadd.f32 v17, v9;
	v19 =	vadd.f32 v22, v19;
	v17 =	vmul.f32 v17, v17  }
0x128: {  	v22 =	vld [tilespmem:s19+$0x8810];
	v7 =	vadd.f32 v15, v7;
	v18 =	vadd.f32 v21, v18;
	v15 =	vmul.f32 v15, v15  }
.Ltmp4:
0x129: {  	v21 =	vld [tilespmem:s19+$0x8820];
	v5 =	vadd.f32 v11, v5;
	v13 =	vadd.f32 v17, v13;
	v11 =	vmul.f32 v11, v11;
	(pc) =	sbr.rel @p0 .LBB2_10-.Ltmp4, $4  }
0x12a: {  	v17 =	vld [tilespmem:s19+$0x8830];
	v3 =	vadd.f32 v8, v3;
	v10 =	vadd.f32 v15, v10;
	v8 =	vmul.f32 v8, v8  }
0x12b: {  	v15 =	vld [tilespmem:s19+$0x8840];
	v1 =	vadd.f32 v24, v1;
	v24 =	vmul.f32 v24, v24;
	v6 =	vadd.f32 v11, v6  }
0x12c: {  	v11 =	vld [tilespmem:s19+$0x8850];
	v16 =	vadd.f32 v23, v16;
	v23 =	vmul.f32 v23, v23;
	v4 =	vadd.f32 v8, v4  }
0x12d: {  	v8 =	vld [tilespmem:s19+$0x8860];
	s19 =	sshra.s32 s20, $0x2;
	s20 =	sadd.s32 $0x200, s20;
	v12 =	vadd.f32 v22, v12;
	v22 =	vmul.f32 v22, v22;
	v2 =	vadd.f32 v24, v2  }
0x12e: {  	v24 =	vld [tilespmem:s19+$0x8800]  }
0x12f: {  	v25 =	vld [tilespmem:s19+$0x8870]  }
0x130: {  	v26 =	vld [tilespmem:s19+$0x8810]  }
0x131: {  	v27 =	vld [tilespmem:s19+$0x8820]  }
0x132: {  	v28 =	vld [tilespmem:s19+$0x8830]  }
0x133: {  	v20 =	vadd.f32 v23, v20;
	v48 =	vld [tilespmem:s19+$0x8840];
	v29 =	vmul.f32 v24, v24  }
0x134: {  	v49 =	vmul.f32 v21, v21;
	v50 =	vld [tilespmem:s19+$0x8850];
	v16 =	vadd.f32 v24, v16  }
0x135: {  	v51 =	vld [tilespmem:s19+$0x8860];
	s21 =	simm.s32 $0x9300;
	v19 =	vadd.f32 v22, v19;
	v52 =	vmul.f32 v26, v26;
	v20 =	vadd.f32 v29, v20  }
0x136: {  	v14 =	vadd.f32 v21, v14;
	s22 =	simm.s32 $0x9380;
	v54 =	vmul.f32 v17, v17;
	v12 =	vadd.f32 v26, v12;
	[tilespmem:s21+$0x0] =	vst.add.f32.msk $0xffff, v16  }
0x137: {  	v18 =	vadd.f32 v49, v18;
	v55 =	vmul.f32 v27, v27;
	v53 =	vadd.f32 v52, v19;
	[tilespmem:s22+$0x0] =	vst.add.f32.msk $0xffff, v20  }
0x138: {  	v9 =	vadd.f32 v17, v9;
	v56 =	vmul.f32 v15, v15;
	v14 =	vadd.f32 v27, v14;
	[tilespmem:s24+$0x0] =	vst.add.f32.msk $0xffff, v12  }
0x139: {  	v13 =	vadd.f32 v54, v13;
	v57 =	vmul.f32 v28, v28;
	v18 =	vadd.f32 v55, v18;
	[tilespmem:s2+$0x0] =	vst.add.f32.msk $0xffff, v53  }
0x13a: {  	v7 =	vadd.f32 v15, v7;
	v58 =	vmul.f32 v11, v11;
	v9 =	vadd.f32 v28, v9;
	[tilespmem:s0+$0x0] =	vst.add.f32.msk $0xffff, v14  }
0x13b: {  	v10 =	vadd.f32 v56, v10;
	v59 =	vmul.f32 v48, v48;
	v13 =	vadd.f32 v57, v13;
	[tilespmem:s3+$0x0] =	vst.add.f32.msk $0xffff, v18  }
0x13c: {  	v5 =	vadd.f32 v11, v5;
	v60 =	vmul.f32 v8, v8;
	v7 =	vadd.f32 v48, v7;
	[tilespmem:s8+$0x0] =	vst.add.f32.msk $0xffff, v9  }
0x13d: {  	v6 =	vadd.f32 v58, v6;
	v61 =	vmul.f32 v50, v50;
	v10 =	vadd.f32 v59, v10;
	[tilespmem:s9+$0x0] =	vst.add.f32.msk $0xffff, v13  }
0x13e: {  	v3 =	vadd.f32 v8, v3;
	v5 =	vadd.f32 v50, v5;
	[tilespmem:s10+$0x0] =	vst.add.f32.msk $0xffff, v7  }
0x13f: {  	v62 =	vmul.f32 v51, v51;
	v4 =	vadd.f32 v60, v4;
	v6 =	vadd.f32 v61, v6;
	[tilespmem:s11+$0x0] =	vst.add.f32.msk $0xffff, v10  }
0x140: {  	v3 =	vadd.f32 v51, v3;
	[tilespmem:s12+$0x0] =	vst.add.f32.msk $0xffff, v5  }
0x141: {  	v63 =	vmul.f32 v25, v25;
	v4 =	vadd.f32 v62, v4;
	[tilespmem:s14+$0x0] =	vst.add.f32.msk $0xffff, v6  }
0x142: {  	v1 =	vadd.f32 v25, v1;
	[tilespmem:s15+$0x0] =	vst.add.f32.msk $0xffff, v3  }
0x143: {  	v2 =	vadd.f32 v63, v2;
	[tilespmem:s16+$0x0] =	vst.add.f32.msk $0xffff, v4  }
0x144: {  	[tilespmem:s17+$0x0] =	vst.add.f32.msk $0xffff, v1  }
0x145: {  	s19 =	simm.s32 $0x0;
	s20 =	rddreg [dreg:$0x12];
	[tilespmem:s18+$0x0] =	vst.add.f32.msk $0xffff, v2  }
0x146: {  	[hbm4b:s20+s19] =	stream.linear.scatter [tilespmem:s31], [sflag:$0x1], $0x200, $0x38;
	[tilespmem:$0x1D400] =	vst v63  }
0x147: {  	_ =	swait.ge [sflag:s25], $0x200  }
0x148: {  	s21 =	rddreg [dreg:$0x14]  }
0x149: {  	s23 =	rddreg [dreg:$0x13];
	s21 =	sadd.s32 $0x1, s21  }
0x14a: {  	p0 =	sne.s32 s21, s23  }
.Ltmp5:
0x14b: {  	_ = 	snop;
	(pc) =	sbr.rel @p0 .LBB2_1-.Ltmp5, $3  }
0x14c: {  	_ =	sdelay $0x1  }
0x14d: {  	[sflag:s25] =	ssyncset.done $0x0  }
0x14e: {  	[sflag:s25] =	ssyncadd.s32 $0xFFFFFE00  }
0x14f: {  	_ =	sfence.sel $0x180000  }
0x150: {  	[bflag:$0x0] =	sbarrier.arrive $0xFFFF  }
0x151: {  	_ =	strace $0x9000004A  }
0x152: {  	s0 =	stileid.u32;
	[bflag:$0x2] =	sbarrier.arrive $0xFFFF  }
0x153: {  	p0 =	sne.s32 s0, $0x0;
	s0 =	rddreg [dreg:$0x3]  }
0x154: {  	s0 =	sadd.s32 @!p0 $0x100000, s0  }
0x155: {  	[sflag:s0] =	ssyncadd.tile.s32 @!p0 $0x1;
	_ =	shalt  }
.Lfunc_end2:
_tile_overlayer_lowered:
.L_overlay_start_2:
0x156: {  	(tag) =	ssettag $0x2  }
0x157: {  	s0 =	rddreg [dreg:$0x0];
	s2 =	stileid.u32  }
0x158: {  	s1 =	rddreg [dreg:$0x1];
	p0 =	sne.s32 s2, $0x0  }
0x159: {  	s3 =	rddreg [dreg:$0x2];
	[bflag:$0x3] =	sbarrier.arrive $0xFFFF;
	s2 =	simm.s32 @!p0 $0x1C01  }
0x15a: {  	[timem:s3], [sflag:s2] =	dma.local @!p0 [hbm:s0], s1  }
0x15b: {  	s0 =	simm.s32 @!p0 $0x1  }
0x15c: {  	_ =	swait.ge @!p0 [sflag:s0], s1  }
0x15d: {  	s1 =	ssub.s32 @!p0 $0x0, s1;
	[sflag:s0] =	ssyncset.done @!p0 $0x0  }
0x15e: {  	[sflag:s0] =	ssyncadd.s32 @!p0 s1  }
0x15f: {  	[bflag:$0x3] =	sbarrier.arrive $0xFFFF  }
0x160: {  	_ =	shalt  }

</sc_bundles>
